<compile_context>
chip_gen: v7x
topology: tpu7x:2x2x1
jax: 0.10.2.dev20260603
libtpu: 0.0.44.dev20260713+nightly
codegen_flags: <defaults>
</compile_context>

<pallas_src>
import jax
import jax.numpy as jnp
from jax import lax
from jax.experimental import pallas as pl
from jax.experimental.pallas import tpu as pltpu, tpu_sc as plsc

NUM_FACTORS = 16
BATCH = 16384
NC, NS = 2, 16
NW = NC * NS
BPW = BATCH // NW
G = 8


def _sc_body(users_hbm, movies_hbm, uft_hbm, mft_hbm, out_hbm,
             vidx_u, vidx_m, ublk, mblk, outv, sem_u, sem_m):
    wid = lax.axis_index("s") * NC + lax.axis_index("c")
    base = wid * BPW
    pltpu.sync_copy(users_hbm.at[pl.ds(base, BPW)], vidx_u)
    pltpu.sync_copy(movies_hbm.at[pl.ds(base, BPW)], vidx_m)

    def fire(i, half, slot):
        ivu = vidx_u[pl.ds(i * 16, 16)]
        ivm = vidx_m[pl.ds(i * 16, 16)]
        for t in range(G):
            e = half * G + t
            cu = pl.multiple_of((ivu[e] >> 7) * 128, 128)
            cm = pl.multiple_of((ivm[e] >> 7) * 128, 128)
            pltpu.async_copy(uft_hbm.at[:, pl.ds(cu, 128)],
                             ublk.at[slot, pl.ds(t * 16, 16), :], sem_u)
            pltpu.async_copy(mft_hbm.at[:, pl.ds(cm, 128)],
                             mblk.at[slot, pl.ds(t * 16, 16), :], sem_m)

    def drain():
        pltpu.make_async_copy(uft_hbm.at[:, pl.ds(0, G * 128)],
                              ublk.at[0], sem_u).wait()
        pltpu.make_async_copy(mft_hbm.at[:, pl.ds(0, G * 128)],
                              mblk.at[0], sem_m).wait()

    iota16 = lax.broadcasted_iota(jnp.int32, (NUM_FACTORS,), 0)
    dn = lax.GatherDimensionNumbers(
        offset_dims=(), collapsed_slice_dims=(0,), start_index_map=(0,))

    def perm(v, k):
        return lax.gather(v, (iota16 ^ k)[:, None], dn, slice_sizes=(1,),
                          mode=lax.GatherScatterMode.PROMISE_IN_BOUNDS)

    def compute(i, half, slot, acc):
        qu = vidx_u[pl.ds(i * 16, 16)] & 127
        qm = vidx_m[pl.ds(i * 16, 16)] & 127
        slot16 = jnp.broadcast_to(jnp.int32(slot), (16,))
        for t in range(G):
            e = half * G + t
            u = plsc.load_gather(
                ublk, [slot16, t * 16 + iota16,
                       jnp.broadcast_to(qu[e], (16,))])
            m = plsc.load_gather(
                mblk, [slot16, t * 16 + iota16,
                       jnp.broadcast_to(qm[e], (16,))])
            p = u * m
            for k in (1, 2, 4, 8):
                p = p + perm(p, k)
            acc = jnp.where(iota16 == e, p, acc)
        return acc

    NITER = BPW // 16

    def body(i, carry):
        fire(i, 1, 1)
        drain()
        acc = compute(i, 0, 0, jnp.zeros((NUM_FACTORS,), jnp.float32))

        @pl.when(i + 1 < NITER)
        def _():
            fire(i + 1, 0, 0)

        drain()
        acc = compute(i, 1, 1, acc)
        outv[pl.ds(i * 16, 16)] = acc
        return carry

    fire(0, 0, 0)
    lax.fori_loop(0, NITER, body, 0)
    pltpu.sync_copy(outv, out_hbm.at[pl.ds(base, BPW)])


def kernel(data, user_factors, movie_factors):
    users = data[:, 0]
    movies = data[:, 1]
    uf_t = user_factors.T
    mf_t = movie_factors.T
    mesh = plsc.VectorSubcoreMesh(core_axis_name="c", subcore_axis_name="s",
                                  num_cores=NC, num_subcores=NS)
    f = pl.kernel(
        _sc_body,
        out_type=jax.ShapeDtypeStruct((BATCH,), jnp.float32),
        mesh=mesh,
        scratch_types=[
            pltpu.VMEM((BPW,), jnp.int32),
            pltpu.VMEM((BPW,), jnp.int32),
            pltpu.VMEM((2, G * 16, 128), jnp.float32),
            pltpu.VMEM((2, G * 16, 128), jnp.float32),
            pltpu.VMEM((BPW,), jnp.float32),
            pltpu.SemaphoreType.DMA,
            pltpu.SemaphoreType.DMA,
        ],
        compiler_params=pltpu.CompilerParams(use_tc_tiling_on_sc=True, needs_layout_passes=False),
    )
    return f(users, movies, uf_t, mf_t)

# --- scband reference (transcript-rebuilt; emitter-appended) ---
"""Pipeline reference for scband-mfmodel-58025008169621 (READ-ONLY COPY).

The authoritative reference and input builder live on the scoring server;
editing this copy changes nothing except your own understanding.
"""

import jax, jax.numpy as jnp
import numpy as np

NUM_USERS = 1000000
NUM_MOVIES = 1000000
NUM_FACTORS = 16
BATCH = 16384

def setup_inputs(seed: int = 0) -> dict:
    key = jax.random.key(seed)
    k1, k2, k3 = jax.random.split(key, 3)
    data = jax.random.randint(k1, (BATCH, 2), 0, NUM_USERS, dtype=jnp.int64) if jax.config.jax_enable_x64 else jax.random.randint(k1, (BATCH, 2), 0, NUM_USERS, dtype=jnp.int32)
    user_factors = jax.random.uniform(k2, (NUM_USERS, NUM_FACTORS), dtype=jnp.float32, minval=0.0, maxval=0.05)
    movie_factors = jax.random.uniform(k3, (NUM_MOVIES, NUM_FACTORS), dtype=jnp.float32, minval=0.0, maxval=0.05)
    return {"data": data, "user_factors": user_factors, "movie_factors": movie_factors}

def reference(data, user_factors, movie_factors):
    users = data[:, 0]
    movies = data[:, 1]
    u = jnp.take(user_factors, users, axis=0)
    m = jnp.take(movie_factors, movies, axis=0)
    return (u * m).sum(axis=1)

if __name__ == "__main__":
    import jax
    _d = setup_inputs()
    print(jax.jit(kernel)(*tuple(_d.values())))

</pallas_src>

<mosaic_0001>
#map = affine_map<(d0, d1) -> (0)>
#map1 = affine_map<(d0, d1) -> (0, 0)>
module attributes {stable_mosaic.version = 14 : i64} {
  func.func @_sc_body(%arg0: i32, %arg1: i32, %arg2: memref<16384xi32, #tpu.memory_space<hbm>>, %arg3: memref<16384xi32, #tpu.memory_space<hbm>>, %arg4: memref<16x1000000xf32, #tpu.memory_space<hbm>>, %arg5: memref<16x1000000xf32, #tpu.memory_space<hbm>>, %arg6: memref<16384xf32, #tpu.memory_space<hbm>>, %arg7: memref<512xi32, #tpu.memory_space<vmem>>, %arg8: memref<512xi32, #tpu.memory_space<vmem>>, %arg9: memref<2x128x128xf32, #tpu.memory_space<vmem>>, %arg10: memref<2x128x128xf32, #tpu.memory_space<vmem>>, %arg11: memref<512xf32, #tpu.memory_space<vmem>>, %arg12: memref<!tpu.dma_semaphore, #tpu.memory_space<semaphore_mem>>, %arg13: memref<!tpu.dma_semaphore, #tpu.memory_space<semaphore_mem>>) attributes {dimension_semantics = [#tpu.dimension_semantics<core_parallel>, #tpu.dimension_semantics<subcore_parallel>], iteration_bounds = array<i64: 2, 16>, scalar_prefetch = 0 : i64, scratch_operands = 7 : i64, tpu.core_type = #tpu.core_type<sc_vector_subcore>, window_params = [{transform_indices = #map}, {transform_indices = #map}, {transform_indices = #map1}, {transform_indices = #map1}, {transform_indices = #map}]} {
    %mul3A = arith.constant 2 : i32
    %mul3A_0 = arith.muli %arg1, %mul3A : i32
    %add3A = arith.addi %mul3A_0, %arg0 : i32
    %mul3A_1 = arith.constant 512 : i32
    %mul3A_2 = arith.muli %add3A, %mul3A_1 : i32
    "tpu.region"() ({
      %run_scoped3A = tpu.sem_alloc : memref<!tpu.dma_semaphore, #tpu.memory_space<semaphore_mem>>
      %dma_start3A_326 = tpu.memref_slice %arg2[%mul3A_2] : memref<16384xi32, #tpu.memory_space<hbm>> -> memref<512xi32, #tpu.memory_space<hbm>>
      %dma_start3A_327 = tpu.memref_slice %arg2[%mul3A_2] : memref<16384xi32, #tpu.memory_space<hbm>> -> memref<512xi32, #tpu.memory_space<hbm>>
      tpu.enqueue_dma source(%dma_start3A_327 : memref<512xi32, #tpu.memory_space<hbm>>) target(%arg7 : memref<512xi32, #tpu.memory_space<vmem>>) target_semaphore(%run_scoped3A : memref<!tpu.dma_semaphore, #tpu.memory_space<semaphore_mem>>)
      %dma_wait3A = tpu.memref_slice %arg2[%mul3A_2] : memref<16384xi32, #tpu.memory_space<hbm>> -> memref<512xi32, #tpu.memory_space<hbm>>
      %dma_wait3A_328 = tpu.memref_slice %arg2[%mul3A_2] : memref<16384xi32, #tpu.memory_space<hbm>> -> memref<512xi32, #tpu.memory_space<hbm>>
      tpu.wait_dma2 semaphore(%run_scoped3A : memref<!tpu.dma_semaphore, #tpu.memory_space<semaphore_mem>>) src(%dma_wait3A_328 : memref<512xi32, #tpu.memory_space<hbm>>) dst(%arg7 : memref<512xi32, #tpu.memory_space<vmem>>)
      tpu.yield
    }) : () -> ()
    "tpu.region"() ({
      %run_scoped3A = tpu.sem_alloc : memref<!tpu.dma_semaphore, #tpu.memory_space<semaphore_mem>>
      %dma_start3A_326 = tpu.memref_slice %arg3[%mul3A_2] : memref<16384xi32, #tpu.memory_space<hbm>> -> memref<512xi32, #tpu.memory_space<hbm>>
      %dma_start3A_327 = tpu.memref_slice %arg3[%mul3A_2] : memref<16384xi32, #tpu.memory_space<hbm>> -> memref<512xi32, #tpu.memory_space<hbm>>
      tpu.enqueue_dma source(%dma_start3A_327 : memref<512xi32, #tpu.memory_space<hbm>>) target(%arg8 : memref<512xi32, #tpu.memory_space<vmem>>) target_semaphore(%run_scoped3A : memref<!tpu.dma_semaphore, #tpu.memory_space<semaphore_mem>>)
      %dma_wait3A = tpu.memref_slice %arg3[%mul3A_2] : memref<16384xi32, #tpu.memory_space<hbm>> -> memref<512xi32, #tpu.memory_space<hbm>>
      %dma_wait3A_328 = tpu.memref_slice %arg3[%mul3A_2] : memref<16384xi32, #tpu.memory_space<hbm>> -> memref<512xi32, #tpu.memory_space<hbm>>
      tpu.wait_dma2 semaphore(%run_scoped3A : memref<!tpu.dma_semaphore, #tpu.memory_space<semaphore_mem>>) src(%dma_wait3A_328 : memref<512xi32, #tpu.memory_space<hbm>>) dst(%arg8 : memref<512xi32, #tpu.memory_space<vmem>>)
      tpu.yield
    }) : () -> ()
    %iota3A = tpu.iota {dimensions = array<i32: 0>} : vector<16xi32>
    %get3A = arith.constant 0 : index
    %get3A_3 = tpu.vector_load %arg7[%get3A] {strides = array<i32>} : memref<512xi32, #tpu.memory_space<vmem>>, vector<16xi32>,
    %get3A_4 = arith.constant 0 : index
    %get3A_5 = tpu.vector_load %arg8[%get3A_4] {strides = array<i32>} : memref<512xi32, #tpu.memory_space<vmem>>, vector<16xi32>,
    %slice3A = vector.extract_strided_slice %get3A_3 {offsets = [0], sizes = [1], strides = [1]} : vector<16xi32> to vector<1xi32>
    %squeeze3A = vector.extract %slice3A[0] : i32 from vector<1xi32>
    %shift_right_arithmetic3A = arith.constant 7 : i32
    %shift_right_arithmetic3A_6 = arith.shrsi %squeeze3A, %shift_right_arithmetic3A : i32
    %mul3A_7 = arith.constant 128 : i32
    %mul3A_8 = arith.muli %shift_right_arithmetic3A_6, %mul3A_7 : i32
    %multiple_of3A = tpu.assume_multiple %mul3A_8, 128 : i32
    %slice3A_9 = vector.extract_strided_slice %get3A_5 {offsets = [0], sizes = [1], strides = [1]} : vector<16xi32> to vector<1xi32>
    %squeeze3A_10 = vector.extract %slice3A_9[0] : i32 from vector<1xi32>
    %shift_right_arithmetic3A_11 = arith.constant 7 : i32
    %shift_right_arithmetic3A_12 = arith.shrsi %squeeze3A_10, %shift_right_arithmetic3A_11 : i32
    %mul3A_13 = arith.constant 128 : i32
    %mul3A_14 = arith.muli %shift_right_arithmetic3A_12, %mul3A_13 : i32
    %multiple_of3A_15 = tpu.assume_multiple %mul3A_14, 128 : i32
    %dma_start3A = arith.constant 0 : i32
    %dma_start3A_16 = arith.constant 0 : i32
    %dma_start3A_17 = arith.constant 0 : i32
    %dma_start3A_18 = tpu.memref_slice %arg9[%dma_start3A, %dma_start3A_16, %dma_start3A_17] : memref<2x128x128xf32, #tpu.memory_space<vmem>> -> memref<1x16x128xf32, #tpu.memory_space<vmem>>
    %dma_start3A_19 = tpu.memref_squeeze %dma_start3A_18 : memref<1x16x128xf32, #tpu.memory_space<vmem>> -> memref<16x128xf32, #tpu.memory_space<vmem>>
    %dma_start3A_20 = arith.constant 0 : i32
    %dma_start3A_21 = tpu.memref_slice %arg4[%dma_start3A_20, %multiple_of3A] : memref<16x1000000xf32, #tpu.memory_space<hbm>> -> memref<16x128xf32, #tpu.memory_space<hbm>>
    %dma_start3A_22 = arith.constant 0 : i32
    %dma_start3A_23 = arith.constant 0 : i32
    %dma_start3A_24 = tpu.memref_slice %arg9[%dma_start3A, %dma_start3A_22, %dma_start3A_23] : memref<2x128x128xf32, #tpu.memory_space<vmem>> -> memref<1x16x128xf32, #tpu.memory_space<vmem>>
    %dma_start3A_25 = tpu.memref_squeeze %dma_start3A_24 : memref<1x16x128xf32, #tpu.memory_space<vmem>> -> memref<16x128xf32, #tpu.memory_space<vmem>>
    %dma_start3A_26 = arith.constant 0 : i32
    %dma_start3A_27 = tpu.memref_slice %arg4[%dma_start3A_26, %multiple_of3A] : memref<16x1000000xf32, #tpu.memory_space<hbm>> -> memref<16x128xf32, #tpu.memory_space<hbm>>
    tpu.enqueue_dma source(%dma_start3A_27 : memref<16x128xf32, #tpu.memory_space<hbm>>) target(%dma_start3A_25 : memref<16x128xf32, #tpu.memory_space<vmem>>) target_semaphore(%arg12 : memref<!tpu.dma_semaphore, #tpu.memory_space<semaphore_mem>>)
    %dma_start3A_28 = arith.constant 0 : i32
    %dma_start3A_29 = arith.constant 0 : i32
    %dma_start3A_30 = arith.constant 0 : i32
    %dma_start3A_31 = tpu.memref_slice %arg10[%dma_start3A_28, %dma_start3A_29, %dma_start3A_30] : memref<2x128x128xf32, #tpu.memory_space<vmem>> -> memref<1x16x128xf32, #tpu.memory_space<vmem>>
    %dma_start3A_32 = tpu.memref_squeeze %dma_start3A_31 : memref<1x16x128xf32, #tpu.memory_space<vmem>> -> memref<16x128xf32, #tpu.memory_space<vmem>>
    %dma_start3A_33 = arith.constant 0 : i32
    %dma_start3A_34 = tpu.memref_slice %arg5[%dma_start3A_33, %multiple_of3A_15] : memref<16x1000000xf32, #tpu.memory_space<hbm>> -> memref<16x128xf32, #tpu.memory_space<hbm>>
    %dma_start3A_35 = arith.constant 0 : i32
    %dma_start3A_36 = arith.constant 0 : i32
    %dma_start3A_37 = tpu.memref_slice %arg10[%dma_start3A_28, %dma_start3A_35, %dma_start3A_36] : memref<2x128x128xf32, #tpu.memory_space<vmem>> -> memref<1x16x128xf32, #tpu.memory_space<vmem>>
    %dma_start3A_38 = tpu.memref_squeeze %dma_start3A_37 : memref<1x16x128xf32, #tpu.memory_space<vmem>> -> memref<16x128xf32, #tpu.memory_space<vmem>>
    %dma_start3A_39 = arith.constant 0 : i32
    %dma_start3A_40 = tpu.memref_slice %arg5[%dma_start3A_39, %multiple_of3A_15] : memref<16x1000000xf32, #tpu.memory_space<hbm>> -> memref<16x128xf32, #tpu.memory_space<hbm>>
    tpu.enqueue_dma source(%dma_start3A_40 : memref<16x128xf32, #tpu.memory_space<hbm>>) target(%dma_start3A_38 : memref<16x128xf32, #tpu.memory_space<vmem>>) target_semaphore(%arg13 : memref<!tpu.dma_semaphore, #tpu.memory_space<semaphore_mem>>)
    %slice3A_41 = vector.extract_strided_slice %get3A_3 {offsets = [1], sizes = [1], strides = [1]} : vector<16xi32> to vector<1xi32>
    %squeeze3A_42 = vector.extract %slice3A_41[0] : i32 from vector<1xi32>
    %shift_right_arithmetic3A_43 = arith.constant 7 : i32
    %shift_right_arithmetic3A_44 = arith.shrsi %squeeze3A_42, %shift_right_arithmetic3A_43 : i32
    %mul3A_45 = arith.constant 128 : i32
    %mul3A_46 = arith.muli %shift_right_arithmetic3A_44, %mul3A_45 : i32
    %multiple_of3A_47 = tpu.assume_multiple %mul3A_46, 128 : i32
    %slice3A_48 = vector.extract_strided_slice %get3A_5 {offsets = [1], sizes = [1], strides = [1]} : vector<16xi32> to vector<1xi32>
    %squeeze3A_49 = vector.extract %slice3A_48[0] : i32 from vector<1xi32>
    %shift_right_arithmetic3A_50 = arith.constant 7 : i32
    %shift_right_arithmetic3A_51 = arith.shrsi %squeeze3A_49, %shift_right_arithmetic3A_50 : i32
    %mul3A_52 = arith.constant 128 : i32
    %mul3A_53 = arith.muli %shift_right_arithmetic3A_51, %mul3A_52 : i32
    %multiple_of3A_54 = tpu.assume_multiple %mul3A_53, 128 : i32
    %dma_start3A_55 = arith.constant 0 : i32
    %dma_start3A_56 = arith.constant 16 : i32
    %dma_start3A_57 = arith.constant 0 : i32
    %dma_start3A_58 = tpu.memref_slice %arg9[%dma_start3A_55, %dma_start3A_56, %dma_start3A_57] : memref<2x128x128xf32, #tpu.memory_space<vmem>> -> memref<1x16x128xf32, #tpu.memory_space<vmem>>
    %dma_start3A_59 = tpu.memref_squeeze %dma_start3A_58 : memref<1x16x128xf32, #tpu.memory_space<vmem>> -> memref<16x128xf32, #tpu.memory_space<vmem>>
    %dma_start3A_60 = arith.constant 0 : i32
    %dma_start3A_61 = tpu.memref_slice %arg4[%dma_start3A_60, %multiple_of3A_47] : memref<16x1000000xf32, #tpu.memory_space<hbm>> -> memref<16x128xf32, #tpu.memory_space<hbm>>
    %dma_start3A_62 = arith.constant 16 : i32
    %dma_start3A_63 = arith.constant 0 : i32
    %dma_start3A_64 = tpu.memref_slice %arg9[%dma_start3A_55, %dma_start3A_62, %dma_start3A_63] : memref<2x128x128xf32, #tpu.memory_space<vmem>> -> memref<1x16x128xf32, #tpu.memory_space<vmem>>
    %dma_start3A_65 = tpu.memref_squeeze %dma_start3A_64 : memref<1x16x128xf32, #tpu.memory_space<vmem>> -> memref<16x128xf32, #tpu.memory_space<vmem>>
    %dma_start3A_66 = arith.constant 0 : i32
    %dma_start3A_67 = tpu.memref_slice %arg4[%dma_start3A_66, %multiple_of3A_47] : memref<16x1000000xf32, #tpu.memory_space<hbm>> -> memref<16x128xf32, #tpu.memory_space<hbm>>
    tpu.enqueue_dma source(%dma_start3A_67 : memref<16x128xf32, #tpu.memory_space<hbm>>) target(%dma_start3A_65 : memref<16x128xf32, #tpu.memory_space<vmem>>) target_semaphore(%arg12 : memref<!tpu.dma_semaphore, #tpu.memory_space<semaphore_mem>>)
    %dma_start3A_68 = arith.constant 0 : i32
    %dma_start3A_69 = arith.constant 16 : i32
    %dma_start3A_70 = arith.constant 0 : i32
    %dma_start3A_71 = tpu.memref_slice %arg10[%dma_start3A_68, %dma_start3A_69, %dma_start3A_70] : memref<2x128x128xf32, #tpu.memory_space<vmem>> -> memref<1x16x128xf32, #tpu.memory_space<vmem>>
    %dma_start3A_72 = tpu.memref_squeeze %dma_start3A_71 : memref<1x16x128xf32, #tpu.memory_space<vmem>> -> memref<16x128xf32, #tpu.memory_space<vmem>>
    %dma_start3A_73 = arith.constant 0 : i32
    %dma_start3A_74 = tpu.memref_slice %arg5[%dma_start3A_73, %multiple_of3A_54] : memref<16x1000000xf32, #tpu.memory_space<hbm>> -> memref<16x128xf32, #tpu.memory_space<hbm>>
    %dma_start3A_75 = arith.constant 16 : i32
    %dma_start3A_76 = arith.constant 0 : i32
    %dma_start3A_77 = tpu.memref_slice %arg10[%dma_start3A_68, %dma_start3A_75, %dma_start3A_76] : memref<2x128x128xf32, #tpu.memory_space<vmem>> -> memref<1x16x128xf32, #tpu.memory_space<vmem>>
    %dma_start3A_78 = tpu.memref_squeeze %dma_start3A_77 : memref<1x16x128xf32, #tpu.memory_space<vmem>> -> memref<16x128xf32, #tpu.memory_space<vmem>>
    %dma_start3A_79 = arith.constant 0 : i32
    %dma_start3A_80 = tpu.memref_slice %arg5[%dma_start3A_79, %multiple_of3A_54] : memref<16x1000000xf32, #tpu.memory_space<hbm>> -> memref<16x128xf32, #tpu.memory_space<hbm>>
    tpu.enqueue_dma source(%dma_start3A_80 : memref<16x128xf32, #tpu.memory_space<hbm>>) target(%dma_start3A_78 : memref<16x128xf32, #tpu.memory_space<vmem>>) target_semaphore(%arg13 : memref<!tpu.dma_semaphore, #tpu.memory_space<semaphore_mem>>)
    %slice3A_81 = vector.extract_strided_slice %get3A_3 {offsets = [2], sizes = [1], strides = [1]} : vector<16xi32> to vector<1xi32>
    %squeeze3A_82 = vector.extract %slice3A_81[0] : i32 from vector<1xi32>
    %shift_right_arithmetic3A_83 = arith.constant 7 : i32
    %shift_right_arithmetic3A_84 = arith.shrsi %squeeze3A_82, %shift_right_arithmetic3A_83 : i32
    %mul3A_85 = arith.constant 128 : i32
    %mul3A_86 = arith.muli %shift_right_arithmetic3A_84, %mul3A_85 : i32
    %multiple_of3A_87 = tpu.assume_multiple %mul3A_86, 128 : i32
    %slice3A_88 = vector.extract_strided_slice %get3A_5 {offsets = [2], sizes = [1], strides = [1]} : vector<16xi32> to vector<1xi32>
    %squeeze3A_89 = vector.extract %slice3A_88[0] : i32 from vector<1xi32>
    %shift_right_arithmetic3A_90 = arith.constant 7 : i32
    %shift_right_arithmetic3A_91 = arith.shrsi %squeeze3A_89, %shift_right_arithmetic3A_90 : i32
    %mul3A_92 = arith.constant 128 : i32
    %mul3A_93 = arith.muli %shift_right_arithmetic3A_91, %mul3A_92 : i32
    %multiple_of3A_94 = tpu.assume_multiple %mul3A_93, 128 : i32
    %dma_start3A_95 = arith.constant 0 : i32
    %dma_start3A_96 = arith.constant 32 : i32
    %dma_start3A_97 = arith.constant 0 : i32
    %dma_start3A_98 = tpu.memref_slice %arg9[%dma_start3A_95, %dma_start3A_96, %dma_start3A_97] : memref<2x128x128xf32, #tpu.memory_space<vmem>> -> memref<1x16x128xf32, #tpu.memory_space<vmem>>
    %dma_start3A_99 = tpu.memref_squeeze %dma_start3A_98 : memref<1x16x128xf32, #tpu.memory_space<vmem>> -> memref<16x128xf32, #tpu.memory_space<vmem>>
    %dma_start3A_100 = arith.constant 0 : i32
    %dma_start3A_101 = tpu.memref_slice %arg4[%dma_start3A_100, %multiple_of3A_87] : memref<16x1000000xf32, #tpu.memory_space<hbm>> -> memref<16x128xf32, #tpu.memory_space<hbm>>
    %dma_start3A_102 = arith.constant 32 : i32
    %dma_start3A_103 = arith.constant 0 : i32
    %dma_start3A_104 = tpu.memref_slice %arg9[%dma_start3A_95, %dma_start3A_102, %dma_start3A_103] : memref<2x128x128xf32, #tpu.memory_space<vmem>> -> memref<1x16x128xf32, #tpu.memory_space<vmem>>
    %dma_start3A_105 = tpu.memref_squeeze %dma_start3A_104 : memref<1x16x128xf32, #tpu.memory_space<vmem>> -> memref<16x128xf32, #tpu.memory_space<vmem>>
    %dma_start3A_106 = arith.constant 0 : i32
    %dma_start3A_107 = tpu.memref_slice %arg4[%dma_start3A_106, %multiple_of3A_87] : memref<16x1000000xf32, #tpu.memory_space<hbm>> -> memref<16x128xf32, #tpu.memory_space<hbm>>
    tpu.enqueue_dma source(%dma_start3A_107 : memref<16x128xf32, #tpu.memory_space<hbm>>) target(%dma_start3A_105 : memref<16x128xf32, #tpu.memory_space<vmem>>) target_semaphore(%arg12 : memref<!tpu.dma_semaphore, #tpu.memory_space<semaphore_mem>>)
    %dma_start3A_108 = arith.constant 0 : i32
    %dma_start3A_109 = arith.constant 32 : i32
    %dma_start3A_110 = arith.constant 0 : i32
    %dma_start3A_111 = tpu.memref_slice %arg10[%dma_start3A_108, %dma_start3A_109, %dma_start3A_110] : memref<2x128x128xf32, #tpu.memory_space<vmem>> -> memref<1x16x128xf32, #tpu.memory_space<vmem>>
    %dma_start3A_112 = tpu.memref_squeeze %dma_start3A_111 : memref<1x16x128xf32, #tpu.memory_space<vmem>> -> memref<16x128xf32, #tpu.memory_space<vmem>>
    %dma_start3A_113 = arith.constant 0 : i32
    %dma_start3A_114 = tpu.memref_slice %arg5[%dma_start3A_113, %multiple_of3A_94] : memref<16x1000000xf32, #tpu.memory_space<hbm>> -> memref<16x128xf32, #tpu.memory_space<hbm>>
    %dma_start3A_115 = arith.constant 32 : i32
    %dma_start3A_116 = arith.constant 0 : i32
    %dma_start3A_117 = tpu.memref_slice %arg10[%dma_start3A_108, %dma_start3A_115, %dma_start3A_116] : memref<2x128x128xf32, #tpu.memory_space<vmem>> -> memref<1x16x128xf32, #tpu.memory_space<vmem>>
    %dma_start3A_118 = tpu.memref_squeeze %dma_start3A_117 : memref<1x16x128xf32, #tpu.memory_space<vmem>> -> memref<16x128xf32, #tpu.memory_space<vmem>>
    %dma_start3A_119 = arith.constant 0 : i32
    %dma_start3A_120 = tpu.memref_slice %arg5[%dma_start3A_119, %multiple_of3A_94] : memref<16x1000000xf32, #tpu.memory_space<hbm>> -> memref<16x128xf32, #tpu.memory_space<hbm>>
    tpu.enqueue_dma source(%dma_start3A_120 : memref<16x128xf32, #tpu.memory_space<hbm>>) target(%dma_start3A_118 : memref<16x128xf32, #tpu.memory_space<vmem>>) target_semaphore(%arg13 : memref<!tpu.dma_semaphore, #tpu.memory_space<semaphore_mem>>)
    %slice3A_121 = vector.extract_strided_slice %get3A_3 {offsets = [3], sizes = [1], strides = [1]} : vector<16xi32> to vector<1xi32>
    %squeeze3A_122 = vector.extract %slice3A_121[0] : i32 from vector<1xi32>
    %shift_right_arithmetic3A_123 = arith.constant 7 : i32
    %shift_right_arithmetic3A_124 = arith.shrsi %squeeze3A_122, %shift_right_arithmetic3A_123 : i32
    %mul3A_125 = arith.constant 128 : i32
    %mul3A_126 = arith.muli %shift_right_arithmetic3A_124, %mul3A_125 : i32
    %multiple_of3A_127 = tpu.assume_multiple %mul3A_126, 128 : i32
    %slice3A_128 = vector.extract_strided_slice %get3A_5 {offsets = [3], sizes = [1], strides = [1]} : vector<16xi32> to vector<1xi32>
    %squeeze3A_129 = vector.extract %slice3A_128[0] : i32 from vector<1xi32>
    %shift_right_arithmetic3A_130 = arith.constant 7 : i32
    %shift_right_arithmetic3A_131 = arith.shrsi %squeeze3A_129, %shift_right_arithmetic3A_130 : i32
    %mul3A_132 = arith.constant 128 : i32
    %mul3A_133 = arith.muli %shift_right_arithmetic3A_131, %mul3A_132 : i32
    %multiple_of3A_134 = tpu.assume_multiple %mul3A_133, 128 : i32
    %dma_start3A_135 = arith.constant 0 : i32
    %dma_start3A_136 = arith.constant 48 : i32
    %dma_start3A_137 = arith.constant 0 : i32
    %dma_start3A_138 = tpu.memref_slice %arg9[%dma_start3A_135, %dma_start3A_136, %dma_start3A_137] : memref<2x128x128xf32, #tpu.memory_space<vmem>> -> memref<1x16x128xf32, #tpu.memory_space<vmem>>
    %dma_start3A_139 = tpu.memref_squeeze %dma_start3A_138 : memref<1x16x128xf32, #tpu.memory_space<vmem>> -> memref<16x128xf32, #tpu.memory_space<vmem>>
    %dma_start3A_140 = arith.constant 0 : i32
    %dma_start3A_141 = tpu.memref_slice %arg4[%dma_start3A_140, %multiple_of3A_127] : memref<16x1000000xf32, #tpu.memory_space<hbm>> -> memref<16x128xf32, #tpu.memory_space<hbm>>
    %dma_start3A_142 = arith.constant 48 : i32
    %dma_start3A_143 = arith.constant 0 : i32
    %dma_start3A_144 = tpu.memref_slice %arg9[%dma_start3A_135, %dma_start3A_142, %dma_start3A_143] : memref<2x128x128xf32, #tpu.memory_space<vmem>> -> memref<1x16x128xf32, #tpu.memory_space<vmem>>
    %dma_start3A_145 = tpu.memref_squeeze %dma_start3A_144 : memref<1x16x128xf32, #tpu.memory_space<vmem>> -> memref<16x128xf32, #tpu.memory_space<vmem>>
    %dma_start3A_146 = arith.constant 0 : i32
    %dma_start3A_147 = tpu.memref_slice %arg4[%dma_start3A_146, %multiple_of3A_127] : memref<16x1000000xf32, #tpu.memory_space<hbm>> -> memref<16x128xf32, #tpu.memory_space<hbm>>
    tpu.enqueue_dma source(%dma_start3A_147 : memref<16x128xf32, #tpu.memory_space<hbm>>) target(%dma_start3A_145 : memref<16x128xf32, #tpu.memory_space<vmem>>) target_semaphore(%arg12 : memref<!tpu.dma_semaphore, #tpu.memory_space<semaphore_mem>>)
    %dma_start3A_148 = arith.constant 0 : i32
    %dma_start3A_149 = arith.constant 48 : i32
    %dma_start3A_150 = arith.constant 0 : i32
    %dma_start3A_151 = tpu.memref_slice %arg10[%dma_start3A_148, %dma_start3A_149, %dma_start3A_150] : memref<2x128x128xf32, #tpu.memory_space<vmem>> -> memref<1x16x128xf32, #tpu.memory_space<vmem>>
    %dma_start3A_152 = tpu.memref_squeeze %dma_start3A_151 : memref<1x16x128xf32, #tpu.memory_space<vmem>> -> memref<16x128xf32, #tpu.memory_space<vmem>>
    %dma_start3A_153 = arith.constant 0 : i32
    %dma_start3A_154 = tpu.memref_slice %arg5[%dma_start3A_153, %multiple_of3A_134] : memref<16x1000000xf32, #tpu.memory_space<hbm>> -> memref<16x128xf32, #tpu.memory_space<hbm>>
    %dma_start3A_155 = arith.constant 48 : i32
    %dma_start3A_156 = arith.constant 0 : i32
    %dma_start3A_157 = tpu.memref_slice %arg10[%dma_start3A_148, %dma_start3A_155, %dma_start3A_156] : memref<2x128x128xf32, #tpu.memory_space<vmem>> -> memref<1x16x128xf32, #tpu.memory_space<vmem>>
    %dma_start3A_158 = tpu.memref_squeeze %dma_start3A_157 : memref<1x16x128xf32, #tpu.memory_space<vmem>> -> memref<16x128xf32, #tpu.memory_space<vmem>>
    %dma_start3A_159 = arith.constant 0 : i32
    %dma_start3A_160 = tpu.memref_slice %arg5[%dma_start3A_159, %multiple_of3A_134] : memref<16x1000000xf32, #tpu.memory_space<hbm>> -> memref<16x128xf32, #tpu.memory_space<hbm>>
    tpu.enqueue_dma source(%dma_start3A_160 : memref<16x128xf32, #tpu.memory_space<hbm>>) target(%dma_start3A_158 : memref<16x128xf32, #tpu.memory_space<vmem>>) target_semaphore(%arg13 : memref<!tpu.dma_semaphore, #tpu.memory_space<semaphore_mem>>)
    %slice3A_161 = vector.extract_strided_slice %get3A_3 {offsets = [4], sizes = [1], strides = [1]} : vector<16xi32> to vector<1xi32>
    %squeeze3A_162 = vector.extract %slice3A_161[0] : i32 from vector<1xi32>
    %shift_right_arithmetic3A_163 = arith.constant 7 : i32
    %shift_right_arithmetic3A_164 = arith.shrsi %squeeze3A_162, %shift_right_arithmetic3A_163 : i32
    %mul3A_165 = arith.constant 128 : i32
    %mul3A_166 = arith.muli %shift_right_arithmetic3A_164, %mul3A_165 : i32
    %multiple_of3A_167 = tpu.assume_multiple %mul3A_166, 128 : i32
    %slice3A_168 = vector.extract_strided_slice %get3A_5 {offsets = [4], sizes = [1], strides = [1]} : vector<16xi32> to vector<1xi32>
    %squeeze3A_169 = vector.extract %slice3A_168[0] : i32 from vector<1xi32>
    %shift_right_arithmetic3A_170 = arith.constant 7 : i32
    %shift_right_arithmetic3A_171 = arith.shrsi %squeeze3A_169, %shift_right_arithmetic3A_170 : i32
    %mul3A_172 = arith.constant 128 : i32
    %mul3A_173 = arith.muli %shift_right_arithmetic3A_171, %mul3A_172 : i32
    %multiple_of3A_174 = tpu.assume_multiple %mul3A_173, 128 : i32
    %dma_start3A_175 = arith.constant 0 : i32
    %dma_start3A_176 = arith.constant 64 : i32
    %dma_start3A_177 = arith.constant 0 : i32
    %dma_start3A_178 = tpu.memref_slice %arg9[%dma_start3A_175, %dma_start3A_176, %dma_start3A_177] : memref<2x128x128xf32, #tpu.memory_space<vmem>> -> memref<1x16x128xf32, #tpu.memory_space<vmem>>
    %dma_start3A_179 = tpu.memref_squeeze %dma_start3A_178 : memref<1x16x128xf32, #tpu.memory_space<vmem>> -> memref<16x128xf32, #tpu.memory_space<vmem>>
    %dma_start3A_180 = arith.constant 0 : i32
    %dma_start3A_181 = tpu.memref_slice %arg4[%dma_start3A_180, %multiple_of3A_167] : memref<16x1000000xf32, #tpu.memory_space<hbm>> -> memref<16x128xf32, #tpu.memory_space<hbm>>
    %dma_start3A_182 = arith.constant 64 : i32
    %dma_start3A_183 = arith.constant 0 : i32
    %dma_start3A_184 = tpu.memref_slice %arg9[%dma_start3A_175, %dma_start3A_182, %dma_start3A_183] : memref<2x128x128xf32, #tpu.memory_space<vmem>> -> memref<1x16x128xf32, #tpu.memory_space<vmem>>
    %dma_start3A_185 = tpu.memref_squeeze %dma_start3A_184 : memref<1x16x128xf32, #tpu.memory_space<vmem>> -> memref<16x128xf32, #tpu.memory_space<vmem>>
    %dma_start3A_186 = arith.constant 0 : i32
    %dma_start3A_187 = tpu.memref_slice %arg4[%dma_start3A_186, %multiple_of3A_167] : memref<16x1000000xf32, #tpu.memory_space<hbm>> -> memref<16x128xf32, #tpu.memory_space<hbm>>
    tpu.enqueue_dma source(%dma_start3A_187 : memref<16x128xf32, #tpu.memory_space<hbm>>) target(%dma_start3A_185 : memref<16x128xf32, #tpu.memory_space<vmem>>) target_semaphore(%arg12 : memref<!tpu.dma_semaphore, #tpu.memory_space<semaphore_mem>>)
    %dma_start3A_188 = arith.constant 0 : i32
    %dma_start3A_189 = arith.constant 64 : i32
    %dma_start3A_190 = arith.constant 0 : i32
    %dma_start3A_191 = tpu.memref_slice %arg10[%dma_start3A_188, %dma_start3A_189, %dma_start3A_190] : memref<2x128x128xf32, #tpu.memory_space<vmem>> -> memref<1x16x128xf32, #tpu.memory_space<vmem>>
    %dma_start3A_192 = tpu.memref_squeeze %dma_start3A_191 : memref<1x16x128xf32, #tpu.memory_space<vmem>> -> memref<16x128xf32, #tpu.memory_space<vmem>>
    %dma_start3A_193 = arith.constant 0 : i32
    %dma_start3A_194 = tpu.memref_slice %arg5[%dma_start3A_193, %multiple_of3A_174] : memref<16x1000000xf32, #tpu.memory_space<hbm>> -> memref<16x128xf32, #tpu.memory_space<hbm>>
    %dma_start3A_195 = arith.constant 64 : i32
    %dma_start3A_196 = arith.constant 0 : i32
    %dma_start3A_197 = tpu.memref_slice %arg10[%dma_start3A_188, %dma_start3A_195, %dma_start3A_196] : memref<2x128x128xf32, #tpu.memory_space<vmem>> -> memref<1x16x128xf32, #tpu.memory_space<vmem>>
    %dma_start3A_198 = tpu.memref_squeeze %dma_start3A_197 : memref<1x16x128xf32, #tpu.memory_space<vmem>> -> memref<16x128xf32, #tpu.memory_space<vmem>>
    %dma_start3A_199 = arith.constant 0 : i32
    %dma_start3A_200 = tpu.memref_slice %arg5[%dma_start3A_199, %multiple_of3A_174] : memref<16x1000000xf32, #tpu.memory_space<hbm>> -> memref<16x128xf32, #tpu.memory_space<hbm>>
    tpu.enqueue_dma source(%dma_start3A_200 : memref<16x128xf32, #tpu.memory_space<hbm>>) target(%dma_start3A_198 : memref<16x128xf32, #tpu.memory_space<vmem>>) target_semaphore(%arg13 : memref<!tpu.dma_semaphore, #tpu.memory_space<semaphore_mem>>)
    %slice3A_201 = vector.extract_strided_slice %get3A_3 {offsets = [5], sizes = [1], strides = [1]} : vector<16xi32> to vector<1xi32>
    %squeeze3A_202 = vector.extract %slice3A_201[0] : i32 from vector<1xi32>
    %shift_right_arithmetic3A_203 = arith.constant 7 : i32
    %shift_right_arithmetic3A_204 = arith.shrsi %squeeze3A_202, %shift_right_arithmetic3A_203 : i32
    %mul3A_205 = arith.constant 128 : i32
    %mul3A_206 = arith.muli %shift_right_arithmetic3A_204, %mul3A_205 : i32
    %multiple_of3A_207 = tpu.assume_multiple %mul3A_206, 128 : i32
    %slice3A_208 = vector.extract_strided_slice %get3A_5 {offsets = [5], sizes = [1], strides = [1]} : vector<16xi32> to vector<1xi32>
    %squeeze3A_209 = vector.extract %slice3A_208[0] : i32 from vector<1xi32>
    %shift_right_arithmetic3A_210 = arith.constant 7 : i32
    %shift_right_arithmetic3A_211 = arith.shrsi %squeeze3A_209, %shift_right_arithmetic3A_210 : i32
    %mul3A_212 = arith.constant 128 : i32
    %mul3A_213 = arith.muli %shift_right_arithmetic3A_211, %mul3A_212 : i32
    %multiple_of3A_214 = tpu.assume_multiple %mul3A_213, 128 : i32
    %dma_start3A_215 = arith.constant 0 : i32
    %dma_start3A_216 = arith.constant 80 : i32
    %dma_start3A_217 = arith.constant 0 : i32
    %dma_start3A_218 = tpu.memref_slice %arg9[%dma_start3A_215, %dma_start3A_216, %dma_start3A_217] : memref<2x128x128xf32, #tpu.memory_space<vmem>> -> memref<1x16x128xf32, #tpu.memory_space<vmem>>
    %dma_start3A_219 = tpu.memref_squeeze %dma_start3A_218 : memref<1x16x128xf32, #tpu.memory_space<vmem>> -> memref<16x128xf32, #tpu.memory_space<vmem>>
    %dma_start3A_220 = arith.constant 0 : i32
    %dma_start3A_221 = tpu.memref_slice %arg4[%dma_start3A_220, %multiple_of3A_207] : memref<16x1000000xf32, #tpu.memory_space<hbm>> -> memref<16x128xf32, #tpu.memory_space<hbm>>
    %dma_start3A_222 = arith.constant 80 : i32
    %dma_start3A_223 = arith.constant 0 : i32
    %dma_start3A_224 = tpu.memref_slice %arg9[%dma_start3A_215, %dma_start3A_222, %dma_start3A_223] : memref<2x128x128xf32, #tpu.memory_space<vmem>> -> memref<1x16x128xf32, #tpu.memory_space<vmem>>
    %dma_start3A_225 = tpu.memref_squeeze %dma_start3A_224 : memref<1x16x128xf32, #tpu.memory_space<vmem>> -> memref<16x128xf32, #tpu.memory_space<vmem>>
    %dma_start3A_226 = arith.constant 0 : i32
    %dma_start3A_227 = tpu.memref_slice %arg4[%dma_start3A_226, %multiple_of3A_207] : memref<16x1000000xf32, #tpu.memory_space<hbm>> -> memref<16x128xf32, #tpu.memory_space<hbm>>
    tpu.enqueue_dma source(%dma_start3A_227 : memref<16x128xf32, #tpu.memory_space<hbm>>) target(%dma_start3A_225 : memref<16x128xf32, #tpu.memory_space<vmem>>) target_semaphore(%arg12 : memref<!tpu.dma_semaphore, #tpu.memory_space<semaphore_mem>>)
    %dma_start3A_228 = arith.constant 0 : i32
    %dma_start3A_229 = arith.constant 80 : i32
    %dma_start3A_230 = arith.constant 0 : i32
    %dma_start3A_231 = tpu.memref_slice %arg10[%dma_start3A_228, %dma_start3A_229, %dma_start3A_230] : memref<2x128x128xf32, #tpu.memory_space<vmem>> -> memref<1x16x128xf32, #tpu.memory_space<vmem>>
    %dma_start3A_232 = tpu.memref_squeeze %dma_start3A_231 : memref<1x16x128xf32, #tpu.memory_space<vmem>> -> memref<16x128xf32, #tpu.memory_space<vmem>>
    %dma_start3A_233 = arith.constant 0 : i32
    %dma_start3A_234 = tpu.memref_slice %arg5[%dma_start3A_233, %multiple_of3A_214] : memref<16x1000000xf32, #tpu.memory_space<hbm>> -> memref<16x128xf32, #tpu.memory_space<hbm>>
    %dma_start3A_235 = arith.constant 80 : i32
    %dma_start3A_236 = arith.constant 0 : i32
    %dma_start3A_237 = tpu.memref_slice %arg10[%dma_start3A_228, %dma_start3A_235, %dma_start3A_236] : memref<2x128x128xf32, #tpu.memory_space<vmem>> -> memref<1x16x128xf32, #tpu.memory_space<vmem>>
    %dma_start3A_238 = tpu.memref_squeeze %dma_start3A_237 : memref<1x16x128xf32, #tpu.memory_space<vmem>> -> memref<16x128xf32, #tpu.memory_space<vmem>>
    %dma_start3A_239 = arith.constant 0 : i32
    %dma_start3A_240 = tpu.memref_slice %arg5[%dma_start3A_239, %multiple_of3A_214] : memref<16x1000000xf32, #tpu.memory_space<hbm>> -> memref<16x128xf32, #tpu.memory_space<hbm>>
    tpu.enqueue_dma source(%dma_start3A_240 : memref<16x128xf32, #tpu.memory_space<hbm>>) target(%dma_start3A_238 : memref<16x128xf32, #tpu.memory_space<vmem>>) target_semaphore(%arg13 : memref<!tpu.dma_semaphore, #tpu.memory_space<semaphore_mem>>)
    %slice3A_241 = vector.extract_strided_slice %get3A_3 {offsets = [6], sizes = [1], strides = [1]} : vector<16xi32> to vector<1xi32>
    %squeeze3A_242 = vector.extract %slice3A_241[0] : i32 from vector<1xi32>
    %shift_right_arithmetic3A_243 = arith.constant 7 : i32
    %shift_right_arithmetic3A_244 = arith.shrsi %squeeze3A_242, %shift_right_arithmetic3A_243 : i32
    %mul3A_245 = arith.constant 128 : i32
    %mul3A_246 = arith.muli %shift_right_arithmetic3A_244, %mul3A_245 : i32
    %multiple_of3A_247 = tpu.assume_multiple %mul3A_246, 128 : i32
    %slice3A_248 = vector.extract_strided_slice %get3A_5 {offsets = [6], sizes = [1], strides = [1]} : vector<16xi32> to vector<1xi32>
    %squeeze3A_249 = vector.extract %slice3A_248[0] : i32 from vector<1xi32>
    %shift_right_arithmetic3A_250 = arith.constant 7 : i32
    %shift_right_arithmetic3A_251 = arith.shrsi %squeeze3A_249, %shift_right_arithmetic3A_250 : i32
    %mul3A_252 = arith.constant 128 : i32
    %mul3A_253 = arith.muli %shift_right_arithmetic3A_251, %mul3A_252 : i32
    %multiple_of3A_254 = tpu.assume_multiple %mul3A_253, 128 : i32
    %dma_start3A_255 = arith.constant 0 : i32
    %dma_start3A_256 = arith.constant 96 : i32
    %dma_start3A_257 = arith.constant 0 : i32
    %dma_start3A_258 = tpu.memref_slice %arg9[%dma_start3A_255, %dma_start3A_256, %dma_start3A_257] : memref<2x128x128xf32, #tpu.memory_space<vmem>> -> memref<1x16x128xf32, #tpu.memory_space<vmem>>
    %dma_start3A_259 = tpu.memref_squeeze %dma_start3A_258 : memref<1x16x128xf32, #tpu.memory_space<vmem>> -> memref<16x128xf32, #tpu.memory_space<vmem>>
    %dma_start3A_260 = arith.constant 0 : i32
    %dma_start3A_261 = tpu.memref_slice %arg4[%dma_start3A_260, %multiple_of3A_247] : memref<16x1000000xf32, #tpu.memory_space<hbm>> -> memref<16x128xf32, #tpu.memory_space<hbm>>
    %dma_start3A_262 = arith.constant 96 : i32
    %dma_start3A_263 = arith.constant 0 : i32
    %dma_start3A_264 = tpu.memref_slice %arg9[%dma_start3A_255, %dma_start3A_262, %dma_start3A_263] : memref<2x128x128xf32, #tpu.memory_space<vmem>> -> memref<1x16x128xf32, #tpu.memory_space<vmem>>
    %dma_start3A_265 = tpu.memref_squeeze %dma_start3A_264 : memref<1x16x128xf32, #tpu.memory_space<vmem>> -> memref<16x128xf32, #tpu.memory_space<vmem>>
    %dma_start3A_266 = arith.constant 0 : i32
    %dma_start3A_267 = tpu.memref_slice %arg4[%dma_start3A_266, %multiple_of3A_247] : memref<16x1000000xf32, #tpu.memory_space<hbm>> -> memref<16x128xf32, #tpu.memory_space<hbm>>
    tpu.enqueue_dma source(%dma_start3A_267 : memref<16x128xf32, #tpu.memory_space<hbm>>) target(%dma_start3A_265 : memref<16x128xf32, #tpu.memory_space<vmem>>) target_semaphore(%arg12 : memref<!tpu.dma_semaphore, #tpu.memory_space<semaphore_mem>>)
    %dma_start3A_268 = arith.constant 0 : i32
    %dma_start3A_269 = arith.constant 96 : i32
    %dma_start3A_270 = arith.constant 0 : i32
    %dma_start3A_271 = tpu.memref_slice %arg10[%dma_start3A_268, %dma_start3A_269, %dma_start3A_270] : memref<2x128x128xf32, #tpu.memory_space<vmem>> -> memref<1x16x128xf32, #tpu.memory_space<vmem>>
    %dma_start3A_272 = tpu.memref_squeeze %dma_start3A_271 : memref<1x16x128xf32, #tpu.memory_space<vmem>> -> memref<16x128xf32, #tpu.memory_space<vmem>>
    %dma_start3A_273 = arith.constant 0 : i32
    %dma_start3A_274 = tpu.memref_slice %arg5[%dma_start3A_273, %multiple_of3A_254] : memref<16x1000000xf32, #tpu.memory_space<hbm>> -> memref<16x128xf32, #tpu.memory_space<hbm>>
    %dma_start3A_275 = arith.constant 96 : i32
    %dma_start3A_276 = arith.constant 0 : i32
    %dma_start3A_277 = tpu.memref_slice %arg10[%dma_start3A_268, %dma_start3A_275, %dma_start3A_276] : memref<2x128x128xf32, #tpu.memory_space<vmem>> -> memref<1x16x128xf32, #tpu.memory_space<vmem>>
    %dma_start3A_278 = tpu.memref_squeeze %dma_start3A_277 : memref<1x16x128xf32, #tpu.memory_space<vmem>> -> memref<16x128xf32, #tpu.memory_space<vmem>>
    %dma_start3A_279 = arith.constant 0 : i32
    %dma_start3A_280 = tpu.memref_slice %arg5[%dma_start3A_279, %multiple_of3A_254] : memref<16x1000000xf32, #tpu.memory_space<hbm>> -> memref<16x128xf32, #tpu.memory_space<hbm>>
    tpu.enqueue_dma source(%dma_start3A_280 : memref<16x128xf32, #tpu.memory_space<hbm>>) target(%dma_start3A_278 : memref<16x128xf32, #tpu.memory_space<vmem>>) target_semaphore(%arg13 : memref<!tpu.dma_semaphore, #tpu.memory_space<semaphore_mem>>)
    %slice3A_281 = vector.extract_strided_slice %get3A_3 {offsets = [7], sizes = [1], strides = [1]} : vector<16xi32> to vector<1xi32>
    %squeeze3A_282 = vector.extract %slice3A_281[0] : i32 from vector<1xi32>
    %shift_right_arithmetic3A_283 = arith.constant 7 : i32
    %shift_right_arithmetic3A_284 = arith.shrsi %squeeze3A_282, %shift_right_arithmetic3A_283 : i32
    %mul3A_285 = arith.constant 128 : i32
    %mul3A_286 = arith.muli %shift_right_arithmetic3A_284, %mul3A_285 : i32
    %multiple_of3A_287 = tpu.assume_multiple %mul3A_286, 128 : i32
    %slice3A_288 = vector.extract_strided_slice %get3A_5 {offsets = [7], sizes = [1], strides = [1]} : vector<16xi32> to vector<1xi32>
    %squeeze3A_289 = vector.extract %slice3A_288[0] : i32 from vector<1xi32>
    %shift_right_arithmetic3A_290 = arith.constant 7 : i32
    %shift_right_arithmetic3A_291 = arith.shrsi %squeeze3A_289, %shift_right_arithmetic3A_290 : i32
    %mul3A_292 = arith.constant 128 : i32
    %mul3A_293 = arith.muli %shift_right_arithmetic3A_291, %mul3A_292 : i32
    %multiple_of3A_294 = tpu.assume_multiple %mul3A_293, 128 : i32
    %dma_start3A_295 = arith.constant 0 : i32
    %dma_start3A_296 = arith.constant 112 : i32
    %dma_start3A_297 = arith.constant 0 : i32
    %dma_start3A_298 = tpu.memref_slice %arg9[%dma_start3A_295, %dma_start3A_296, %dma_start3A_297] : memref<2x128x128xf32, #tpu.memory_space<vmem>> -> memref<1x16x128xf32, #tpu.memory_space<vmem>>
    %dma_start3A_299 = tpu.memref_squeeze %dma_start3A_298 : memref<1x16x128xf32, #tpu.memory_space<vmem>> -> memref<16x128xf32, #tpu.memory_space<vmem>>
    %dma_start3A_300 = arith.constant 0 : i32
    %dma_start3A_301 = tpu.memref_slice %arg4[%dma_start3A_300, %multiple_of3A_287] : memref<16x1000000xf32, #tpu.memory_space<hbm>> -> memref<16x128xf32, #tpu.memory_space<hbm>>
    %dma_start3A_302 = arith.constant 112 : i32
    %dma_start3A_303 = arith.constant 0 : i32
    %dma_start3A_304 = tpu.memref_slice %arg9[%dma_start3A_295, %dma_start3A_302, %dma_start3A_303] : memref<2x128x128xf32, #tpu.memory_space<vmem>> -> memref<1x16x128xf32, #tpu.memory_space<vmem>>
    %dma_start3A_305 = tpu.memref_squeeze %dma_start3A_304 : memref<1x16x128xf32, #tpu.memory_space<vmem>> -> memref<16x128xf32, #tpu.memory_space<vmem>>
    %dma_start3A_306 = arith.constant 0 : i32
    %dma_start3A_307 = tpu.memref_slice %arg4[%dma_start3A_306, %multiple_of3A_287] : memref<16x1000000xf32, #tpu.memory_space<hbm>> -> memref<16x128xf32, #tpu.memory_space<hbm>>
    tpu.enqueue_dma source(%dma_start3A_307 : memref<16x128xf32, #tpu.memory_space<hbm>>) target(%dma_start3A_305 : memref<16x128xf32, #tpu.memory_space<vmem>>) target_semaphore(%arg12 : memref<!tpu.dma_semaphore, #tpu.memory_space<semaphore_mem>>)
    %dma_start3A_308 = arith.constant 0 : i32
    %dma_start3A_309 = arith.constant 112 : i32
    %dma_start3A_310 = arith.constant 0 : i32
    %dma_start3A_311 = tpu.memref_slice %arg10[%dma_start3A_308, %dma_start3A_309, %dma_start3A_310] : memref<2x128x128xf32, #tpu.memory_space<vmem>> -> memref<1x16x128xf32, #tpu.memory_space<vmem>>
    %dma_start3A_312 = tpu.memref_squeeze %dma_start3A_311 : memref<1x16x128xf32, #tpu.memory_space<vmem>> -> memref<16x128xf32, #tpu.memory_space<vmem>>
    %dma_start3A_313 = arith.constant 0 : i32
    %dma_start3A_314 = tpu.memref_slice %arg5[%dma_start3A_313, %multiple_of3A_294] : memref<16x1000000xf32, #tpu.memory_space<hbm>> -> memref<16x128xf32, #tpu.memory_space<hbm>>
    %dma_start3A_315 = arith.constant 112 : i32
    %dma_start3A_316 = arith.constant 0 : i32
    %dma_start3A_317 = tpu.memref_slice %arg10[%dma_start3A_308, %dma_start3A_315, %dma_start3A_316] : memref<2x128x128xf32, #tpu.memory_space<vmem>> -> memref<1x16x128xf32, #tpu.memory_space<vmem>>
    %dma_start3A_318 = tpu.memref_squeeze %dma_start3A_317 : memref<1x16x128xf32, #tpu.memory_space<vmem>> -> memref<16x128xf32, #tpu.memory_space<vmem>>
    %dma_start3A_319 = arith.constant 0 : i32
    %dma_start3A_320 = tpu.memref_slice %arg5[%dma_start3A_319, %multiple_of3A_294] : memref<16x1000000xf32, #tpu.memory_space<hbm>> -> memref<16x128xf32, #tpu.memory_space<hbm>>
    tpu.enqueue_dma source(%dma_start3A_320 : memref<16x128xf32, #tpu.memory_space<hbm>>) target(%dma_start3A_318 : memref<16x128xf32, #tpu.memory_space<vmem>>) target_semaphore(%arg13 : memref<!tpu.dma_semaphore, #tpu.memory_space<semaphore_mem>>)
    %scan3A = arith.constant 0 : i32
    %scan3A_321 = arith.constant 0 : i32
    %scan3A_322 = arith.constant 32 : i32
    %scan3A_323 = arith.addi %scan3A_321, %scan3A_322 : i32
    %scan3A_324 = arith.constant 1 : i32
    scf.for %scan3A_326 = %scan3A_321 to %scan3A_323 step %scan3A_324  : i32 {
      %mul3A_327 = arith.constant 16 : i32
      %mul3A_328 = arith.muli %scan3A_326, %mul3A_327 : i32
      %get3A_329 = arith.index_cast %mul3A_328 : i32 to index
      %get3A_330 = tpu.vector_load %arg7[%get3A_329] {strides = array<i32>} : memref<512xi32, #tpu.memory_space<vmem>>, vector<16xi32>,
      %mul3A_331 = arith.constant 16 : i32
      %mul3A_332 = arith.muli %scan3A_326, %mul3A_331 : i32
      %get3A_333 = arith.index_cast %mul3A_332 : i32 to index
      %get3A_334 = tpu.vector_load %arg8[%get3A_333] {strides = array<i32>} : memref<512xi32, #tpu.memory_space<vmem>>, vector<16xi32>,
      %slice3A_335 = vector.extract_strided_slice %get3A_330 {offsets = [8], sizes = [1], strides = [1]} : vector<16xi32> to vector<1xi32>
      %squeeze3A_336 = vector.extract %slice3A_335[0] : i32 from vector<1xi32>
      %shift_right_arithmetic3A_337 = arith.constant 7 : i32
      %shift_right_arithmetic3A_338 = arith.shrsi %squeeze3A_336, %shift_right_arithmetic3A_337 : i32
      %mul3A_339 = arith.constant 128 : i32
      %mul3A_340 = arith.muli %shift_right_arithmetic3A_338, %mul3A_339 : i32
      %multiple_of3A_341 = tpu.assume_multiple %mul3A_340, 128 : i32
      %slice3A_342 = vector.extract_strided_slice %get3A_334 {offsets = [8], sizes = [1], strides = [1]} : vector<16xi32> to vector<1xi32>
      %squeeze3A_343 = vector.extract %slice3A_342[0] : i32 from vector<1xi32>
      %shift_right_arithmetic3A_344 = arith.constant 7 : i32
      %shift_right_arithmetic3A_345 = arith.shrsi %squeeze3A_343, %shift_right_arithmetic3A_344 : i32
      %mul3A_346 = arith.constant 128 : i32
      %mul3A_347 = arith.muli %shift_right_arithmetic3A_345, %mul3A_346 : i32
      %multiple_of3A_348 = tpu.assume_multiple %mul3A_347, 128 : i32
      %dma_start3A_349 = arith.constant 1 : i32
      %dma_start3A_350 = arith.constant 0 : i32
      %dma_start3A_351 = arith.constant 0 : i32
      %dma_start3A_352 = tpu.memref_slice %arg9[%dma_start3A_349, %dma_start3A_350, %dma_start3A_351] : memref<2x128x128xf32, #tpu.memory_space<vmem>> -> memref<1x16x128xf32, #tpu.memory_space<vmem>>
      %dma_start3A_353 = tpu.memref_squeeze %dma_start3A_352 : memref<1x16x128xf32, #tpu.memory_space<vmem>> -> memref<16x128xf32, #tpu.memory_space<vmem>>
      %dma_start3A_354 = arith.constant 0 : i32
      %dma_start3A_355 = tpu.memref_slice %arg4[%dma_start3A_354, %multiple_of3A_341] : memref<16x1000000xf32, #tpu.memory_space<hbm>> -> memref<16x128xf32, #tpu.memory_space<hbm>>
      %dma_start3A_356 = arith.constant 0 : i32
      %dma_start3A_357 = arith.constant 0 : i32
      %dma_start3A_358 = tpu.memref_slice %arg9[%dma_start3A_349, %dma_start3A_356, %dma_start3A_357] : memref<2x128x128xf32, #tpu.memory_space<vmem>> -> memref<1x16x128xf32, #tpu.memory_space<vmem>>
      %dma_start3A_359 = tpu.memref_squeeze %dma_start3A_358 : memref<1x16x128xf32, #tpu.memory_space<vmem>> -> memref<16x128xf32, #tpu.memory_space<vmem>>
      %dma_start3A_360 = arith.constant 0 : i32
      %dma_start3A_361 = tpu.memref_slice %arg4[%dma_start3A_360, %multiple_of3A_341] : memref<16x1000000xf32, #tpu.memory_space<hbm>> -> memref<16x128xf32, #tpu.memory_space<hbm>>
      tpu.enqueue_dma source(%dma_start3A_361 : memref<16x128xf32, #tpu.memory_space<hbm>>) target(%dma_start3A_359 : memref<16x128xf32, #tpu.memory_space<vmem>>) target_semaphore(%arg12 : memref<!tpu.dma_semaphore, #tpu.memory_space<semaphore_mem>>)
      %dma_start3A_362 = arith.constant 1 : i32
      %dma_start3A_363 = arith.constant 0 : i32
      %dma_start3A_364 = arith.constant 0 : i32
      %dma_start3A_365 = tpu.memref_slice %arg10[%dma_start3A_362, %dma_start3A_363, %dma_start3A_364] : memref<2x128x128xf32, #tpu.memory_space<vmem>> -> memref<1x16x128xf32, #tpu.memory_space<vmem>>
      %dma_start3A_366 = tpu.memref_squeeze %dma_start3A_365 : memref<1x16x128xf32, #tpu.memory_space<vmem>> -> memref<16x128xf32, #tpu.memory_space<vmem>>
      %dma_start3A_367 = arith.constant 0 : i32
      %dma_start3A_368 = tpu.memref_slice %arg5[%dma_start3A_367, %multiple_of3A_348] : memref<16x1000000xf32, #tpu.memory_space<hbm>> -> memref<16x128xf32, #tpu.memory_space<hbm>>
      %dma_start3A_369 = arith.constant 0 : i32
      %dma_start3A_370 = arith.constant 0 : i32
      %dma_start3A_371 = tpu.memref_slice %arg10[%dma_start3A_362, %dma_start3A_369, %dma_start3A_370] : memref<2x128x128xf32, #tpu.memory_space<vmem>> -> memref<1x16x128xf32, #tpu.memory_space<vmem>>
      %dma_start3A_372 = tpu.memref_squeeze %dma_start3A_371 : memref<1x16x128xf32, #tpu.memory_space<vmem>> -> memref<16x128xf32, #tpu.memory_space<vmem>>
      %dma_start3A_373 = arith.constant 0 : i32
      %dma_start3A_374 = tpu.memref_slice %arg5[%dma_start3A_373, %multiple_of3A_348] : memref<16x1000000xf32, #tpu.memory_space<hbm>> -> memref<16x128xf32, #tpu.memory_space<hbm>>
      tpu.enqueue_dma source(%dma_start3A_374 : memref<16x128xf32, #tpu.memory_space<hbm>>) target(%dma_start3A_372 : memref<16x128xf32, #tpu.memory_space<vmem>>) target_semaphore(%arg13 : memref<!tpu.dma_semaphore, #tpu.memory_space<semaphore_mem>>)
      %slice3A_375 = vector.extract_strided_slice %get3A_330 {offsets = [9], sizes = [1], strides = [1]} : vector<16xi32> to vector<1xi32>
      %squeeze3A_376 = vector.extract %slice3A_375[0] : i32 from vector<1xi32>
      %shift_right_arithmetic3A_377 = arith.constant 7 : i32
      %shift_right_arithmetic3A_378 = arith.shrsi %squeeze3A_376, %shift_right_arithmetic3A_377 : i32
      %mul3A_379 = arith.constant 128 : i32
      %mul3A_380 = arith.muli %shift_right_arithmetic3A_378, %mul3A_379 : i32
      %multiple_of3A_381 = tpu.assume_multiple %mul3A_380, 128 : i32
      %slice3A_382 = vector.extract_strided_slice %get3A_334 {offsets = [9], sizes = [1], strides = [1]} : vector<16xi32> to vector<1xi32>
      %squeeze3A_383 = vector.extract %slice3A_382[0] : i32 from vector<1xi32>
      %shift_right_arithmetic3A_384 = arith.constant 7 : i32
      %shift_right_arithmetic3A_385 = arith.shrsi %squeeze3A_383, %shift_right_arithmetic3A_384 : i32
      %mul3A_386 = arith.constant 128 : i32
      %mul3A_387 = arith.muli %shift_right_arithmetic3A_385, %mul3A_386 : i32
      %multiple_of3A_388 = tpu.assume_multiple %mul3A_387, 128 : i32
      %dma_start3A_389 = arith.constant 1 : i32
      %dma_start3A_390 = arith.constant 16 : i32
      %dma_start3A_391 = arith.constant 0 : i32
      %dma_start3A_392 = tpu.memref_slice %arg9[%dma_start3A_389, %dma_start3A_390, %dma_start3A_391] : memref<2x128x128xf32, #tpu.memory_space<vmem>> -> memref<1x16x128xf32, #tpu.memory_space<vmem>>
      %dma_start3A_393 = tpu.memref_squeeze %dma_start3A_392 : memref<1x16x128xf32, #tpu.memory_space<vmem>> -> memref<16x128xf32, #tpu.memory_space<vmem>>
      %dma_start3A_394 = arith.constant 0 : i32
      %dma_start3A_395 = tpu.memref_slice %arg4[%dma_start3A_394, %multiple_of3A_381] : memref<16x1000000xf32, #tpu.memory_space<hbm>> -> memref<16x128xf32, #tpu.memory_space<hbm>>
      %dma_start3A_396 = arith.constant 16 : i32
      %dma_start3A_397 = arith.constant 0 : i32
      %dma_start3A_398 = tpu.memref_slice %arg9[%dma_start3A_389, %dma_start3A_396, %dma_start3A_397] : memref<2x128x128xf32, #tpu.memory_space<vmem>> -> memref<1x16x128xf32, #tpu.memory_space<vmem>>
      %dma_start3A_399 = tpu.memref_squeeze %dma_start3A_398 : memref<1x16x128xf32, #tpu.memory_space<vmem>> -> memref<16x128xf32, #tpu.memory_space<vmem>>
      %dma_start3A_400 = arith.constant 0 : i32
      %dma_start3A_401 = tpu.memref_slice %arg4[%dma_start3A_400, %multiple_of3A_381] : memref<16x1000000xf32, #tpu.memory_space<hbm>> -> memref<16x128xf32, #tpu.memory_space<hbm>>
      tpu.enqueue_dma source(%dma_start3A_401 : memref<16x128xf32, #tpu.memory_space<hbm>>) target(%dma_start3A_399 : memref<16x128xf32, #tpu.memory_space<vmem>>) target_semaphore(%arg12 : memref<!tpu.dma_semaphore, #tpu.memory_space<semaphore_mem>>)
      %dma_start3A_402 = arith.constant 1 : i32
      %dma_start3A_403 = arith.constant 16 : i32
      %dma_start3A_404 = arith.constant 0 : i32
      %dma_start3A_405 = tpu.memref_slice %arg10[%dma_start3A_402, %dma_start3A_403, %dma_start3A_404] : memref<2x128x128xf32, #tpu.memory_space<vmem>> -> memref<1x16x128xf32, #tpu.memory_space<vmem>>
      %dma_start3A_406 = tpu.memref_squeeze %dma_start3A_405 : memref<1x16x128xf32, #tpu.memory_space<vmem>> -> memref<16x128xf32, #tpu.memory_space<vmem>>
      %dma_start3A_407 = arith.constant 0 : i32
      %dma_start3A_408 = tpu.memref_slice %arg5[%dma_start3A_407, %multiple_of3A_388] : memref<16x1000000xf32, #tpu.memory_space<hbm>> -> memref<16x128xf32, #tpu.memory_space<hbm>>
      %dma_start3A_409 = arith.constant 16 : i32
      %dma_start3A_410 = arith.constant 0 : i32
      %dma_start3A_411 = tpu.memref_slice %arg10[%dma_start3A_402, %dma_start3A_409, %dma_start3A_410] : memref<2x128x128xf32, #tpu.memory_space<vmem>> -> memref<1x16x128xf32, #tpu.memory_space<vmem>>
      %dma_start3A_412 = tpu.memref_squeeze %dma_start3A_411 : memref<1x16x128xf32, #tpu.memory_space<vmem>> -> memref<16x128xf32, #tpu.memory_space<vmem>>
      %dma_start3A_413 = arith.constant 0 : i32
      %dma_start3A_414 = tpu.memref_slice %arg5[%dma_start3A_413, %multiple_of3A_388] : memref<16x1000000xf32, #tpu.memory_space<hbm>> -> memref<16x128xf32, #tpu.memory_space<hbm>>
      tpu.enqueue_dma source(%dma_start3A_414 : memref<16x128xf32, #tpu.memory_space<hbm>>) target(%dma_start3A_412 : memref<16x128xf32, #tpu.memory_space<vmem>>) target_semaphore(%arg13 : memref<!tpu.dma_semaphore, #tpu.memory_space<semaphore_mem>>)
      %slice3A_415 = vector.extract_strided_slice %get3A_330 {offsets = [10], sizes = [1], strides = [1]} : vector<16xi32> to vector<1xi32>
      %squeeze3A_416 = vector.extract %slice3A_415[0] : i32 from vector<1xi32>
      %shift_right_arithmetic3A_417 = arith.constant 7 : i32
      %shift_right_arithmetic3A_418 = arith.shrsi %squeeze3A_416, %shift_right_arithmetic3A_417 : i32
      %mul3A_419 = arith.constant 128 : i32
      %mul3A_420 = arith.muli %shift_right_arithmetic3A_418, %mul3A_419 : i32
      %multiple_of3A_421 = tpu.assume_multiple %mul3A_420, 128 : i32
      %slice3A_422 = vector.extract_strided_slice %get3A_334 {offsets = [10], sizes = [1], strides = [1]} : vector<16xi32> to vector<1xi32>
      %squeeze3A_423 = vector.extract %slice3A_422[0] : i32 from vector<1xi32>
      %shift_right_arithmetic3A_424 = arith.constant 7 : i32
      %shift_right_arithmetic3A_425 = arith.shrsi %squeeze3A_423, %shift_right_arithmetic3A_424 : i32
      %mul3A_426 = arith.constant 128 : i32
      %mul3A_427 = arith.muli %shift_right_arithmetic3A_425, %mul3A_426 : i32
      %multiple_of3A_428 = tpu.assume_multiple %mul3A_427, 128 : i32
      %dma_start3A_429 = arith.constant 1 : i32
      %dma_start3A_430 = arith.constant 32 : i32
      %dma_start3A_431 = arith.constant 0 : i32
      %dma_start3A_432 = tpu.memref_slice %arg9[%dma_start3A_429, %dma_start3A_430, %dma_start3A_431] : memref<2x128x128xf32, #tpu.memory_space<vmem>> -> memref<1x16x128xf32, #tpu.memory_space<vmem>>
      %dma_start3A_433 = tpu.memref_squeeze %dma_start3A_432 : memref<1x16x128xf32, #tpu.memory_space<vmem>> -> memref<16x128xf32, #tpu.memory_space<vmem>>
      %dma_start3A_434 = arith.constant 0 : i32
      %dma_start3A_435 = tpu.memref_slice %arg4[%dma_start3A_434, %multiple_of3A_421] : memref<16x1000000xf32, #tpu.memory_space<hbm>> -> memref<16x128xf32, #tpu.memory_space<hbm>>
      %dma_start3A_436 = arith.constant 32 : i32
      %dma_start3A_437 = arith.constant 0 : i32
      %dma_start3A_438 = tpu.memref_slice %arg9[%dma_start3A_429, %dma_start3A_436, %dma_start3A_437] : memref<2x128x128xf32, #tpu.memory_space<vmem>> -> memref<1x16x128xf32, #tpu.memory_space<vmem>>
      %dma_start3A_439 = tpu.memref_squeeze %dma_start3A_438 : memref<1x16x128xf32, #tpu.memory_space<vmem>> -> memref<16x128xf32, #tpu.memory_space<vmem>>
      %dma_start3A_440 = arith.constant 0 : i32
      %dma_start3A_441 = tpu.memref_slice %arg4[%dma_start3A_440, %multiple_of3A_421] : memref<16x1000000xf32, #tpu.memory_space<hbm>> -> memref<16x128xf32, #tpu.memory_space<hbm>>
      tpu.enqueue_dma source(%dma_start3A_441 : memref<16x128xf32, #tpu.memory_space<hbm>>) target(%dma_start3A_439 : memref<16x128xf32, #tpu.memory_space<vmem>>) target_semaphore(%arg12 : memref<!tpu.dma_semaphore, #tpu.memory_space<semaphore_mem>>)
      %dma_start3A_442 = arith.constant 1 : i32
      %dma_start3A_443 = arith.constant 32 : i32
      %dma_start3A_444 = arith.constant 0 : i32
      %dma_start3A_445 = tpu.memref_slice %arg10[%dma_start3A_442, %dma_start3A_443, %dma_start3A_444] : memref<2x128x128xf32, #tpu.memory_space<vmem>> -> memref<1x16x128xf32, #tpu.memory_space<vmem>>
      %dma_start3A_446 = tpu.memref_squeeze %dma_start3A_445 : memref<1x16x128xf32, #tpu.memory_space<vmem>> -> memref<16x128xf32, #tpu.memory_space<vmem>>
      %dma_start3A_447 = arith.constant 0 : i32
      %dma_start3A_448 = tpu.memref_slice %arg5[%dma_start3A_447, %multiple_of3A_428] : memref<16x1000000xf32, #tpu.memory_space<hbm>> -> memref<16x128xf32, #tpu.memory_space<hbm>>
      %dma_start3A_449 = arith.constant 32 : i32
      %dma_start3A_450 = arith.constant 0 : i32
      %dma_start3A_451 = tpu.memref_slice %arg10[%dma_start3A_442, %dma_start3A_449, %dma_start3A_450] : memref<2x128x128xf32, #tpu.memory_space<vmem>> -> memref<1x16x128xf32, #tpu.memory_space<vmem>>
      %dma_start3A_452 = tpu.memref_squeeze %dma_start3A_451 : memref<1x16x128xf32, #tpu.memory_space<vmem>> -> memref<16x128xf32, #tpu.memory_space<vmem>>
      %dma_start3A_453 = arith.constant 0 : i32
      %dma_start3A_454 = tpu.memref_slice %arg5[%dma_start3A_453, %multiple_of3A_428] : memref<16x1000000xf32, #tpu.memory_space<hbm>> -> memref<16x128xf32, #tpu.memory_space<hbm>>
      tpu.enqueue_dma source(%dma_start3A_454 : memref<16x128xf32, #tpu.memory_space<hbm>>) target(%dma_start3A_452 : memref<16x128xf32, #tpu.memory_space<vmem>>) target_semaphore(%arg13 : memref<!tpu.dma_semaphore, #tpu.memory_space<semaphore_mem>>)
      %slice3A_455 = vector.extract_strided_slice %get3A_330 {offsets = [11], sizes = [1], strides = [1]} : vector<16xi32> to vector<1xi32>
      %squeeze3A_456 = vector.extract %slice3A_455[0] : i32 from vector<1xi32>
      %shift_right_arithmetic3A_457 = arith.constant 7 : i32
      %shift_right_arithmetic3A_458 = arith.shrsi %squeeze3A_456, %shift_right_arithmetic3A_457 : i32
      %mul3A_459 = arith.constant 128 : i32
      %mul3A_460 = arith.muli %shift_right_arithmetic3A_458, %mul3A_459 : i32
      %multiple_of3A_461 = tpu.assume_multiple %mul3A_460, 128 : i32
      %slice3A_462 = vector.extract_strided_slice %get3A_334 {offsets = [11], sizes = [1], strides = [1]} : vector<16xi32> to vector<1xi32>
      %squeeze3A_463 = vector.extract %slice3A_462[0] : i32 from vector<1xi32>
      %shift_right_arithmetic3A_464 = arith.constant 7 : i32
      %shift_right_arithmetic3A_465 = arith.shrsi %squeeze3A_463, %shift_right_arithmetic3A_464 : i32
      %mul3A_466 = arith.constant 128 : i32
      %mul3A_467 = arith.muli %shift_right_arithmetic3A_465, %mul3A_466 : i32
      %multiple_of3A_468 = tpu.assume_multiple %mul3A_467, 128 : i32
      %dma_start3A_469 = arith.constant 1 : i32
      %dma_start3A_470 = arith.constant 48 : i32
      %dma_start3A_471 = arith.constant 0 : i32
      %dma_start3A_472 = tpu.memref_slice %arg9[%dma_start3A_469, %dma_start3A_470, %dma_start3A_471] : memref<2x128x128xf32, #tpu.memory_space<vmem>> -> memref<1x16x128xf32, #tpu.memory_space<vmem>>
      %dma_start3A_473 = tpu.memref_squeeze %dma_start3A_472 : memref<1x16x128xf32, #tpu.memory_space<vmem>> -> memref<16x128xf32, #tpu.memory_space<vmem>>
      %dma_start3A_474 = arith.constant 0 : i32
      %dma_start3A_475 = tpu.memref_slice %arg4[%dma_start3A_474, %multiple_of3A_461] : memref<16x1000000xf32, #tpu.memory_space<hbm>> -> memref<16x128xf32, #tpu.memory_space<hbm>>
      %dma_start3A_476 = arith.constant 48 : i32
      %dma_start3A_477 = arith.constant 0 : i32
      %dma_start3A_478 = tpu.memref_slice %arg9[%dma_start3A_469, %dma_start3A_476, %dma_start3A_477] : memref<2x128x128xf32, #tpu.memory_space<vmem>> -> memref<1x16x128xf32, #tpu.memory_space<vmem>>
      %dma_start3A_479 = tpu.memref_squeeze %dma_start3A_478 : memref<1x16x128xf32, #tpu.memory_space<vmem>> -> memref<16x128xf32, #tpu.memory_space<vmem>>
      %dma_start3A_480 = arith.constant 0 : i32
      %dma_start3A_481 = tpu.memref_slice %arg4[%dma_start3A_480, %multiple_of3A_461] : memref<16x1000000xf32, #tpu.memory_space<hbm>> -> memref<16x128xf32, #tpu.memory_space<hbm>>
      tpu.enqueue_dma source(%dma_start3A_481 : memref<16x128xf32, #tpu.memory_space<hbm>>) target(%dma_start3A_479 : memref<16x128xf32, #tpu.memory_space<vmem>>) target_semaphore(%arg12 : memref<!tpu.dma_semaphore, #tpu.memory_space<semaphore_mem>>)
      %dma_start3A_482 = arith.constant 1 : i32
      %dma_start3A_483 = arith.constant 48 : i32
      %dma_start3A_484 = arith.constant 0 : i32
      %dma_start3A_485 = tpu.memref_slice %arg10[%dma_start3A_482, %dma_start3A_483, %dma_start3A_484] : memref<2x128x128xf32, #tpu.memory_space<vmem>> -> memref<1x16x128xf32, #tpu.memory_space<vmem>>
      %dma_start3A_486 = tpu.memref_squeeze %dma_start3A_485 : memref<1x16x128xf32, #tpu.memory_space<vmem>> -> memref<16x128xf32, #tpu.memory_space<vmem>>
      %dma_start3A_487 = arith.constant 0 : i32
      %dma_start3A_488 = tpu.memref_slice %arg5[%dma_start3A_487, %multiple_of3A_468] : memref<16x1000000xf32, #tpu.memory_space<hbm>> -> memref<16x128xf32, #tpu.memory_space<hbm>>
      %dma_start3A_489 = arith.constant 48 : i32
      %dma_start3A_490 = arith.constant 0 : i32
      %dma_start3A_491 = tpu.memref_slice %arg10[%dma_start3A_482, %dma_start3A_489, %dma_start3A_490] : memref<2x128x128xf32, #tpu.memory_space<vmem>> -> memref<1x16x128xf32, #tpu.memory_space<vmem>>
      %dma_start3A_492 = tpu.memref_squeeze %dma_start3A_491 : memref<1x16x128xf32, #tpu.memory_space<vmem>> -> memref<16x128xf32, #tpu.memory_space<vmem>>
      %dma_start3A_493 = arith.constant 0 : i32
      %dma_start3A_494 = tpu.memref_slice %arg5[%dma_start3A_493, %multiple_of3A_468] : memref<16x1000000xf32, #tpu.memory_space<hbm>> -> memref<16x128xf32, #tpu.memory_space<hbm>>
      tpu.enqueue_dma source(%dma_start3A_494 : memref<16x128xf32, #tpu.memory_space<hbm>>) target(%dma_start3A_492 : memref<16x128xf32, #tpu.memory_space<vmem>>) target_semaphore(%arg13 : memref<!tpu.dma_semaphore, #tpu.memory_space<semaphore_mem>>)
      %slice3A_495 = vector.extract_strided_slice %get3A_330 {offsets = [12], sizes = [1], strides = [1]} : vector<16xi32> to vector<1xi32>
      %squeeze3A_496 = vector.extract %slice3A_495[0] : i32 from vector<1xi32>
      %shift_right_arithmetic3A_497 = arith.constant 7 : i32
      %shift_right_arithmetic3A_498 = arith.shrsi %squeeze3A_496, %shift_right_arithmetic3A_497 : i32
      %mul3A_499 = arith.constant 128 : i32
      %mul3A_500 = arith.muli %shift_right_arithmetic3A_498, %mul3A_499 : i32
      %multiple_of3A_501 = tpu.assume_multiple %mul3A_500, 128 : i32
      %slice3A_502 = vector.extract_strided_slice %get3A_334 {offsets = [12], sizes = [1], strides = [1]} : vector<16xi32> to vector<1xi32>
      %squeeze3A_503 = vector.extract %slice3A_502[0] : i32 from vector<1xi32>
      %shift_right_arithmetic3A_504 = arith.constant 7 : i32
      %shift_right_arithmetic3A_505 = arith.shrsi %squeeze3A_503, %shift_right_arithmetic3A_504 : i32
      %mul3A_506 = arith.constant 128 : i32
      %mul3A_507 = arith.muli %shift_right_arithmetic3A_505, %mul3A_506 : i32
      %multiple_of3A_508 = tpu.assume_multiple %mul3A_507, 128 : i32
      %dma_start3A_509 = arith.constant 1 : i32
      %dma_start3A_510 = arith.constant 64 : i32
      %dma_start3A_511 = arith.constant 0 : i32
      %dma_start3A_512 = tpu.memref_slice %arg9[%dma_start3A_509, %dma_start3A_510, %dma_start3A_511] : memref<2x128x128xf32, #tpu.memory_space<vmem>> -> memref<1x16x128xf32, #tpu.memory_space<vmem>>
      %dma_start3A_513 = tpu.memref_squeeze %dma_start3A_512 : memref<1x16x128xf32, #tpu.memory_space<vmem>> -> memref<16x128xf32, #tpu.memory_space<vmem>>
      %dma_start3A_514 = arith.constant 0 : i32
      %dma_start3A_515 = tpu.memref_slice %arg4[%dma_start3A_514, %multiple_of3A_501] : memref<16x1000000xf32, #tpu.memory_space<hbm>> -> memref<16x128xf32, #tpu.memory_space<hbm>>
      %dma_start3A_516 = arith.constant 64 : i32
      %dma_start3A_517 = arith.constant 0 : i32
      %dma_start3A_518 = tpu.memref_slice %arg9[%dma_start3A_509, %dma_start3A_516, %dma_start3A_517] : memref<2x128x128xf32, #tpu.memory_space<vmem>> -> memref<1x16x128xf32, #tpu.memory_space<vmem>>
      %dma_start3A_519 = tpu.memref_squeeze %dma_start3A_518 : memref<1x16x128xf32, #tpu.memory_space<vmem>> -> memref<16x128xf32, #tpu.memory_space<vmem>>
      %dma_start3A_520 = arith.constant 0 : i32
      %dma_start3A_521 = tpu.memref_slice %arg4[%dma_start3A_520, %multiple_of3A_501] : memref<16x1000000xf32, #tpu.memory_space<hbm>> -> memref<16x128xf32, #tpu.memory_space<hbm>>
      tpu.enqueue_dma source(%dma_start3A_521 : memref<16x128xf32, #tpu.memory_space<hbm>>) target(%dma_start3A_519 : memref<16x128xf32, #tpu.memory_space<vmem>>) target_semaphore(%arg12 : memref<!tpu.dma_semaphore, #tpu.memory_space<semaphore_mem>>)
      %dma_start3A_522 = arith.constant 1 : i32
      %dma_start3A_523 = arith.constant 64 : i32
      %dma_start3A_524 = arith.constant 0 : i32
      %dma_start3A_525 = tpu.memref_slice %arg10[%dma_start3A_522, %dma_start3A_523, %dma_start3A_524] : memref<2x128x128xf32, #tpu.memory_space<vmem>> -> memref<1x16x128xf32, #tpu.memory_space<vmem>>
      %dma_start3A_526 = tpu.memref_squeeze %dma_start3A_525 : memref<1x16x128xf32, #tpu.memory_space<vmem>> -> memref<16x128xf32, #tpu.memory_space<vmem>>
      %dma_start3A_527 = arith.constant 0 : i32
      %dma_start3A_528 = tpu.memref_slice %arg5[%dma_start3A_527, %multiple_of3A_508] : memref<16x1000000xf32, #tpu.memory_space<hbm>> -> memref<16x128xf32, #tpu.memory_space<hbm>>
      %dma_start3A_529 = arith.constant 64 : i32
      %dma_start3A_530 = arith.constant 0 : i32
      %dma_start3A_531 = tpu.memref_slice %arg10[%dma_start3A_522, %dma_start3A_529, %dma_start3A_530] : memref<2x128x128xf32, #tpu.memory_space<vmem>> -> memref<1x16x128xf32, #tpu.memory_space<vmem>>
      %dma_start3A_532 = tpu.memref_squeeze %dma_start3A_531 : memref<1x16x128xf32, #tpu.memory_space<vmem>> -> memref<16x128xf32, #tpu.memory_space<vmem>>
      %dma_start3A_533 = arith.constant 0 : i32
      %dma_start3A_534 = tpu.memref_slice %arg5[%dma_start3A_533, %multiple_of3A_508] : memref<16x1000000xf32, #tpu.memory_space<hbm>> -> memref<16x128xf32, #tpu.memory_space<hbm>>
      tpu.enqueue_dma source(%dma_start3A_534 : memref<16x128xf32, #tpu.memory_space<hbm>>) target(%dma_start3A_532 : memref<16x128xf32, #tpu.memory_space<vmem>>) target_semaphore(%arg13 : memref<!tpu.dma_semaphore, #tpu.memory_space<semaphore_mem>>)
      %slice3A_535 = vector.extract_strided_slice %get3A_330 {offsets = [13], sizes = [1], strides = [1]} : vector<16xi32> to vector<1xi32>
      %squeeze3A_536 = vector.extract %slice3A_535[0] : i32 from vector<1xi32>
      %shift_right_arithmetic3A_537 = arith.constant 7 : i32
      %shift_right_arithmetic3A_538 = arith.shrsi %squeeze3A_536, %shift_right_arithmetic3A_537 : i32
      %mul3A_539 = arith.constant 128 : i32
      %mul3A_540 = arith.muli %shift_right_arithmetic3A_538, %mul3A_539 : i32
      %multiple_of3A_541 = tpu.assume_multiple %mul3A_540, 128 : i32
      %slice3A_542 = vector.extract_strided_slice %get3A_334 {offsets = [13], sizes = [1], strides = [1]} : vector<16xi32> to vector<1xi32>
      %squeeze3A_543 = vector.extract %slice3A_542[0] : i32 from vector<1xi32>
      %shift_right_arithmetic3A_544 = arith.constant 7 : i32
      %shift_right_arithmetic3A_545 = arith.shrsi %squeeze3A_543, %shift_right_arithmetic3A_544 : i32
      %mul3A_546 = arith.constant 128 : i32
      %mul3A_547 = arith.muli %shift_right_arithmetic3A_545, %mul3A_546 : i32
      %multiple_of3A_548 = tpu.assume_multiple %mul3A_547, 128 : i32
      %dma_start3A_549 = arith.constant 1 : i32
      %dma_start3A_550 = arith.constant 80 : i32
      %dma_start3A_551 = arith.constant 0 : i32
      %dma_start3A_552 = tpu.memref_slice %arg9[%dma_start3A_549, %dma_start3A_550, %dma_start3A_551] : memref<2x128x128xf32, #tpu.memory_space<vmem>> -> memref<1x16x128xf32, #tpu.memory_space<vmem>>
      %dma_start3A_553 = tpu.memref_squeeze %dma_start3A_552 : memref<1x16x128xf32, #tpu.memory_space<vmem>> -> memref<16x128xf32, #tpu.memory_space<vmem>>
      %dma_start3A_554 = arith.constant 0 : i32
      %dma_start3A_555 = tpu.memref_slice %arg4[%dma_start3A_554, %multiple_of3A_541] : memref<16x1000000xf32, #tpu.memory_space<hbm>> -> memref<16x128xf32, #tpu.memory_space<hbm>>
      %dma_start3A_556 = arith.constant 80 : i32
      %dma_start3A_557 = arith.constant 0 : i32
      %dma_start3A_558 = tpu.memref_slice %arg9[%dma_start3A_549, %dma_start3A_556, %dma_start3A_557] : memref<2x128x128xf32, #tpu.memory_space<vmem>> -> memref<1x16x128xf32, #tpu.memory_space<vmem>>
      %dma_start3A_559 = tpu.memref_squeeze %dma_start3A_558 : memref<1x16x128xf32, #tpu.memory_space<vmem>> -> memref<16x128xf32, #tpu.memory_space<vmem>>
      %dma_start3A_560 = arith.constant 0 : i32
      %dma_start3A_561 = tpu.memref_slice %arg4[%dma_start3A_560, %multiple_of3A_541] : memref<16x1000000xf32, #tpu.memory_space<hbm>> -> memref<16x128xf32, #tpu.memory_space<hbm>>
      tpu.enqueue_dma source(%dma_start3A_561 : memref<16x128xf32, #tpu.memory_space<hbm>>) target(%dma_start3A_559 : memref<16x128xf32, #tpu.memory_space<vmem>>) target_semaphore(%arg12 : memref<!tpu.dma_semaphore, #tpu.memory_space<semaphore_mem>>)
      %dma_start3A_562 = arith.constant 1 : i32
      %dma_start3A_563 = arith.constant 80 : i32
      %dma_start3A_564 = arith.constant 0 : i32
      %dma_start3A_565 = tpu.memref_slice %arg10[%dma_start3A_562, %dma_start3A_563, %dma_start3A_564] : memref<2x128x128xf32, #tpu.memory_space<vmem>> -> memref<1x16x128xf32, #tpu.memory_space<vmem>>
      %dma_start3A_566 = tpu.memref_squeeze %dma_start3A_565 : memref<1x16x128xf32, #tpu.memory_space<vmem>> -> memref<16x128xf32, #tpu.memory_space<vmem>>
      %dma_start3A_567 = arith.constant 0 : i32
      %dma_start3A_568 = tpu.memref_slice %arg5[%dma_start3A_567, %multiple_of3A_548] : memref<16x1000000xf32, #tpu.memory_space<hbm>> -> memref<16x128xf32, #tpu.memory_space<hbm>>
      %dma_start3A_569 = arith.constant 80 : i32
      %dma_start3A_570 = arith.constant 0 : i32
      %dma_start3A_571 = tpu.memref_slice %arg10[%dma_start3A_562, %dma_start3A_569, %dma_start3A_570] : memref<2x128x128xf32, #tpu.memory_space<vmem>> -> memref<1x16x128xf32, #tpu.memory_space<vmem>>
      %dma_start3A_572 = tpu.memref_squeeze %dma_start3A_571 : memref<1x16x128xf32, #tpu.memory_space<vmem>> -> memref<16x128xf32, #tpu.memory_space<vmem>>
      %dma_start3A_573 = arith.constant 0 : i32
      %dma_start3A_574 = tpu.memref_slice %arg5[%dma_start3A_573, %multiple_of3A_548] : memref<16x1000000xf32, #tpu.memory_space<hbm>> -> memref<16x128xf32, #tpu.memory_space<hbm>>
      tpu.enqueue_dma source(%dma_start3A_574 : memref<16x128xf32, #tpu.memory_space<hbm>>) target(%dma_start3A_572 : memref<16x128xf32, #tpu.memory_space<vmem>>) target_semaphore(%arg13 : memref<!tpu.dma_semaphore, #tpu.memory_space<semaphore_mem>>)
      %slice3A_575 = vector.extract_strided_slice %get3A_330 {offsets = [14], sizes = [1], strides = [1]} : vector<16xi32> to vector<1xi32>
      %squeeze3A_576 = vector.extract %slice3A_575[0] : i32 from vector<1xi32>
      %shift_right_arithmetic3A_577 = arith.constant 7 : i32
      %shift_right_arithmetic3A_578 = arith.shrsi %squeeze3A_576, %shift_right_arithmetic3A_577 : i32
      %mul3A_579 = arith.constant 128 : i32
      %mul3A_580 = arith.muli %shift_right_arithmetic3A_578, %mul3A_579 : i32
      %multiple_of3A_581 = tpu.assume_multiple %mul3A_580, 128 : i32
      %slice3A_582 = vector.extract_strided_slice %get3A_334 {offsets = [14], sizes = [1], strides = [1]} : vector<16xi32> to vector<1xi32>
      %squeeze3A_583 = vector.extract %slice3A_582[0] : i32 from vector<1xi32>
      %shift_right_arithmetic3A_584 = arith.constant 7 : i32
      %shift_right_arithmetic3A_585 = arith.shrsi %squeeze3A_583, %shift_right_arithmetic3A_584 : i32
      %mul3A_586 = arith.constant 128 : i32
      %mul3A_587 = arith.muli %shift_right_arithmetic3A_585, %mul3A_586 : i32
      %multiple_of3A_588 = tpu.assume_multiple %mul3A_587, 128 : i32
      %dma_start3A_589 = arith.constant 1 : i32
      %dma_start3A_590 = arith.constant 96 : i32
      %dma_start3A_591 = arith.constant 0 : i32
      %dma_start3A_592 = tpu.memref_slice %arg9[%dma_start3A_589, %dma_start3A_590, %dma_start3A_591] : memref<2x128x128xf32, #tpu.memory_space<vmem>> -> memref<1x16x128xf32, #tpu.memory_space<vmem>>
      %dma_start3A_593 = tpu.memref_squeeze %dma_start3A_592 : memref<1x16x128xf32, #tpu.memory_space<vmem>> -> memref<16x128xf32, #tpu.memory_space<vmem>>
      %dma_start3A_594 = arith.constant 0 : i32
      %dma_start3A_595 = tpu.memref_slice %arg4[%dma_start3A_594, %multiple_of3A_581] : memref<16x1000000xf32, #tpu.memory_space<hbm>> -> memref<16x128xf32, #tpu.memory_space<hbm>>
      %dma_start3A_596 = arith.constant 96 : i32
      %dma_start3A_597 = arith.constant 0 : i32
      %dma_start3A_598 = tpu.memref_slice %arg9[%dma_start3A_589, %dma_start3A_596, %dma_start3A_597] : memref<2x128x128xf32, #tpu.memory_space<vmem>> -> memref<1x16x128xf32, #tpu.memory_space<vmem>>
      %dma_start3A_599 = tpu.memref_squeeze %dma_start3A_598 : memref<1x16x128xf32, #tpu.memory_space<vmem>> -> memref<16x128xf32, #tpu.memory_space<vmem>>
      %dma_start3A_600 = arith.constant 0 : i32
      %dma_start3A_601 = tpu.memref_slice %arg4[%dma_start3A_600, %multiple_of3A_581] : memref<16x1000000xf32, #tpu.memory_space<hbm>> -> memref<16x128xf32, #tpu.memory_space<hbm>>
      tpu.enqueue_dma source(%dma_start3A_601 : memref<16x128xf32, #tpu.memory_space<hbm>>) target(%dma_start3A_599 : memref<16x128xf32, #tpu.memory_space<vmem>>) target_semaphore(%arg12 : memref<!tpu.dma_semaphore, #tpu.memory_space<semaphore_mem>>)
      %dma_start3A_602 = arith.constant 1 : i32
      %dma_start3A_603 = arith.constant 96 : i32
      %dma_start3A_604 = arith.constant 0 : i32
      %dma_start3A_605 = tpu.memref_slice %arg10[%dma_start3A_602, %dma_start3A_603, %dma_start3A_604] : memref<2x128x128xf32, #tpu.memory_space<vmem>> -> memref<1x16x128xf32, #tpu.memory_space<vmem>>
      %dma_start3A_606 = tpu.memref_squeeze %dma_start3A_605 : memref<1x16x128xf32, #tpu.memory_space<vmem>> -> memref<16x128xf32, #tpu.memory_space<vmem>>
      %dma_start3A_607 = arith.constant 0 : i32
      %dma_start3A_608 = tpu.memref_slice %arg5[%dma_start3A_607, %multiple_of3A_588] : memref<16x1000000xf32, #tpu.memory_space<hbm>> -> memref<16x128xf32, #tpu.memory_space<hbm>>
      %dma_start3A_609 = arith.constant 96 : i32
      %dma_start3A_610 = arith.constant 0 : i32
      %dma_start3A_611 = tpu.memref_slice %arg10[%dma_start3A_602, %dma_start3A_609, %dma_start3A_610] : memref<2x128x128xf32, #tpu.memory_space<vmem>> -> memref<1x16x128xf32, #tpu.memory_space<vmem>>
      %dma_start3A_612 = tpu.memref_squeeze %dma_start3A_611 : memref<1x16x128xf32, #tpu.memory_space<vmem>> -> memref<16x128xf32, #tpu.memory_space<vmem>>
      %dma_start3A_613 = arith.constant 0 : i32
      %dma_start3A_614 = tpu.memref_slice %arg5[%dma_start3A_613, %multiple_of3A_588] : memref<16x1000000xf32, #tpu.memory_space<hbm>> -> memref<16x128xf32, #tpu.memory_space<hbm>>
      tpu.enqueue_dma source(%dma_start3A_614 : memref<16x128xf32, #tpu.memory_space<hbm>>) target(%dma_start3A_612 : memref<16x128xf32, #tpu.memory_space<vmem>>) target_semaphore(%arg13 : memref<!tpu.dma_semaphore, #tpu.memory_space<semaphore_mem>>)
      %slice3A_615 = vector.extract_strided_slice %get3A_330 {offsets = [15], sizes = [1], strides = [1]} : vector<16xi32> to vector<1xi32>
      %squeeze3A_616 = vector.extract %slice3A_615[0] : i32 from vector<1xi32>
      %shift_right_arithmetic3A_617 = arith.constant 7 : i32
      %shift_right_arithmetic3A_618 = arith.shrsi %squeeze3A_616, %shift_right_arithmetic3A_617 : i32
      %mul3A_619 = arith.constant 128 : i32
      %mul3A_620 = arith.muli %shift_right_arithmetic3A_618, %mul3A_619 : i32
      %multiple_of3A_621 = tpu.assume_multiple %mul3A_620, 128 : i32
      %slice3A_622 = vector.extract_strided_slice %get3A_334 {offsets = [15], sizes = [1], strides = [1]} : vector<16xi32> to vector<1xi32>
      %squeeze3A_623 = vector.extract %slice3A_622[0] : i32 from vector<1xi32>
      %shift_right_arithmetic3A_624 = arith.constant 7 : i32
      %shift_right_arithmetic3A_625 = arith.shrsi %squeeze3A_623, %shift_right_arithmetic3A_624 : i32
      %mul3A_626 = arith.constant 128 : i32
      %mul3A_627 = arith.muli %shift_right_arithmetic3A_625, %mul3A_626 : i32
      %multiple_of3A_628 = tpu.assume_multiple %mul3A_627, 128 : i32
      %dma_start3A_629 = arith.constant 1 : i32
      %dma_start3A_630 = arith.constant 112 : i32
      %dma_start3A_631 = arith.constant 0 : i32
      %dma_start3A_632 = tpu.memref_slice %arg9[%dma_start3A_629, %dma_start3A_630, %dma_start3A_631] : memref<2x128x128xf32, #tpu.memory_space<vmem>> -> memref<1x16x128xf32, #tpu.memory_space<vmem>>
      %dma_start3A_633 = tpu.memref_squeeze %dma_start3A_632 : memref<1x16x128xf32, #tpu.memory_space<vmem>> -> memref<16x128xf32, #tpu.memory_space<vmem>>
      %dma_start3A_634 = arith.constant 0 : i32
      %dma_start3A_635 = tpu.memref_slice %arg4[%dma_start3A_634, %multiple_of3A_621] : memref<16x1000000xf32, #tpu.memory_space<hbm>> -> memref<16x128xf32, #tpu.memory_space<hbm>>
      %dma_start3A_636 = arith.constant 112 : i32
      %dma_start3A_637 = arith.constant 0 : i32
      %dma_start3A_638 = tpu.memref_slice %arg9[%dma_start3A_629, %dma_start3A_636, %dma_start3A_637] : memref<2x128x128xf32, #tpu.memory_space<vmem>> -> memref<1x16x128xf32, #tpu.memory_space<vmem>>
      %dma_start3A_639 = tpu.memref_squeeze %dma_start3A_638 : memref<1x16x128xf32, #tpu.memory_space<vmem>> -> memref<16x128xf32, #tpu.memory_space<vmem>>
      %dma_start3A_640 = arith.constant 0 : i32
      %dma_start3A_641 = tpu.memref_slice %arg4[%dma_start3A_640, %multiple_of3A_621] : memref<16x1000000xf32, #tpu.memory_space<hbm>> -> memref<16x128xf32, #tpu.memory_space<hbm>>
      tpu.enqueue_dma source(%dma_start3A_641 : memref<16x128xf32, #tpu.memory_space<hbm>>) target(%dma_start3A_639 : memref<16x128xf32, #tpu.memory_space<vmem>>) target_semaphore(%arg12 : memref<!tpu.dma_semaphore, #tpu.memory_space<semaphore_mem>>)
      %dma_start3A_642 = arith.constant 1 : i32
      %dma_start3A_643 = arith.constant 112 : i32
      %dma_start3A_644 = arith.constant 0 : i32
      %dma_start3A_645 = tpu.memref_slice %arg10[%dma_start3A_642, %dma_start3A_643, %dma_start3A_644] : memref<2x128x128xf32, #tpu.memory_space<vmem>> -> memref<1x16x128xf32, #tpu.memory_space<vmem>>
      %dma_start3A_646 = tpu.memref_squeeze %dma_start3A_645 : memref<1x16x128xf32, #tpu.memory_space<vmem>> -> memref<16x128xf32, #tpu.memory_space<vmem>>
      %dma_start3A_647 = arith.constant 0 : i32
      %dma_start3A_648 = tpu.memref_slice %arg5[%dma_start3A_647, %multiple_of3A_628] : memref<16x1000000xf32, #tpu.memory_space<hbm>> -> memref<16x128xf32, #tpu.memory_space<hbm>>
      %dma_start3A_649 = arith.constant 112 : i32
      %dma_start3A_650 = arith.constant 0 : i32
      %dma_start3A_651 = tpu.memref_slice %arg10[%dma_start3A_642, %dma_start3A_649, %dma_start3A_650] : memref<2x128x128xf32, #tpu.memory_space<vmem>> -> memref<1x16x128xf32, #tpu.memory_space<vmem>>
      %dma_start3A_652 = tpu.memref_squeeze %dma_start3A_651 : memref<1x16x128xf32, #tpu.memory_space<vmem>> -> memref<16x128xf32, #tpu.memory_space<vmem>>
      %dma_start3A_653 = arith.constant 0 : i32
      %dma_start3A_654 = tpu.memref_slice %arg5[%dma_start3A_653, %multiple_of3A_628] : memref<16x1000000xf32, #tpu.memory_space<hbm>> -> memref<16x128xf32, #tpu.memory_space<hbm>>
      tpu.enqueue_dma source(%dma_start3A_654 : memref<16x128xf32, #tpu.memory_space<hbm>>) target(%dma_start3A_652 : memref<16x128xf32, #tpu.memory_space<vmem>>) target_semaphore(%arg13 : memref<!tpu.dma_semaphore, #tpu.memory_space<semaphore_mem>>)
      %dma_wait3A = arith.constant 0 : i32
      %dma_wait3A_655 = arith.constant 0 : i32
      %dma_wait3A_656 = arith.constant 0 : i32
      %dma_wait3A_657 = tpu.memref_slice %arg9[%dma_wait3A, %dma_wait3A_655, %dma_wait3A_656] : memref<2x128x128xf32, #tpu.memory_space<vmem>> -> memref<1x128x128xf32, #tpu.memory_space<vmem>>
      %dma_wait3A_658 = tpu.memref_squeeze %dma_wait3A_657 : memref<1x128x128xf32, #tpu.memory_space<vmem>> -> memref<128x128xf32, #tpu.memory_space<vmem>>
      %dma_wait3A_659 = arith.constant 0 : i32
      %dma_wait3A_660 = arith.constant 0 : i32
      %dma_wait3A_661 = tpu.memref_slice %arg4[%dma_wait3A_659, %dma_wait3A_660] : memref<16x1000000xf32, #tpu.memory_space<hbm>> -> memref<16x1024xf32, #tpu.memory_space<hbm>>
      %dma_wait3A_662 = arith.constant 0 : i32
      %dma_wait3A_663 = arith.constant 0 : i32
      %dma_wait3A_664 = tpu.memref_slice %arg9[%dma_wait3A, %dma_wait3A_662, %dma_wait3A_663] : memref<2x128x128xf32, #tpu.memory_space<vmem>> -> memref<1x128x128xf32, #tpu.memory_space<vmem>>
      %dma_wait3A_665 = tpu.memref_squeeze %dma_wait3A_664 : memref<1x128x128xf32, #tpu.memory_space<vmem>> -> memref<128x128xf32, #tpu.memory_space<vmem>>
      %dma_wait3A_666 = arith.constant 0 : i32
      %dma_wait3A_667 = arith.constant 0 : i32
      %dma_wait3A_668 = tpu.memref_slice %arg4[%dma_wait3A_666, %dma_wait3A_667] : memref<16x1000000xf32, #tpu.memory_space<hbm>> -> memref<16x1024xf32, #tpu.memory_space<hbm>>
      tpu.wait_dma2 semaphore(%arg12 : memref<!tpu.dma_semaphore, #tpu.memory_space<semaphore_mem>>) src(%dma_wait3A_668 : memref<16x1024xf32, #tpu.memory_space<hbm>>) dst(%dma_wait3A_665 : memref<128x128xf32, #tpu.memory_space<vmem>>)
      %dma_wait3A_669 = arith.constant 0 : i32
      %dma_wait3A_670 = arith.constant 0 : i32
      %dma_wait3A_671 = arith.constant 0 : i32
      %dma_wait3A_672 = tpu.memref_slice %arg10[%dma_wait3A_669, %dma_wait3A_670, %dma_wait3A_671] : memref<2x128x128xf32, #tpu.memory_space<vmem>> -> memref<1x128x128xf32, #tpu.memory_space<vmem>>
      %dma_wait3A_673 = tpu.memref_squeeze %dma_wait3A_672 : memref<1x128x128xf32, #tpu.memory_space<vmem>> -> memref<128x128xf32, #tpu.memory_space<vmem>>
      %dma_wait3A_674 = arith.constant 0 : i32
      %dma_wait3A_675 = arith.constant 0 : i32
      %dma_wait3A_676 = tpu.memref_slice %arg5[%dma_wait3A_674, %dma_wait3A_675] : memref<16x1000000xf32, #tpu.memory_space<hbm>> -> memref<16x1024xf32, #tpu.memory_space<hbm>>
      %dma_wait3A_677 = arith.constant 0 : i32
      %dma_wait3A_678 = arith.constant 0 : i32
      %dma_wait3A_679 = tpu.memref_slice %arg10[%dma_wait3A_669, %dma_wait3A_677, %dma_wait3A_678] : memref<2x128x128xf32, #tpu.memory_space<vmem>> -> memref<1x128x128xf32, #tpu.memory_space<vmem>>
      %dma_wait3A_680 = tpu.memref_squeeze %dma_wait3A_679 : memref<1x128x128xf32, #tpu.memory_space<vmem>> -> memref<128x128xf32, #tpu.memory_space<vmem>>
      %dma_wait3A_681 = arith.constant 0 : i32
      %dma_wait3A_682 = arith.constant 0 : i32
      %dma_wait3A_683 = tpu.memref_slice %arg5[%dma_wait3A_681, %dma_wait3A_682] : memref<16x1000000xf32, #tpu.memory_space<hbm>> -> memref<16x1024xf32, #tpu.memory_space<hbm>>
      tpu.wait_dma2 semaphore(%arg13 : memref<!tpu.dma_semaphore, #tpu.memory_space<semaphore_mem>>) src(%dma_wait3A_683 : memref<16x1024xf32, #tpu.memory_space<hbm>>) dst(%dma_wait3A_680 : memref<128x128xf32, #tpu.memory_space<vmem>>)
      %broadcast_in_dim3A = arith.constant 0.000000e+00 : f32
      %broadcast_in_dim3A_684 = vector.broadcast %broadcast_in_dim3A : f32 to vector<16xf32>
      %mul3A_685 = arith.constant 16 : i32
      %mul3A_686 = arith.muli %scan3A_326, %mul3A_685 : i32
      %get3A_687 = arith.index_cast %mul3A_686 : i32 to index
      %get3A_688 = tpu.vector_load %arg7[%get3A_687] {strides = array<i32>} : memref<512xi32, #tpu.memory_space<vmem>>, vector<16xi32>,
      %and3A = arith.constant 127 : i32
      %and3A_689 = vector.broadcast %and3A : i32 to vector<16xi32>
      %and3A_690 = arith.andi %get3A_688, %and3A_689 : vector<16xi32>
      %mul3A_691 = arith.constant 16 : i32
      %mul3A_692 = arith.muli %scan3A_326, %mul3A_691 : i32
      %get3A_693 = arith.index_cast %mul3A_692 : i32 to index
      %get3A_694 = tpu.vector_load %arg8[%get3A_693] {strides = array<i32>} : memref<512xi32, #tpu.memory_space<vmem>>, vector<16xi32>,
      %and3A_695 = arith.constant 127 : i32
      %and3A_696 = vector.broadcast %and3A_695 : i32 to vector<16xi32>
      %and3A_697 = arith.andi %get3A_694, %and3A_696 : vector<16xi32>
      %broadcast_in_dim3A_698 = arith.constant 0 : i32
      %broadcast_in_dim3A_699 = vector.broadcast %broadcast_in_dim3A_698 : i32 to vector<16xi32>
      %add3A_700 = arith.constant 0 : i32
      %add3A_701 = vector.broadcast %add3A_700 : i32 to vector<16xi32>
      %add3A_702 = arith.addi %add3A_701, %iota3A : vector<16xi32>
      %slice3A_703 = vector.extract_strided_slice %and3A_690 {offsets = [0], sizes = [1], strides = [1]} : vector<16xi32> to vector<1xi32>
      %squeeze3A_704 = vector.extract %slice3A_703[0] : i32 from vector<1xi32>
      %broadcast_in_dim3A_705 = vector.broadcast %squeeze3A_704 : i32 to vector<16xi32>
      %gather3A = tpu.vector_load_idx %arg9[%broadcast_in_dim3A_699, %add3A_702, %broadcast_in_dim3A_705] : memref<2x128x128xf32, #tpu.memory_space<vmem>>[vector<16xi32>, vector<16xi32>, vector<16xi32>], vector<16xf32>,
      %add3A_706 = arith.constant 0 : i32
      %add3A_707 = vector.broadcast %add3A_706 : i32 to vector<16xi32>
      %add3A_708 = arith.addi %add3A_707, %iota3A : vector<16xi32>
      %slice3A_709 = vector.extract_strided_slice %and3A_697 {offsets = [0], sizes = [1], strides = [1]} : vector<16xi32> to vector<1xi32>
      %squeeze3A_710 = vector.extract %slice3A_709[0] : i32 from vector<1xi32>
      %broadcast_in_dim3A_711 = vector.broadcast %squeeze3A_710 : i32 to vector<16xi32>
      %gather3A_712 = tpu.vector_load_idx %arg10[%broadcast_in_dim3A_699, %add3A_708, %broadcast_in_dim3A_711] : memref<2x128x128xf32, #tpu.memory_space<vmem>>[vector<16xi32>, vector<16xi32>, vector<16xi32>], vector<16xf32>,
      %mul3A_713 = arith.mulf %gather3A, %gather3A_712 : vector<16xf32>
      %xor3A = arith.constant 1 : i32
      %xor3A_714 = vector.broadcast %xor3A : i32 to vector<16xi32>
      %xor3A_715 = arith.xori %iota3A, %xor3A_714 : vector<16xi32>
      %broadcast_in_dim3A_716 = vector.shape_cast %xor3A_715 : vector<16xi32> to vector<16x1xi32>
      %gather3A_717 = vector.shape_cast %broadcast_in_dim3A_716 : vector<16x1xi32> to vector<16xi32>
      %gather3A_718 = tpu.dynamic_gather %mul3A_713[%gather3A_717] in [0] : vector<16xf32>, vector<16xi32> -> vector<16xf32>
      %add3A_719 = arith.addf %mul3A_713, %gather3A_718 : vector<16xf32>
      %xor3A_720 = arith.constant 2 : i32
      %xor3A_721 = vector.broadcast %xor3A_720 : i32 to vector<16xi32>
      %xor3A_722 = arith.xori %iota3A, %xor3A_721 : vector<16xi32>
      %broadcast_in_dim3A_723 = vector.shape_cast %xor3A_722 : vector<16xi32> to vector<16x1xi32>
      %gather3A_724 = vector.shape_cast %broadcast_in_dim3A_723 : vector<16x1xi32> to vector<16xi32>
      %gather3A_725 = tpu.dynamic_gather %add3A_719[%gather3A_724] in [0] : vector<16xf32>, vector<16xi32> -> vector<16xf32>
      %add3A_726 = arith.addf %add3A_719, %gather3A_725 : vector<16xf32>
      %xor3A_727 = arith.constant 4 : i32
      %xor3A_728 = vector.broadcast %xor3A_727 : i32 to vector<16xi32>
      %xor3A_729 = arith.xori %iota3A, %xor3A_728 : vector<16xi32>
      %broadcast_in_dim3A_730 = vector.shape_cast %xor3A_729 : vector<16xi32> to vector<16x1xi32>
      %gather3A_731 = vector.shape_cast %broadcast_in_dim3A_730 : vector<16x1xi32> to vector<16xi32>
      %gather3A_732 = tpu.dynamic_gather %add3A_726[%gather3A_731] in [0] : vector<16xf32>, vector<16xi32> -> vector<16xf32>
      %add3A_733 = arith.addf %add3A_726, %gather3A_732 : vector<16xf32>
      %xor3A_734 = arith.constant 8 : i32
      %xor3A_735 = vector.broadcast %xor3A_734 : i32 to vector<16xi32>
      %xor3A_736 = arith.xori %iota3A, %xor3A_735 : vector<16xi32>
      %broadcast_in_dim3A_737 = vector.shape_cast %xor3A_736 : vector<16xi32> to vector<16x1xi32>
      %gather3A_738 = vector.shape_cast %broadcast_in_dim3A_737 : vector<16x1xi32> to vector<16xi32>
      %gather3A_739 = tpu.dynamic_gather %add3A_733[%gather3A_738] in [0] : vector<16xf32>, vector<16xi32> -> vector<16xf32>
      %add3A_740 = arith.addf %add3A_733, %gather3A_739 : vector<16xf32>
      %eq3A = arith.constant 0 : i32
      %eq3A_741 = vector.broadcast %eq3A : i32 to vector<16xi32>
      %eq3A_742 = arith.cmpi eq, %iota3A, %eq3A_741 : vector<16xi32>
      %select_n3A = arith.select %eq3A_742, %add3A_740, %broadcast_in_dim3A_684 : vector<16xi1>, vector<16xf32>
      %add3A_743 = arith.constant 16 : i32
      %add3A_744 = vector.broadcast %add3A_743 : i32 to vector<16xi32>
      %add3A_745 = arith.addi %add3A_744, %iota3A : vector<16xi32>
      %slice3A_746 = vector.extract_strided_slice %and3A_690 {offsets = [1], sizes = [1], strides = [1]} : vector<16xi32> to vector<1xi32>
      %squeeze3A_747 = vector.extract %slice3A_746[0] : i32 from vector<1xi32>
      %broadcast_in_dim3A_748 = vector.broadcast %squeeze3A_747 : i32 to vector<16xi32>
      %gather3A_749 = tpu.vector_load_idx %arg9[%broadcast_in_dim3A_699, %add3A_745, %broadcast_in_dim3A_748] : memref<2x128x128xf32, #tpu.memory_space<vmem>>[vector<16xi32>, vector<16xi32>, vector<16xi32>], vector<16xf32>,
      %add3A_750 = arith.constant 16 : i32
      %add3A_751 = vector.broadcast %add3A_750 : i32 to vector<16xi32>
      %add3A_752 = arith.addi %add3A_751, %iota3A : vector<16xi32>
      %slice3A_753 = vector.extract_strided_slice %and3A_697 {offsets = [1], sizes = [1], strides = [1]} : vector<16xi32> to vector<1xi32>
      %squeeze3A_754 = vector.extract %slice3A_753[0] : i32 from vector<1xi32>
      %broadcast_in_dim3A_755 = vector.broadcast %squeeze3A_754 : i32 to vector<16xi32>
      %gather3A_756 = tpu.vector_load_idx %arg10[%broadcast_in_dim3A_699, %add3A_752, %broadcast_in_dim3A_755] : memref<2x128x128xf32, #tpu.memory_space<vmem>>[vector<16xi32>, vector<16xi32>, vector<16xi32>], vector<16xf32>,
      %mul3A_757 = arith.mulf %gather3A_749, %gather3A_756 : vector<16xf32>
      %xor3A_758 = arith.constant 1 : i32
      %xor3A_759 = vector.broadcast %xor3A_758 : i32 to vector<16xi32>
      %xor3A_760 = arith.xori %iota3A, %xor3A_759 : vector<16xi32>
      %broadcast_in_dim3A_761 = vector.shape_cast %xor3A_760 : vector<16xi32> to vector<16x1xi32>
      %gather3A_762 = vector.shape_cast %broadcast_in_dim3A_761 : vector<16x1xi32> to vector<16xi32>
      %gather3A_763 = tpu.dynamic_gather %mul3A_757[%gather3A_762] in [0] : vector<16xf32>, vector<16xi32> -> vector<16xf32>
      %add3A_764 = arith.addf %mul3A_757, %gather3A_763 : vector<16xf32>
      %xor3A_765 = arith.constant 2 : i32
      %xor3A_766 = vector.broadcast %xor3A_765 : i32 to vector<16xi32>
      %xor3A_767 = arith.xori %iota3A, %xor3A_766 : vector<16xi32>
      %broadcast_in_dim3A_768 = vector.shape_cast %xor3A_767 : vector<16xi32> to vector<16x1xi32>
      %gather3A_769 = vector.shape_cast %broadcast_in_dim3A_768 : vector<16x1xi32> to vector<16xi32>
      %gather3A_770 = tpu.dynamic_gather %add3A_764[%gather3A_769] in [0] : vector<16xf32>, vector<16xi32> -> vector<16xf32>
      %add3A_771 = arith.addf %add3A_764, %gather3A_770 : vector<16xf32>
      %xor3A_772 = arith.constant 4 : i32
      %xor3A_773 = vector.broadcast %xor3A_772 : i32 to vector<16xi32>
      %xor3A_774 = arith.xori %iota3A, %xor3A_773 : vector<16xi32>
      %broadcast_in_dim3A_775 = vector.shape_cast %xor3A_774 : vector<16xi32> to vector<16x1xi32>
      %gather3A_776 = vector.shape_cast %broadcast_in_dim3A_775 : vector<16x1xi32> to vector<16xi32>
      %gather3A_777 = tpu.dynamic_gather %add3A_771[%gather3A_776] in [0] : vector<16xf32>, vector<16xi32> -> vector<16xf32>
      %add3A_778 = arith.addf %add3A_771, %gather3A_777 : vector<16xf32>
      %xor3A_779 = arith.constant 8 : i32
      %xor3A_780 = vector.broadcast %xor3A_779 : i32 to vector<16xi32>
      %xor3A_781 = arith.xori %iota3A, %xor3A_780 : vector<16xi32>
      %broadcast_in_dim3A_782 = vector.shape_cast %xor3A_781 : vector<16xi32> to vector<16x1xi32>
      %gather3A_783 = vector.shape_cast %broadcast_in_dim3A_782 : vector<16x1xi32> to vector<16xi32>
      %gather3A_784 = tpu.dynamic_gather %add3A_778[%gather3A_783] in [0] : vector<16xf32>, vector<16xi32> -> vector<16xf32>
      %add3A_785 = arith.addf %add3A_778, %gather3A_784 : vector<16xf32>
      %eq3A_786 = arith.constant 1 : i32
      %eq3A_787 = vector.broadcast %eq3A_786 : i32 to vector<16xi32>
      %eq3A_788 = arith.cmpi eq, %iota3A, %eq3A_787 : vector<16xi32>
      %select_n3A_789 = arith.select %eq3A_788, %add3A_785, %select_n3A : vector<16xi1>, vector<16xf32>
      %add3A_790 = arith.constant 32 : i32
      %add3A_791 = vector.broadcast %add3A_790 : i32 to vector<16xi32>
      %add3A_792 = arith.addi %add3A_791, %iota3A : vector<16xi32>
      %slice3A_793 = vector.extract_strided_slice %and3A_690 {offsets = [2], sizes = [1], strides = [1]} : vector<16xi32> to vector<1xi32>
      %squeeze3A_794 = vector.extract %slice3A_793[0] : i32 from vector<1xi32>
      %broadcast_in_dim3A_795 = vector.broadcast %squeeze3A_794 : i32 to vector<16xi32>
      %gather3A_796 = tpu.vector_load_idx %arg9[%broadcast_in_dim3A_699, %add3A_792, %broadcast_in_dim3A_795] : memref<2x128x128xf32, #tpu.memory_space<vmem>>[vector<16xi32>, vector<16xi32>, vector<16xi32>], vector<16xf32>,
      %add3A_797 = arith.constant 32 : i32
      %add3A_798 = vector.broadcast %add3A_797 : i32 to vector<16xi32>
      %add3A_799 = arith.addi %add3A_798, %iota3A : vector<16xi32>
      %slice3A_800 = vector.extract_strided_slice %and3A_697 {offsets = [2], sizes = [1], strides = [1]} : vector<16xi32> to vector<1xi32>
      %squeeze3A_801 = vector.extract %slice3A_800[0] : i32 from vector<1xi32>
      %broadcast_in_dim3A_802 = vector.broadcast %squeeze3A_801 : i32 to vector<16xi32>
      %gather3A_803 = tpu.vector_load_idx %arg10[%broadcast_in_dim3A_699, %add3A_799, %broadcast_in_dim3A_802] : memref<2x128x128xf32, #tpu.memory_space<vmem>>[vector<16xi32>, vector<16xi32>, vector<16xi32>], vector<16xf32>,
      %mul3A_804 = arith.mulf %gather3A_796, %gather3A_803 : vector<16xf32>
      %xor3A_805 = arith.constant 1 : i32
      %xor3A_806 = vector.broadcast %xor3A_805 : i32 to vector<16xi32>
      %xor3A_807 = arith.xori %iota3A, %xor3A_806 : vector<16xi32>
      %broadcast_in_dim3A_808 = vector.shape_cast %xor3A_807 : vector<16xi32> to vector<16x1xi32>
      %gather3A_809 = vector.shape_cast %broadcast_in_dim3A_808 : vector<16x1xi32> to vector<16xi32>
      %gather3A_810 = tpu.dynamic_gather %mul3A_804[%gather3A_809] in [0] : vector<16xf32>, vector<16xi32> -> vector<16xf32>
      %add3A_811 = arith.addf %mul3A_804, %gather3A_810 : vector<16xf32>
      %xor3A_812 = arith.constant 2 : i32
      %xor3A_813 = vector.broadcast %xor3A_812 : i32 to vector<16xi32>
      %xor3A_814 = arith.xori %iota3A, %xor3A_813 : vector<16xi32>
      %broadcast_in_dim3A_815 = vector.shape_cast %xor3A_814 : vector<16xi32> to vector<16x1xi32>
      %gather3A_816 = vector.shape_cast %broadcast_in_dim3A_815 : vector<16x1xi32> to vector<16xi32>
      %gather3A_817 = tpu.dynamic_gather %add3A_811[%gather3A_816] in [0] : vector<16xf32>, vector<16xi32> -> vector<16xf32>
      %add3A_818 = arith.addf %add3A_811, %gather3A_817 : vector<16xf32>
      %xor3A_819 = arith.constant 4 : i32
      %xor3A_820 = vector.broadcast %xor3A_819 : i32 to vector<16xi32>
      %xor3A_821 = arith.xori %iota3A, %xor3A_820 : vector<16xi32>
      %broadcast_in_dim3A_822 = vector.shape_cast %xor3A_821 : vector<16xi32> to vector<16x1xi32>
      %gather3A_823 = vector.shape_cast %broadcast_in_dim3A_822 : vector<16x1xi32> to vector<16xi32>
      %gather3A_824 = tpu.dynamic_gather %add3A_818[%gather3A_823] in [0] : vector<16xf32>, vector<16xi32> -> vector<16xf32>
      %add3A_825 = arith.addf %add3A_818, %gather3A_824 : vector<16xf32>
      %xor3A_826 = arith.constant 8 : i32
      %xor3A_827 = vector.broadcast %xor3A_826 : i32 to vector<16xi32>
      %xor3A_828 = arith.xori %iota3A, %xor3A_827 : vector<16xi32>
      %broadcast_in_dim3A_829 = vector.shape_cast %xor3A_828 : vector<16xi32> to vector<16x1xi32>
      %gather3A_830 = vector.shape_cast %broadcast_in_dim3A_829 : vector<16x1xi32> to vector<16xi32>
      %gather3A_831 = tpu.dynamic_gather %add3A_825[%gather3A_830] in [0] : vector<16xf32>, vector<16xi32> -> vector<16xf32>
      %add3A_832 = arith.addf %add3A_825, %gather3A_831 : vector<16xf32>
      %eq3A_833 = arith.constant 2 : i32
      %eq3A_834 = vector.broadcast %eq3A_833 : i32 to vector<16xi32>
      %eq3A_835 = arith.cmpi eq, %iota3A, %eq3A_834 : vector<16xi32>
      %select_n3A_836 = arith.select %eq3A_835, %add3A_832, %select_n3A_789 : vector<16xi1>, vector<16xf32>
      %add3A_837 = arith.constant 48 : i32
      %add3A_838 = vector.broadcast %add3A_837 : i32 to vector<16xi32>
      %add3A_839 = arith.addi %add3A_838, %iota3A : vector<16xi32>
      %slice3A_840 = vector.extract_strided_slice %and3A_690 {offsets = [3], sizes = [1], strides = [1]} : vector<16xi32> to vector<1xi32>
      %squeeze3A_841 = vector.extract %slice3A_840[0] : i32 from vector<1xi32>
      %broadcast_in_dim3A_842 = vector.broadcast %squeeze3A_841 : i32 to vector<16xi32>
      %gather3A_843 = tpu.vector_load_idx %arg9[%broadcast_in_dim3A_699, %add3A_839, %broadcast_in_dim3A_842] : memref<2x128x128xf32, #tpu.memory_space<vmem>>[vector<16xi32>, vector<16xi32>, vector<16xi32>], vector<16xf32>,
      %add3A_844 = arith.constant 48 : i32
      %add3A_845 = vector.broadcast %add3A_844 : i32 to vector<16xi32>
      %add3A_846 = arith.addi %add3A_845, %iota3A : vector<16xi32>
      %slice3A_847 = vector.extract_strided_slice %and3A_697 {offsets = [3], sizes = [1], strides = [1]} : vector<16xi32> to vector<1xi32>
      %squeeze3A_848 = vector.extract %slice3A_847[0] : i32 from vector<1xi32>
      %broadcast_in_dim3A_849 = vector.broadcast %squeeze3A_848 : i32 to vector<16xi32>
      %gather3A_850 = tpu.vector_load_idx %arg10[%broadcast_in_dim3A_699, %add3A_846, %broadcast_in_dim3A_849] : memref<2x128x128xf32, #tpu.memory_space<vmem>>[vector<16xi32>, vector<16xi32>, vector<16xi32>], vector<16xf32>,
      %mul3A_851 = arith.mulf %gather3A_843, %gather3A_850 : vector<16xf32>
      %xor3A_852 = arith.constant 1 : i32
      %xor3A_853 = vector.broadcast %xor3A_852 : i32 to vector<16xi32>
      %xor3A_854 = arith.xori %iota3A, %xor3A_853 : vector<16xi32>
      %broadcast_in_dim3A_855 = vector.shape_cast %xor3A_854 : vector<16xi32> to vector<16x1xi32>
      %gather3A_856 = vector.shape_cast %broadcast_in_dim3A_855 : vector<16x1xi32> to vector<16xi32>
      %gather3A_857 = tpu.dynamic_gather %mul3A_851[%gather3A_856] in [0] : vector<16xf32>, vector<16xi32> -> vector<16xf32>
      %add3A_858 = arith.addf %mul3A_851, %gather3A_857 : vector<16xf32>
      %xor3A_859 = arith.constant 2 : i32
      %xor3A_860 = vector.broadcast %xor3A_859 : i32 to vector<16xi32>
      %xor3A_861 = arith.xori %iota3A, %xor3A_860 : vector<16xi32>
      %broadcast_in_dim3A_862 = vector.shape_cast %xor3A_861 : vector<16xi32> to vector<16x1xi32>
      %gather3A_863 = vector.shape_cast %broadcast_in_dim3A_862 : vector<16x1xi32> to vector<16xi32>
      %gather3A_864 = tpu.dynamic_gather %add3A_858[%gather3A_863] in [0] : vector<16xf32>, vector<16xi32> -> vector<16xf32>
      %add3A_865 = arith.addf %add3A_858, %gather3A_864 : vector<16xf32>
      %xor3A_866 = arith.constant 4 : i32
      %xor3A_867 = vector.broadcast %xor3A_866 : i32 to vector<16xi32>
      %xor3A_868 = arith.xori %iota3A, %xor3A_867 : vector<16xi32>
      %broadcast_in_dim3A_869 = vector.shape_cast %xor3A_868 : vector<16xi32> to vector<16x1xi32>
      %gather3A_870 = vector.shape_cast %broadcast_in_dim3A_869 : vector<16x1xi32> to vector<16xi32>
      %gather3A_871 = tpu.dynamic_gather %add3A_865[%gather3A_870] in [0] : vector<16xf32>, vector<16xi32> -> vector<16xf32>
      %add3A_872 = arith.addf %add3A_865, %gather3A_871 : vector<16xf32>
      %xor3A_873 = arith.constant 8 : i32
      %xor3A_874 = vector.broadcast %xor3A_873 : i32 to vector<16xi32>
      %xor3A_875 = arith.xori %iota3A, %xor3A_874 : vector<16xi32>
      %broadcast_in_dim3A_876 = vector.shape_cast %xor3A_875 : vector<16xi32> to vector<16x1xi32>
      %gather3A_877 = vector.shape_cast %broadcast_in_dim3A_876 : vector<16x1xi32> to vector<16xi32>
      %gather3A_878 = tpu.dynamic_gather %add3A_872[%gather3A_877] in [0] : vector<16xf32>, vector<16xi32> -> vector<16xf32>
      %add3A_879 = arith.addf %add3A_872, %gather3A_878 : vector<16xf32>
      %eq3A_880 = arith.constant 3 : i32
      %eq3A_881 = vector.broadcast %eq3A_880 : i32 to vector<16xi32>
      %eq3A_882 = arith.cmpi eq, %iota3A, %eq3A_881 : vector<16xi32>
      %select_n3A_883 = arith.select %eq3A_882, %add3A_879, %select_n3A_836 : vector<16xi1>, vector<16xf32>
      %add3A_884 = arith.constant 64 : i32
      %add3A_885 = vector.broadcast %add3A_884 : i32 to vector<16xi32>
      %add3A_886 = arith.addi %add3A_885, %iota3A : vector<16xi32>
      %slice3A_887 = vector.extract_strided_slice %and3A_690 {offsets = [4], sizes = [1], strides = [1]} : vector<16xi32> to vector<1xi32>
      %squeeze3A_888 = vector.extract %slice3A_887[0] : i32 from vector<1xi32>
      %broadcast_in_dim3A_889 = vector.broadcast %squeeze3A_888 : i32 to vector<16xi32>
      %gather3A_890 = tpu.vector_load_idx %arg9[%broadcast_in_dim3A_699, %add3A_886, %broadcast_in_dim3A_889] : memref<2x128x128xf32, #tpu.memory_space<vmem>>[vector<16xi32>, vector<16xi32>, vector<16xi32>], vector<16xf32>,
      %add3A_891 = arith.constant 64 : i32
      %add3A_892 = vector.broadcast %add3A_891 : i32 to vector<16xi32>
      %add3A_893 = arith.addi %add3A_892, %iota3A : vector<16xi32>
      %slice3A_894 = vector.extract_strided_slice %and3A_697 {offsets = [4], sizes = [1], strides = [1]} : vector<16xi32> to vector<1xi32>
      %squeeze3A_895 = vector.extract %slice3A_894[0] : i32 from vector<1xi32>
      %broadcast_in_dim3A_896 = vector.broadcast %squeeze3A_895 : i32 to vector<16xi32>
      %gather3A_897 = tpu.vector_load_idx %arg10[%broadcast_in_dim3A_699, %add3A_893, %broadcast_in_dim3A_896] : memref<2x128x128xf32, #tpu.memory_space<vmem>>[vector<16xi32>, vector<16xi32>, vector<16xi32>], vector<16xf32>,
      %mul3A_898 = arith.mulf %gather3A_890, %gather3A_897 : vector<16xf32>
      %xor3A_899 = arith.constant 1 : i32
      %xor3A_900 = vector.broadcast %xor3A_899 : i32 to vector<16xi32>
      %xor3A_901 = arith.xori %iota3A, %xor3A_900 : vector<16xi32>
      %broadcast_in_dim3A_902 = vector.shape_cast %xor3A_901 : vector<16xi32> to vector<16x1xi32>
      %gather3A_903 = vector.shape_cast %broadcast_in_dim3A_902 : vector<16x1xi32> to vector<16xi32>
      %gather3A_904 = tpu.dynamic_gather %mul3A_898[%gather3A_903] in [0] : vector<16xf32>, vector<16xi32> -> vector<16xf32>
      %add3A_905 = arith.addf %mul3A_898, %gather3A_904 : vector<16xf32>
      %xor3A_906 = arith.constant 2 : i32
      %xor3A_907 = vector.broadcast %xor3A_906 : i32 to vector<16xi32>
      %xor3A_908 = arith.xori %iota3A, %xor3A_907 : vector<16xi32>
      %broadcast_in_dim3A_909 = vector.shape_cast %xor3A_908 : vector<16xi32> to vector<16x1xi32>
      %gather3A_910 = vector.shape_cast %broadcast_in_dim3A_909 : vector<16x1xi32> to vector<16xi32>
      %gather3A_911 = tpu.dynamic_gather %add3A_905[%gather3A_910] in [0] : vector<16xf32>, vector<16xi32> -> vector<16xf32>
      %add3A_912 = arith.addf %add3A_905, %gather3A_911 : vector<16xf32>
      %xor3A_913 = arith.constant 4 : i32
      %xor3A_914 = vector.broadcast %xor3A_913 : i32 to vector<16xi32>
      %xor3A_915 = arith.xori %iota3A, %xor3A_914 : vector<16xi32>
      %broadcast_in_dim3A_916 = vector.shape_cast %xor3A_915 : vector<16xi32> to vector<16x1xi32>
      %gather3A_917 = vector.shape_cast %broadcast_in_dim3A_916 : vector<16x1xi32> to vector<16xi32>
      %gather3A_918 = tpu.dynamic_gather %add3A_912[%gather3A_917] in [0] : vector<16xf32>, vector<16xi32> -> vector<16xf32>
      %add3A_919 = arith.addf %add3A_912, %gather3A_918 : vector<16xf32>
      %xor3A_920 = arith.constant 8 : i32
      %xor3A_921 = vector.broadcast %xor3A_920 : i32 to vector<16xi32>
      %xor3A_922 = arith.xori %iota3A, %xor3A_921 : vector<16xi32>
      %broadcast_in_dim3A_923 = vector.shape_cast %xor3A_922 : vector<16xi32> to vector<16x1xi32>
      %gather3A_924 = vector.shape_cast %broadcast_in_dim3A_923 : vector<16x1xi32> to vector<16xi32>
      %gather3A_925 = tpu.dynamic_gather %add3A_919[%gather3A_924] in [0] : vector<16xf32>, vector<16xi32> -> vector<16xf32>
      %add3A_926 = arith.addf %add3A_919, %gather3A_925 : vector<16xf32>
      %eq3A_927 = arith.constant 4 : i32
      %eq3A_928 = vector.broadcast %eq3A_927 : i32 to vector<16xi32>
      %eq3A_929 = arith.cmpi eq, %iota3A, %eq3A_928 : vector<16xi32>
      %select_n3A_930 = arith.select %eq3A_929, %add3A_926, %select_n3A_883 : vector<16xi1>, vector<16xf32>
      %add3A_931 = arith.constant 80 : i32
      %add3A_932 = vector.broadcast %add3A_931 : i32 to vector<16xi32>
      %add3A_933 = arith.addi %add3A_932, %iota3A : vector<16xi32>
      %slice3A_934 = vector.extract_strided_slice %and3A_690 {offsets = [5], sizes = [1], strides = [1]} : vector<16xi32> to vector<1xi32>
      %squeeze3A_935 = vector.extract %slice3A_934[0] : i32 from vector<1xi32>
      %broadcast_in_dim3A_936 = vector.broadcast %squeeze3A_935 : i32 to vector<16xi32>
      %gather3A_937 = tpu.vector_load_idx %arg9[%broadcast_in_dim3A_699, %add3A_933, %broadcast_in_dim3A_936] : memref<2x128x128xf32, #tpu.memory_space<vmem>>[vector<16xi32>, vector<16xi32>, vector<16xi32>], vector<16xf32>,
      %add3A_938 = arith.constant 80 : i32
      %add3A_939 = vector.broadcast %add3A_938 : i32 to vector<16xi32>
      %add3A_940 = arith.addi %add3A_939, %iota3A : vector<16xi32>
      %slice3A_941 = vector.extract_strided_slice %and3A_697 {offsets = [5], sizes = [1], strides = [1]} : vector<16xi32> to vector<1xi32>
      %squeeze3A_942 = vector.extract %slice3A_941[0] : i32 from vector<1xi32>
      %broadcast_in_dim3A_943 = vector.broadcast %squeeze3A_942 : i32 to vector<16xi32>
      %gather3A_944 = tpu.vector_load_idx %arg10[%broadcast_in_dim3A_699, %add3A_940, %broadcast_in_dim3A_943] : memref<2x128x128xf32, #tpu.memory_space<vmem>>[vector<16xi32>, vector<16xi32>, vector<16xi32>], vector<16xf32>,
      %mul3A_945 = arith.mulf %gather3A_937, %gather3A_944 : vector<16xf32>
      %xor3A_946 = arith.constant 1 : i32
      %xor3A_947 = vector.broadcast %xor3A_946 : i32 to vector<16xi32>
      %xor3A_948 = arith.xori %iota3A, %xor3A_947 : vector<16xi32>
      %broadcast_in_dim3A_949 = vector.shape_cast %xor3A_948 : vector<16xi32> to vector<16x1xi32>
      %gather3A_950 = vector.shape_cast %broadcast_in_dim3A_949 : vector<16x1xi32> to vector<16xi32>
      %gather3A_951 = tpu.dynamic_gather %mul3A_945[%gather3A_950] in [0] : vector<16xf32>, vector<16xi32> -> vector<16xf32>
      %add3A_952 = arith.addf %mul3A_945, %gather3A_951 : vector<16xf32>
      %xor3A_953 = arith.constant 2 : i32
      %xor3A_954 = vector.broadcast %xor3A_953 : i32 to vector<16xi32>
      %xor3A_955 = arith.xori %iota3A, %xor3A_954 : vector<16xi32>
      %broadcast_in_dim3A_956 = vector.shape_cast %xor3A_955 : vector<16xi32> to vector<16x1xi32>
      %gather3A_957 = vector.shape_cast %broadcast_in_dim3A_956 : vector<16x1xi32> to vector<16xi32>
      %gather3A_958 = tpu.dynamic_gather %add3A_952[%gather3A_957] in [0] : vector<16xf32>, vector<16xi32> -> vector<16xf32>
      %add3A_959 = arith.addf %add3A_952, %gather3A_958 : vector<16xf32>
      %xor3A_960 = arith.constant 4 : i32
      %xor3A_961 = vector.broadcast %xor3A_960 : i32 to vector<16xi32>
      %xor3A_962 = arith.xori %iota3A, %xor3A_961 : vector<16xi32>
      %broadcast_in_dim3A_963 = vector.shape_cast %xor3A_962 : vector<16xi32> to vector<16x1xi32>
      %gather3A_964 = vector.shape_cast %broadcast_in_dim3A_963 : vector<16x1xi32> to vector<16xi32>
      %gather3A_965 = tpu.dynamic_gather %add3A_959[%gather3A_964] in [0] : vector<16xf32>, vector<16xi32> -> vector<16xf32>
      %add3A_966 = arith.addf %add3A_959, %gather3A_965 : vector<16xf32>
      %xor3A_967 = arith.constant 8 : i32
      %xor3A_968 = vector.broadcast %xor3A_967 : i32 to vector<16xi32>
      %xor3A_969 = arith.xori %iota3A, %xor3A_968 : vector<16xi32>
      %broadcast_in_dim3A_970 = vector.shape_cast %xor3A_969 : vector<16xi32> to vector<16x1xi32>
      %gather3A_971 = vector.shape_cast %broadcast_in_dim3A_970 : vector<16x1xi32> to vector<16xi32>
      %gather3A_972 = tpu.dynamic_gather %add3A_966[%gather3A_971] in [0] : vector<16xf32>, vector<16xi32> -> vector<16xf32>
      %add3A_973 = arith.addf %add3A_966, %gather3A_972 : vector<16xf32>
      %eq3A_974 = arith.constant 5 : i32
      %eq3A_975 = vector.broadcast %eq3A_974 : i32 to vector<16xi32>
      %eq3A_976 = arith.cmpi eq, %iota3A, %eq3A_975 : vector<16xi32>
      %select_n3A_977 = arith.select %eq3A_976, %add3A_973, %select_n3A_930 : vector<16xi1>, vector<16xf32>
      %add3A_978 = arith.constant 96 : i32
      %add3A_979 = vector.broadcast %add3A_978 : i32 to vector<16xi32>
      %add3A_980 = arith.addi %add3A_979, %iota3A : vector<16xi32>
      %slice3A_981 = vector.extract_strided_slice %and3A_690 {offsets = [6], sizes = [1], strides = [1]} : vector<16xi32> to vector<1xi32>
      %squeeze3A_982 = vector.extract %slice3A_981[0] : i32 from vector<1xi32>
      %broadcast_in_dim3A_983 = vector.broadcast %squeeze3A_982 : i32 to vector<16xi32>
      %gather3A_984 = tpu.vector_load_idx %arg9[%broadcast_in_dim3A_699, %add3A_980, %broadcast_in_dim3A_983] : memref<2x128x128xf32, #tpu.memory_space<vmem>>[vector<16xi32>, vector<16xi32>, vector<16xi32>], vector<16xf32>,
      %add3A_985 = arith.constant 96 : i32
      %add3A_986 = vector.broadcast %add3A_985 : i32 to vector<16xi32>
      %add3A_987 = arith.addi %add3A_986, %iota3A : vector<16xi32>
      %slice3A_988 = vector.extract_strided_slice %and3A_697 {offsets = [6], sizes = [1], strides = [1]} : vector<16xi32> to vector<1xi32>
      %squeeze3A_989 = vector.extract %slice3A_988[0] : i32 from vector<1xi32>
      %broadcast_in_dim3A_990 = vector.broadcast %squeeze3A_989 : i32 to vector<16xi32>
      %gather3A_991 = tpu.vector_load_idx %arg10[%broadcast_in_dim3A_699, %add3A_987, %broadcast_in_dim3A_990] : memref<2x128x128xf32, #tpu.memory_space<vmem>>[vector<16xi32>, vector<16xi32>, vector<16xi32>], vector<16xf32>,
      %mul3A_992 = arith.mulf %gather3A_984, %gather3A_991 : vector<16xf32>
      %xor3A_993 = arith.constant 1 : i32
      %xor3A_994 = vector.broadcast %xor3A_993 : i32 to vector<16xi32>
      %xor3A_995 = arith.xori %iota3A, %xor3A_994 : vector<16xi32>
      %broadcast_in_dim3A_996 = vector.shape_cast %xor3A_995 : vector<16xi32> to vector<16x1xi32>
      %gather3A_997 = vector.shape_cast %broadcast_in_dim3A_996 : vector<16x1xi32> to vector<16xi32>
      %gather3A_998 = tpu.dynamic_gather %mul3A_992[%gather3A_997] in [0] : vector<16xf32>, vector<16xi32> -> vector<16xf32>
      %add3A_999 = arith.addf %mul3A_992, %gather3A_998 : vector<16xf32>
      %xor3A_1000 = arith.constant 2 : i32
      %xor3A_1001 = vector.broadcast %xor3A_1000 : i32 to vector<16xi32>
      %xor3A_1002 = arith.xori %iota3A, %xor3A_1001 : vector<16xi32>
      %broadcast_in_dim3A_1003 = vector.shape_cast %xor3A_1002 : vector<16xi32> to vector<16x1xi32>
      %gather3A_1004 = vector.shape_cast %broadcast_in_dim3A_1003 : vector<16x1xi32> to vector<16xi32>
      %gather3A_1005 = tpu.dynamic_gather %add3A_999[%gather3A_1004] in [0] : vector<16xf32>, vector<16xi32> -> vector<16xf32>
      %add3A_1006 = arith.addf %add3A_999, %gather3A_1005 : vector<16xf32>
      %xor3A_1007 = arith.constant 4 : i32
      %xor3A_1008 = vector.broadcast %xor3A_1007 : i32 to vector<16xi32>
      %xor3A_1009 = arith.xori %iota3A, %xor3A_1008 : vector<16xi32>
      %broadcast_in_dim3A_1010 = vector.shape_cast %xor3A_1009 : vector<16xi32> to vector<16x1xi32>
      %gather3A_1011 = vector.shape_cast %broadcast_in_dim3A_1010 : vector<16x1xi32> to vector<16xi32>
      %gather3A_1012 = tpu.dynamic_gather %add3A_1006[%gather3A_1011] in [0] : vector<16xf32>, vector<16xi32> -> vector<16xf32>
      %add3A_1013 = arith.addf %add3A_1006, %gather3A_1012 : vector<16xf32>
      %xor3A_1014 = arith.constant 8 : i32
      %xor3A_1015 = vector.broadcast %xor3A_1014 : i32 to vector<16xi32>
      %xor3A_1016 = arith.xori %iota3A, %xor3A_1015 : vector<16xi32>
      %broadcast_in_dim3A_1017 = vector.shape_cast %xor3A_1016 : vector<16xi32> to vector<16x1xi32>
      %gather3A_1018 = vector.shape_cast %broadcast_in_dim3A_1017 : vector<16x1xi32> to vector<16xi32>
      %gather3A_1019 = tpu.dynamic_gather %add3A_1013[%gather3A_1018] in [0] : vector<16xf32>, vector<16xi32> -> vector<16xf32>
      %add3A_1020 = arith.addf %add3A_1013, %gather3A_1019 : vector<16xf32>
      %eq3A_1021 = arith.constant 6 : i32
      %eq3A_1022 = vector.broadcast %eq3A_1021 : i32 to vector<16xi32>
      %eq3A_1023 = arith.cmpi eq, %iota3A, %eq3A_1022 : vector<16xi32>
      %select_n3A_1024 = arith.select %eq3A_1023, %add3A_1020, %select_n3A_977 : vector<16xi1>, vector<16xf32>
      %add3A_1025 = arith.constant 112 : i32
      %add3A_1026 = vector.broadcast %add3A_1025 : i32 to vector<16xi32>
      %add3A_1027 = arith.addi %add3A_1026, %iota3A : vector<16xi32>
      %slice3A_1028 = vector.extract_strided_slice %and3A_690 {offsets = [7], sizes = [1], strides = [1]} : vector<16xi32> to vector<1xi32>
      %squeeze3A_1029 = vector.extract %slice3A_1028[0] : i32 from vector<1xi32>
      %broadcast_in_dim3A_1030 = vector.broadcast %squeeze3A_1029 : i32 to vector<16xi32>
      %gather3A_1031 = tpu.vector_load_idx %arg9[%broadcast_in_dim3A_699, %add3A_1027, %broadcast_in_dim3A_1030] : memref<2x128x128xf32, #tpu.memory_space<vmem>>[vector<16xi32>, vector<16xi32>, vector<16xi32>], vector<16xf32>,
      %add3A_1032 = arith.constant 112 : i32
      %add3A_1033 = vector.broadcast %add3A_1032 : i32 to vector<16xi32>
      %add3A_1034 = arith.addi %add3A_1033, %iota3A : vector<16xi32>
      %slice3A_1035 = vector.extract_strided_slice %and3A_697 {offsets = [7], sizes = [1], strides = [1]} : vector<16xi32> to vector<1xi32>
      %squeeze3A_1036 = vector.extract %slice3A_1035[0] : i32 from vector<1xi32>
      %broadcast_in_dim3A_1037 = vector.broadcast %squeeze3A_1036 : i32 to vector<16xi32>
      %gather3A_1038 = tpu.vector_load_idx %arg10[%broadcast_in_dim3A_699, %add3A_1034, %broadcast_in_dim3A_1037] : memref<2x128x128xf32, #tpu.memory_space<vmem>>[vector<16xi32>, vector<16xi32>, vector<16xi32>], vector<16xf32>,
      %mul3A_1039 = arith.mulf %gather3A_1031, %gather3A_1038 : vector<16xf32>
      %xor3A_1040 = arith.constant 1 : i32
      %xor3A_1041 = vector.broadcast %xor3A_1040 : i32 to vector<16xi32>
      %xor3A_1042 = arith.xori %iota3A, %xor3A_1041 : vector<16xi32>
      %broadcast_in_dim3A_1043 = vector.shape_cast %xor3A_1042 : vector<16xi32> to vector<16x1xi32>
      %gather3A_1044 = vector.shape_cast %broadcast_in_dim3A_1043 : vector<16x1xi32> to vector<16xi32>
      %gather3A_1045 = tpu.dynamic_gather %mul3A_1039[%gather3A_1044] in [0] : vector<16xf32>, vector<16xi32> -> vector<16xf32>
      %add3A_1046 = arith.addf %mul3A_1039, %gather3A_1045 : vector<16xf32>
      %xor3A_1047 = arith.constant 2 : i32
      %xor3A_1048 = vector.broadcast %xor3A_1047 : i32 to vector<16xi32>
      %xor3A_1049 = arith.xori %iota3A, %xor3A_1048 : vector<16xi32>
      %broadcast_in_dim3A_1050 = vector.shape_cast %xor3A_1049 : vector<16xi32> to vector<16x1xi32>
      %gather3A_1051 = vector.shape_cast %broadcast_in_dim3A_1050 : vector<16x1xi32> to vector<16xi32>
      %gather3A_1052 = tpu.dynamic_gather %add3A_1046[%gather3A_1051] in [0] : vector<16xf32>, vector<16xi32> -> vector<16xf32>
      %add3A_1053 = arith.addf %add3A_1046, %gather3A_1052 : vector<16xf32>
      %xor3A_1054 = arith.constant 4 : i32
      %xor3A_1055 = vector.broadcast %xor3A_1054 : i32 to vector<16xi32>
      %xor3A_1056 = arith.xori %iota3A, %xor3A_1055 : vector<16xi32>
      %broadcast_in_dim3A_1057 = vector.shape_cast %xor3A_1056 : vector<16xi32> to vector<16x1xi32>
      %gather3A_1058 = vector.shape_cast %broadcast_in_dim3A_1057 : vector<16x1xi32> to vector<16xi32>
      %gather3A_1059 = tpu.dynamic_gather %add3A_1053[%gather3A_1058] in [0] : vector<16xf32>, vector<16xi32> -> vector<16xf32>
      %add3A_1060 = arith.addf %add3A_1053, %gather3A_1059 : vector<16xf32>
      %xor3A_1061 = arith.constant 8 : i32
      %xor3A_1062 = vector.broadcast %xor3A_1061 : i32 to vector<16xi32>
      %xor3A_1063 = arith.xori %iota3A, %xor3A_1062 : vector<16xi32>
      %broadcast_in_dim3A_1064 = vector.shape_cast %xor3A_1063 : vector<16xi32> to vector<16x1xi32>
      %gather3A_1065 = vector.shape_cast %broadcast_in_dim3A_1064 : vector<16x1xi32> to vector<16xi32>
      %gather3A_1066 = tpu.dynamic_gather %add3A_1060[%gather3A_1065] in [0] : vector<16xf32>, vector<16xi32> -> vector<16xf32>
      %add3A_1067 = arith.addf %add3A_1060, %gather3A_1066 : vector<16xf32>
      %eq3A_1068 = arith.constant 7 : i32
      %eq3A_1069 = vector.broadcast %eq3A_1068 : i32 to vector<16xi32>
      %eq3A_1070 = arith.cmpi eq, %iota3A, %eq3A_1069 : vector<16xi32>
      %select_n3A_1071 = arith.select %eq3A_1070, %add3A_1067, %select_n3A_1024 : vector<16xi1>, vector<16xf32>
      %add3A_1072 = arith.constant 1 : i32
      %add3A_1073 = arith.addi %scan3A_326, %add3A_1072 : i32
      %lt3A = arith.constant 32 : i32
      %lt3A_1074 = arith.cmpi slt, %add3A_1073, %lt3A : i32
      %convert_element_type3A = arith.extui %lt3A_1074 : i1 to i32
      %cond3A = arith.constant 0 : i32
      %cond3A_1075 = arith.cmpi ne, %convert_element_type3A, %cond3A : i32
      scf.if %cond3A_1075 {
        %add3A_1501 = arith.constant 1 : i32
        %add3A_1502 = arith.addi %scan3A_326, %add3A_1501 : i32
        %mul3A_1503 = arith.constant 16 : i32
        %mul3A_1504 = arith.muli %add3A_1502, %mul3A_1503 : i32
        %get3A_1505 = arith.index_cast %mul3A_1504 : i32 to index
        %get3A_1506 = tpu.vector_load %arg7[%get3A_1505] {strides = array<i32>} : memref<512xi32, #tpu.memory_space<vmem>>, vector<16xi32>,
        %mul3A_1507 = arith.constant 16 : i32
        %mul3A_1508 = arith.muli %add3A_1502, %mul3A_1507 : i32
        %get3A_1509 = arith.index_cast %mul3A_1508 : i32 to index
        %get3A_1510 = tpu.vector_load %arg8[%get3A_1509] {strides = array<i32>} : memref<512xi32, #tpu.memory_space<vmem>>, vector<16xi32>,
        %slice3A_1511 = vector.extract_strided_slice %get3A_1506 {offsets = [0], sizes = [1], strides = [1]} : vector<16xi32> to vector<1xi32>
        %squeeze3A_1512 = vector.extract %slice3A_1511[0] : i32 from vector<1xi32>
        %shift_right_arithmetic3A_1513 = arith.constant 7 : i32
        %shift_right_arithmetic3A_1514 = arith.shrsi %squeeze3A_1512, %shift_right_arithmetic3A_1513 : i32
        %mul3A_1515 = arith.constant 128 : i32
        %mul3A_1516 = arith.muli %shift_right_arithmetic3A_1514, %mul3A_1515 : i32
        %multiple_of3A_1517 = tpu.assume_multiple %mul3A_1516, 128 : i32
        %slice3A_1518 = vector.extract_strided_slice %get3A_1510 {offsets = [0], sizes = [1], strides = [1]} : vector<16xi32> to vector<1xi32>
        %squeeze3A_1519 = vector.extract %slice3A_1518[0] : i32 from vector<1xi32>
        %shift_right_arithmetic3A_1520 = arith.constant 7 : i32
        %shift_right_arithmetic3A_1521 = arith.shrsi %squeeze3A_1519, %shift_right_arithmetic3A_1520 : i32
        %mul3A_1522 = arith.constant 128 : i32
        %mul3A_1523 = arith.muli %shift_right_arithmetic3A_1521, %mul3A_1522 : i32
        %multiple_of3A_1524 = tpu.assume_multiple %mul3A_1523, 128 : i32
        %dma_start3A_1525 = arith.constant 0 : i32
        %dma_start3A_1526 = arith.constant 0 : i32
        %dma_start3A_1527 = arith.constant 0 : i32
        %dma_start3A_1528 = tpu.memref_slice %arg9[%dma_start3A_1525, %dma_start3A_1526, %dma_start3A_1527] : memref<2x128x128xf32, #tpu.memory_space<vmem>> -> memref<1x16x128xf32, #tpu.memory_space<vmem>>
        %dma_start3A_1529 = tpu.memref_squeeze %dma_start3A_1528 : memref<1x16x128xf32, #tpu.memory_space<vmem>> -> memref<16x128xf32, #tpu.memory_space<vmem>>
        %dma_start3A_1530 = arith.constant 0 : i32
        %dma_start3A_1531 = tpu.memref_slice %arg4[%dma_start3A_1530, %multiple_of3A_1517] : memref<16x1000000xf32, #tpu.memory_space<hbm>> -> memref<16x128xf32, #tpu.memory_space<hbm>>
        %dma_start3A_1532 = arith.constant 0 : i32
        %dma_start3A_1533 = arith.constant 0 : i32
        %dma_start3A_1534 = tpu.memref_slice %arg9[%dma_start3A_1525, %dma_start3A_1532, %dma_start3A_1533] : memref<2x128x128xf32, #tpu.memory_space<vmem>> -> memref<1x16x128xf32, #tpu.memory_space<vmem>>
        %dma_start3A_1535 = tpu.memref_squeeze %dma_start3A_1534 : memref<1x16x128xf32, #tpu.memory_space<vmem>> -> memref<16x128xf32, #tpu.memory_space<vmem>>
        %dma_start3A_1536 = arith.constant 0 : i32
        %dma_start3A_1537 = tpu.memref_slice %arg4[%dma_start3A_1536, %multiple_of3A_1517] : memref<16x1000000xf32, #tpu.memory_space<hbm>> -> memref<16x128xf32, #tpu.memory_space<hbm>>
        tpu.enqueue_dma source(%dma_start3A_1537 : memref<16x128xf32, #tpu.memory_space<hbm>>) target(%dma_start3A_1535 : memref<16x128xf32, #tpu.memory_space<vmem>>) target_semaphore(%arg12 : memref<!tpu.dma_semaphore, #tpu.memory_space<semaphore_mem>>)
        %dma_start3A_1538 = arith.constant 0 : i32
        %dma_start3A_1539 = arith.constant 0 : i32
        %dma_start3A_1540 = arith.constant 0 : i32
        %dma_start3A_1541 = tpu.memref_slice %arg10[%dma_start3A_1538, %dma_start3A_1539, %dma_start3A_1540] : memref<2x128x128xf32, #tpu.memory_space<vmem>> -> memref<1x16x128xf32, #tpu.memory_space<vmem>>
        %dma_start3A_1542 = tpu.memref_squeeze %dma_start3A_1541 : memref<1x16x128xf32, #tpu.memory_space<vmem>> -> memref<16x128xf32, #tpu.memory_space<vmem>>
        %dma_start3A_1543 = arith.constant 0 : i32
        %dma_start3A_1544 = tpu.memref_slice %arg5[%dma_start3A_1543, %multiple_of3A_1524] : memref<16x1000000xf32, #tpu.memory_space<hbm>> -> memref<16x128xf32, #tpu.memory_space<hbm>>
        %dma_start3A_1545 = arith.constant 0 : i32
        %dma_start3A_1546 = arith.constant 0 : i32
        %dma_start3A_1547 = tpu.memref_slice %arg10[%dma_start3A_1538, %dma_start3A_1545, %dma_start3A_1546] : memref<2x128x128xf32, #tpu.memory_space<vmem>> -> memref<1x16x128xf32, #tpu.memory_space<vmem>>
        %dma_start3A_1548 = tpu.memref_squeeze %dma_start3A_1547 : memref<1x16x128xf32, #tpu.memory_space<vmem>> -> memref<16x128xf32, #tpu.memory_space<vmem>>
        %dma_start3A_1549 = arith.constant 0 : i32
        %dma_start3A_1550 = tpu.memref_slice %arg5[%dma_start3A_1549, %multiple_of3A_1524] : memref<16x1000000xf32, #tpu.memory_space<hbm>> -> memref<16x128xf32, #tpu.memory_space<hbm>>
        tpu.enqueue_dma source(%dma_start3A_1550 : memref<16x128xf32, #tpu.memory_space<hbm>>) target(%dma_start3A_1548 : memref<16x128xf32, #tpu.memory_space<vmem>>) target_semaphore(%arg13 : memref<!tpu.dma_semaphore, #tpu.memory_space<semaphore_mem>>)
        %slice3A_1551 = vector.extract_strided_slice %get3A_1506 {offsets = [1], sizes = [1], strides = [1]} : vector<16xi32> to vector<1xi32>
        %squeeze3A_1552 = vector.extract %slice3A_1551[0] : i32 from vector<1xi32>
        %shift_right_arithmetic3A_1553 = arith.constant 7 : i32
        %shift_right_arithmetic3A_1554 = arith.shrsi %squeeze3A_1552, %shift_right_arithmetic3A_1553 : i32
        %mul3A_1555 = arith.constant 128 : i32
        %mul3A_1556 = arith.muli %shift_right_arithmetic3A_1554, %mul3A_1555 : i32
        %multiple_of3A_1557 = tpu.assume_multiple %mul3A_1556, 128 : i32
        %slice3A_1558 = vector.extract_strided_slice %get3A_1510 {offsets = [1], sizes = [1], strides = [1]} : vector<16xi32> to vector<1xi32>
        %squeeze3A_1559 = vector.extract %slice3A_1558[0] : i32 from vector<1xi32>
        %shift_right_arithmetic3A_1560 = arith.constant 7 : i32
        %shift_right_arithmetic3A_1561 = arith.shrsi %squeeze3A_1559, %shift_right_arithmetic3A_1560 : i32
        %mul3A_1562 = arith.constant 128 : i32
        %mul3A_1563 = arith.muli %shift_right_arithmetic3A_1561, %mul3A_1562 : i32
        %multiple_of3A_1564 = tpu.assume_multiple %mul3A_1563, 128 : i32
        %dma_start3A_1565 = arith.constant 0 : i32
        %dma_start3A_1566 = arith.constant 16 : i32
        %dma_start3A_1567 = arith.constant 0 : i32
        %dma_start3A_1568 = tpu.memref_slice %arg9[%dma_start3A_1565, %dma_start3A_1566, %dma_start3A_1567] : memref<2x128x128xf32, #tpu.memory_space<vmem>> -> memref<1x16x128xf32, #tpu.memory_space<vmem>>
        %dma_start3A_1569 = tpu.memref_squeeze %dma_start3A_1568 : memref<1x16x128xf32, #tpu.memory_space<vmem>> -> memref<16x128xf32, #tpu.memory_space<vmem>>
        %dma_start3A_1570 = arith.constant 0 : i32
        %dma_start3A_1571 = tpu.memref_slice %arg4[%dma_start3A_1570, %multiple_of3A_1557] : memref<16x1000000xf32, #tpu.memory_space<hbm>> -> memref<16x128xf32, #tpu.memory_space<hbm>>
        %dma_start3A_1572 = arith.constant 16 : i32
        %dma_start3A_1573 = arith.constant 0 : i32
        %dma_start3A_1574 = tpu.memref_slice %arg9[%dma_start3A_1565, %dma_start3A_1572, %dma_start3A_1573] : memref<2x128x128xf32, #tpu.memory_space<vmem>> -> memref<1x16x128xf32, #tpu.memory_space<vmem>>
        %dma_start3A_1575 = tpu.memref_squeeze %dma_start3A_1574 : memref<1x16x128xf32, #tpu.memory_space<vmem>> -> memref<16x128xf32, #tpu.memory_space<vmem>>
        %dma_start3A_1576 = arith.constant 0 : i32
        %dma_start3A_1577 = tpu.memref_slice %arg4[%dma_start3A_1576, %multiple_of3A_1557] : memref<16x1000000xf32, #tpu.memory_space<hbm>> -> memref<16x128xf32, #tpu.memory_space<hbm>>
        tpu.enqueue_dma source(%dma_start3A_1577 : memref<16x128xf32, #tpu.memory_space<hbm>>) target(%dma_start3A_1575 : memref<16x128xf32, #tpu.memory_space<vmem>>) target_semaphore(%arg12 : memref<!tpu.dma_semaphore, #tpu.memory_space<semaphore_mem>>)
        %dma_start3A_1578 = arith.constant 0 : i32
        %dma_start3A_1579 = arith.constant 16 : i32
        %dma_start3A_1580 = arith.constant 0 : i32
        %dma_start3A_1581 = tpu.memref_slice %arg10[%dma_start3A_1578, %dma_start3A_1579, %dma_start3A_1580] : memref<2x128x128xf32, #tpu.memory_space<vmem>> -> memref<1x16x128xf32, #tpu.memory_space<vmem>>
        %dma_start3A_1582 = tpu.memref_squeeze %dma_start3A_1581 : memref<1x16x128xf32, #tpu.memory_space<vmem>> -> memref<16x128xf32, #tpu.memory_space<vmem>>
        %dma_start3A_1583 = arith.constant 0 : i32
        %dma_start3A_1584 = tpu.memref_slice %arg5[%dma_start3A_1583, %multiple_of3A_1564] : memref<16x1000000xf32, #tpu.memory_space<hbm>> -> memref<16x128xf32, #tpu.memory_space<hbm>>
        %dma_start3A_1585 = arith.constant 16 : i32
        %dma_start3A_1586 = arith.constant 0 : i32
        %dma_start3A_1587 = tpu.memref_slice %arg10[%dma_start3A_1578, %dma_start3A_1585, %dma_start3A_1586] : memref<2x128x128xf32, #tpu.memory_space<vmem>> -> memref<1x16x128xf32, #tpu.memory_space<vmem>>
        %dma_start3A_1588 = tpu.memref_squeeze %dma_start3A_1587 : memref<1x16x128xf32, #tpu.memory_space<vmem>> -> memref<16x128xf32, #tpu.memory_space<vmem>>
        %dma_start3A_1589 = arith.constant 0 : i32
        %dma_start3A_1590 = tpu.memref_slice %arg5[%dma_start3A_1589, %multiple_of3A_1564] : memref<16x1000000xf32, #tpu.memory_space<hbm>> -> memref<16x128xf32, #tpu.memory_space<hbm>>
        tpu.enqueue_dma source(%dma_start3A_1590 : memref<16x128xf32, #tpu.memory_space<hbm>>) target(%dma_start3A_1588 : memref<16x128xf32, #tpu.memory_space<vmem>>) target_semaphore(%arg13 : memref<!tpu.dma_semaphore, #tpu.memory_space<semaphore_mem>>)
        %slice3A_1591 = vector.extract_strided_slice %get3A_1506 {offsets = [2], sizes = [1], strides = [1]} : vector<16xi32> to vector<1xi32>
        %squeeze3A_1592 = vector.extract %slice3A_1591[0] : i32 from vector<1xi32>
        %shift_right_arithmetic3A_1593 = arith.constant 7 : i32
        %shift_right_arithmetic3A_1594 = arith.shrsi %squeeze3A_1592, %shift_right_arithmetic3A_1593 : i32
        %mul3A_1595 = arith.constant 128 : i32
        %mul3A_1596 = arith.muli %shift_right_arithmetic3A_1594, %mul3A_1595 : i32
        %multiple_of3A_1597 = tpu.assume_multiple %mul3A_1596, 128 : i32
        %slice3A_1598 = vector.extract_strided_slice %get3A_1510 {offsets = [2], sizes = [1], strides = [1]} : vector<16xi32> to vector<1xi32>
        %squeeze3A_1599 = vector.extract %slice3A_1598[0] : i32 from vector<1xi32>
        %shift_right_arithmetic3A_1600 = arith.constant 7 : i32
        %shift_right_arithmetic3A_1601 = arith.shrsi %squeeze3A_1599, %shift_right_arithmetic3A_1600 : i32
        %mul3A_1602 = arith.constant 128 : i32
        %mul3A_1603 = arith.muli %shift_right_arithmetic3A_1601, %mul3A_1602 : i32
        %multiple_of3A_1604 = tpu.assume_multiple %mul3A_1603, 128 : i32
        %dma_start3A_1605 = arith.constant 0 : i32
        %dma_start3A_1606 = arith.constant 32 : i32
        %dma_start3A_1607 = arith.constant 0 : i32
        %dma_start3A_1608 = tpu.memref_slice %arg9[%dma_start3A_1605, %dma_start3A_1606, %dma_start3A_1607] : memref<2x128x128xf32, #tpu.memory_space<vmem>> -> memref<1x16x128xf32, #tpu.memory_space<vmem>>
        %dma_start3A_1609 = tpu.memref_squeeze %dma_start3A_1608 : memref<1x16x128xf32, #tpu.memory_space<vmem>> -> memref<16x128xf32, #tpu.memory_space<vmem>>
        %dma_start3A_1610 = arith.constant 0 : i32
        %dma_start3A_1611 = tpu.memref_slice %arg4[%dma_start3A_1610, %multiple_of3A_1597] : memref<16x1000000xf32, #tpu.memory_space<hbm>> -> memref<16x128xf32, #tpu.memory_space<hbm>>
        %dma_start3A_1612 = arith.constant 32 : i32
        %dma_start3A_1613 = arith.constant 0 : i32
        %dma_start3A_1614 = tpu.memref_slice %arg9[%dma_start3A_1605, %dma_start3A_1612, %dma_start3A_1613] : memref<2x128x128xf32, #tpu.memory_space<vmem>> -> memref<1x16x128xf32, #tpu.memory_space<vmem>>
        %dma_start3A_1615 = tpu.memref_squeeze %dma_start3A_1614 : memref<1x16x128xf32, #tpu.memory_space<vmem>> -> memref<16x128xf32, #tpu.memory_space<vmem>>
        %dma_start3A_1616 = arith.constant 0 : i32
        %dma_start3A_1617 = tpu.memref_slice %arg4[%dma_start3A_1616, %multiple_of3A_1597] : memref<16x1000000xf32, #tpu.memory_space<hbm>> -> memref<16x128xf32, #tpu.memory_space<hbm>>
        tpu.enqueue_dma source(%dma_start3A_1617 : memref<16x128xf32, #tpu.memory_space<hbm>>) target(%dma_start3A_1615 : memref<16x128xf32, #tpu.memory_space<vmem>>) target_semaphore(%arg12 : memref<!tpu.dma_semaphore, #tpu.memory_space<semaphore_mem>>)
        %dma_start3A_1618 = arith.constant 0 : i32
        %dma_start3A_1619 = arith.constant 32 : i32
        %dma_start3A_1620 = arith.constant 0 : i32
        %dma_start3A_1621 = tpu.memref_slice %arg10[%dma_start3A_1618, %dma_start3A_1619, %dma_start3A_1620] : memref<2x128x128xf32, #tpu.memory_space<vmem>> -> memref<1x16x128xf32, #tpu.memory_space<vmem>>
        %dma_start3A_1622 = tpu.memref_squeeze %dma_start3A_1621 : memref<1x16x128xf32, #tpu.memory_space<vmem>> -> memref<16x128xf32, #tpu.memory_space<vmem>>
        %dma_start3A_1623 = arith.constant 0 : i32
        %dma_start3A_1624 = tpu.memref_slice %arg5[%dma_start3A_1623, %multiple_of3A_1604] : memref<16x1000000xf32, #tpu.memory_space<hbm>> -> memref<16x128xf32, #tpu.memory_space<hbm>>
        %dma_start3A_1625 = arith.constant 32 : i32
        %dma_start3A_1626 = arith.constant 0 : i32
        %dma_start3A_1627 = tpu.memref_slice %arg10[%dma_start3A_1618, %dma_start3A_1625, %dma_start3A_1626] : memref<2x128x128xf32, #tpu.memory_space<vmem>> -> memref<1x16x128xf32, #tpu.memory_space<vmem>>
        %dma_start3A_1628 = tpu.memref_squeeze %dma_start3A_1627 : memref<1x16x128xf32, #tpu.memory_space<vmem>> -> memref<16x128xf32, #tpu.memory_space<vmem>>
        %dma_start3A_1629 = arith.constant 0 : i32
        %dma_start3A_1630 = tpu.memref_slice %arg5[%dma_start3A_1629, %multiple_of3A_1604] : memref<16x1000000xf32, #tpu.memory_space<hbm>> -> memref<16x128xf32, #tpu.memory_space<hbm>>
        tpu.enqueue_dma source(%dma_start3A_1630 : memref<16x128xf32, #tpu.memory_space<hbm>>) target(%dma_start3A_1628 : memref<16x128xf32, #tpu.memory_space<vmem>>) target_semaphore(%arg13 : memref<!tpu.dma_semaphore, #tpu.memory_space<semaphore_mem>>)
        %slice3A_1631 = vector.extract_strided_slice %get3A_1506 {offsets = [3], sizes = [1], strides = [1]} : vector<16xi32> to vector<1xi32>
        %squeeze3A_1632 = vector.extract %slice3A_1631[0] : i32 from vector<1xi32>
        %shift_right_arithmetic3A_1633 = arith.constant 7 : i32
        %shift_right_arithmetic3A_1634 = arith.shrsi %squeeze3A_1632, %shift_right_arithmetic3A_1633 : i32
        %mul3A_1635 = arith.constant 128 : i32
        %mul3A_1636 = arith.muli %shift_right_arithmetic3A_1634, %mul3A_1635 : i32
        %multiple_of3A_1637 = tpu.assume_multiple %mul3A_1636, 128 : i32
        %slice3A_1638 = vector.extract_strided_slice %get3A_1510 {offsets = [3], sizes = [1], strides = [1]} : vector<16xi32> to vector<1xi32>
        %squeeze3A_1639 = vector.extract %slice3A_1638[0] : i32 from vector<1xi32>
        %shift_right_arithmetic3A_1640 = arith.constant 7 : i32
        %shift_right_arithmetic3A_1641 = arith.shrsi %squeeze3A_1639, %shift_right_arithmetic3A_1640 : i32
        %mul3A_1642 = arith.constant 128 : i32
        %mul3A_1643 = arith.muli %shift_right_arithmetic3A_1641, %mul3A_1642 : i32
        %multiple_of3A_1644 = tpu.assume_multiple %mul3A_1643, 128 : i32
        %dma_start3A_1645 = arith.constant 0 : i32
        %dma_start3A_1646 = arith.constant 48 : i32
        %dma_start3A_1647 = arith.constant 0 : i32
        %dma_start3A_1648 = tpu.memref_slice %arg9[%dma_start3A_1645, %dma_start3A_1646, %dma_start3A_1647] : memref<2x128x128xf32, #tpu.memory_space<vmem>> -> memref<1x16x128xf32, #tpu.memory_space<vmem>>
        %dma_start3A_1649 = tpu.memref_squeeze %dma_start3A_1648 : memref<1x16x128xf32, #tpu.memory_space<vmem>> -> memref<16x128xf32, #tpu.memory_space<vmem>>
        %dma_start3A_1650 = arith.constant 0 : i32
        %dma_start3A_1651 = tpu.memref_slice %arg4[%dma_start3A_1650, %multiple_of3A_1637] : memref<16x1000000xf32, #tpu.memory_space<hbm>> -> memref<16x128xf32, #tpu.memory_space<hbm>>
        %dma_start3A_1652 = arith.constant 48 : i32
        %dma_start3A_1653 = arith.constant 0 : i32
        %dma_start3A_1654 = tpu.memref_slice %arg9[%dma_start3A_1645, %dma_start3A_1652, %dma_start3A_1653] : memref<2x128x128xf32, #tpu.memory_space<vmem>> -> memref<1x16x128xf32, #tpu.memory_space<vmem>>
        %dma_start3A_1655 = tpu.memref_squeeze %dma_start3A_1654 : memref<1x16x128xf32, #tpu.memory_space<vmem>> -> memref<16x128xf32, #tpu.memory_space<vmem>>
        %dma_start3A_1656 = arith.constant 0 : i32
        %dma_start3A_1657 = tpu.memref_slice %arg4[%dma_start3A_1656, %multiple_of3A_1637] : memref<16x1000000xf32, #tpu.memory_space<hbm>> -> memref<16x128xf32, #tpu.memory_space<hbm>>
        tpu.enqueue_dma source(%dma_start3A_1657 : memref<16x128xf32, #tpu.memory_space<hbm>>) target(%dma_start3A_1655 : memref<16x128xf32, #tpu.memory_space<vmem>>) target_semaphore(%arg12 : memref<!tpu.dma_semaphore, #tpu.memory_space<semaphore_mem>>)
        %dma_start3A_1658 = arith.constant 0 : i32
        %dma_start3A_1659 = arith.constant 48 : i32
        %dma_start3A_1660 = arith.constant 0 : i32
        %dma_start3A_1661 = tpu.memref_slice %arg10[%dma_start3A_1658, %dma_start3A_1659, %dma_start3A_1660] : memref<2x128x128xf32, #tpu.memory_space<vmem>> -> memref<1x16x128xf32, #tpu.memory_space<vmem>>
        %dma_start3A_1662 = tpu.memref_squeeze %dma_start3A_1661 : memref<1x16x128xf32, #tpu.memory_space<vmem>> -> memref<16x128xf32, #tpu.memory_space<vmem>>
        %dma_start3A_1663 = arith.constant 0 : i32
        %dma_start3A_1664 = tpu.memref_slice %arg5[%dma_start3A_1663, %multiple_of3A_1644] : memref<16x1000000xf32, #tpu.memory_space<hbm>> -> memref<16x128xf32, #tpu.memory_space<hbm>>
        %dma_start3A_1665 = arith.constant 48 : i32
        %dma_start3A_1666 = arith.constant 0 : i32
        %dma_start3A_1667 = tpu.memref_slice %arg10[%dma_start3A_1658, %dma_start3A_1665, %dma_start3A_1666] : memref<2x128x128xf32, #tpu.memory_space<vmem>> -> memref<1x16x128xf32, #tpu.memory_space<vmem>>
        %dma_start3A_1668 = tpu.memref_squeeze %dma_start3A_1667 : memref<1x16x128xf32, #tpu.memory_space<vmem>> -> memref<16x128xf32, #tpu.memory_space<vmem>>
        %dma_start3A_1669 = arith.constant 0 : i32
        %dma_start3A_1670 = tpu.memref_slice %arg5[%dma_start3A_1669, %multiple_of3A_1644] : memref<16x1000000xf32, #tpu.memory_space<hbm>> -> memref<16x128xf32, #tpu.memory_space<hbm>>
        tpu.enqueue_dma source(%dma_start3A_1670 : memref<16x128xf32, #tpu.memory_space<hbm>>) target(%dma_start3A_1668 : memref<16x128xf32, #tpu.memory_space<vmem>>) target_semaphore(%arg13 : memref<!tpu.dma_semaphore, #tpu.memory_space<semaphore_mem>>)
        %slice3A_1671 = vector.extract_strided_slice %get3A_1506 {offsets = [4], sizes = [1], strides = [1]} : vector<16xi32> to vector<1xi32>
        %squeeze3A_1672 = vector.extract %slice3A_1671[0] : i32 from vector<1xi32>
        %shift_right_arithmetic3A_1673 = arith.constant 7 : i32
        %shift_right_arithmetic3A_1674 = arith.shrsi %squeeze3A_1672, %shift_right_arithmetic3A_1673 : i32
        %mul3A_1675 = arith.constant 128 : i32
        %mul3A_1676 = arith.muli %shift_right_arithmetic3A_1674, %mul3A_1675 : i32
        %multiple_of3A_1677 = tpu.assume_multiple %mul3A_1676, 128 : i32
        %slice3A_1678 = vector.extract_strided_slice %get3A_1510 {offsets = [4], sizes = [1], strides = [1]} : vector<16xi32> to vector<1xi32>
        %squeeze3A_1679 = vector.extract %slice3A_1678[0] : i32 from vector<1xi32>
        %shift_right_arithmetic3A_1680 = arith.constant 7 : i32
        %shift_right_arithmetic3A_1681 = arith.shrsi %squeeze3A_1679, %shift_right_arithmetic3A_1680 : i32
        %mul3A_1682 = arith.constant 128 : i32
        %mul3A_1683 = arith.muli %shift_right_arithmetic3A_1681, %mul3A_1682 : i32
        %multiple_of3A_1684 = tpu.assume_multiple %mul3A_1683, 128 : i32
        %dma_start3A_1685 = arith.constant 0 : i32
        %dma_start3A_1686 = arith.constant 64 : i32
        %dma_start3A_1687 = arith.constant 0 : i32
        %dma_start3A_1688 = tpu.memref_slice %arg9[%dma_start3A_1685, %dma_start3A_1686, %dma_start3A_1687] : memref<2x128x128xf32, #tpu.memory_space<vmem>> -> memref<1x16x128xf32, #tpu.memory_space<vmem>>
        %dma_start3A_1689 = tpu.memref_squeeze %dma_start3A_1688 : memref<1x16x128xf32, #tpu.memory_space<vmem>> -> memref<16x128xf32, #tpu.memory_space<vmem>>
        %dma_start3A_1690 = arith.constant 0 : i32
        %dma_start3A_1691 = tpu.memref_slice %arg4[%dma_start3A_1690, %multiple_of3A_1677] : memref<16x1000000xf32, #tpu.memory_space<hbm>> -> memref<16x128xf32, #tpu.memory_space<hbm>>
        %dma_start3A_1692 = arith.constant 64 : i32
        %dma_start3A_1693 = arith.constant 0 : i32
        %dma_start3A_1694 = tpu.memref_slice %arg9[%dma_start3A_1685, %dma_start3A_1692, %dma_start3A_1693] : memref<2x128x128xf32, #tpu.memory_space<vmem>> -> memref<1x16x128xf32, #tpu.memory_space<vmem>>
        %dma_start3A_1695 = tpu.memref_squeeze %dma_start3A_1694 : memref<1x16x128xf32, #tpu.memory_space<vmem>> -> memref<16x128xf32, #tpu.memory_space<vmem>>
        %dma_start3A_1696 = arith.constant 0 : i32
        %dma_start3A_1697 = tpu.memref_slice %arg4[%dma_start3A_1696, %multiple_of3A_1677] : memref<16x1000000xf32, #tpu.memory_space<hbm>> -> memref<16x128xf32, #tpu.memory_space<hbm>>
        tpu.enqueue_dma source(%dma_start3A_1697 : memref<16x128xf32, #tpu.memory_space<hbm>>) target(%dma_start3A_1695 : memref<16x128xf32, #tpu.memory_space<vmem>>) target_semaphore(%arg12 : memref<!tpu.dma_semaphore, #tpu.memory_space<semaphore_mem>>)
        %dma_start3A_1698 = arith.constant 0 : i32
        %dma_start3A_1699 = arith.constant 64 : i32
        %dma_start3A_1700 = arith.constant 0 : i32
        %dma_start3A_1701 = tpu.memref_slice %arg10[%dma_start3A_1698, %dma_start3A_1699, %dma_start3A_1700] : memref<2x128x128xf32, #tpu.memory_space<vmem>> -> memref<1x16x128xf32, #tpu.memory_space<vmem>>
        %dma_start3A_1702 = tpu.memref_squeeze %dma_start3A_1701 : memref<1x16x128xf32, #tpu.memory_space<vmem>> -> memref<16x128xf32, #tpu.memory_space<vmem>>
        %dma_start3A_1703 = arith.constant 0 : i32
        %dma_start3A_1704 = tpu.memref_slice %arg5[%dma_start3A_1703, %multiple_of3A_1684] : memref<16x1000000xf32, #tpu.memory_space<hbm>> -> memref<16x128xf32, #tpu.memory_space<hbm>>
        %dma_start3A_1705 = arith.constant 64 : i32
        %dma_start3A_1706 = arith.constant 0 : i32
        %dma_start3A_1707 = tpu.memref_slice %arg10[%dma_start3A_1698, %dma_start3A_1705, %dma_start3A_1706] : memref<2x128x128xf32, #tpu.memory_space<vmem>> -> memref<1x16x128xf32, #tpu.memory_space<vmem>>
        %dma_start3A_1708 = tpu.memref_squeeze %dma_start3A_1707 : memref<1x16x128xf32, #tpu.memory_space<vmem>> -> memref<16x128xf32, #tpu.memory_space<vmem>>
        %dma_start3A_1709 = arith.constant 0 : i32
        %dma_start3A_1710 = tpu.memref_slice %arg5[%dma_start3A_1709, %multiple_of3A_1684] : memref<16x1000000xf32, #tpu.memory_space<hbm>> -> memref<16x128xf32, #tpu.memory_space<hbm>>
        tpu.enqueue_dma source(%dma_start3A_1710 : memref<16x128xf32, #tpu.memory_space<hbm>>) target(%dma_start3A_1708 : memref<16x128xf32, #tpu.memory_space<vmem>>) target_semaphore(%arg13 : memref<!tpu.dma_semaphore, #tpu.memory_space<semaphore_mem>>)
        %slice3A_1711 = vector.extract_strided_slice %get3A_1506 {offsets = [5], sizes = [1], strides = [1]} : vector<16xi32> to vector<1xi32>
        %squeeze3A_1712 = vector.extract %slice3A_1711[0] : i32 from vector<1xi32>
        %shift_right_arithmetic3A_1713 = arith.constant 7 : i32
        %shift_right_arithmetic3A_1714 = arith.shrsi %squeeze3A_1712, %shift_right_arithmetic3A_1713 : i32
        %mul3A_1715 = arith.constant 128 : i32
        %mul3A_1716 = arith.muli %shift_right_arithmetic3A_1714, %mul3A_1715 : i32
        %multiple_of3A_1717 = tpu.assume_multiple %mul3A_1716, 128 : i32
        %slice3A_1718 = vector.extract_strided_slice %get3A_1510 {offsets = [5], sizes = [1], strides = [1]} : vector<16xi32> to vector<1xi32>
        %squeeze3A_1719 = vector.extract %slice3A_1718[0] : i32 from vector<1xi32>
        %shift_right_arithmetic3A_1720 = arith.constant 7 : i32
        %shift_right_arithmetic3A_1721 = arith.shrsi %squeeze3A_1719, %shift_right_arithmetic3A_1720 : i32
        %mul3A_1722 = arith.constant 128 : i32
        %mul3A_1723 = arith.muli %shift_right_arithmetic3A_1721, %mul3A_1722 : i32
        %multiple_of3A_1724 = tpu.assume_multiple %mul3A_1723, 128 : i32
        %dma_start3A_1725 = arith.constant 0 : i32
        %dma_start3A_1726 = arith.constant 80 : i32
        %dma_start3A_1727 = arith.constant 0 : i32
        %dma_start3A_1728 = tpu.memref_slice %arg9[%dma_start3A_1725, %dma_start3A_1726, %dma_start3A_1727] : memref<2x128x128xf32, #tpu.memory_space<vmem>> -> memref<1x16x128xf32, #tpu.memory_space<vmem>>
        %dma_start3A_1729 = tpu.memref_squeeze %dma_start3A_1728 : memref<1x16x128xf32, #tpu.memory_space<vmem>> -> memref<16x128xf32, #tpu.memory_space<vmem>>
        %dma_start3A_1730 = arith.constant 0 : i32
        %dma_start3A_1731 = tpu.memref_slice %arg4[%dma_start3A_1730, %multiple_of3A_1717] : memref<16x1000000xf32, #tpu.memory_space<hbm>> -> memref<16x128xf32, #tpu.memory_space<hbm>>
        %dma_start3A_1732 = arith.constant 80 : i32
        %dma_start3A_1733 = arith.constant 0 : i32
        %dma_start3A_1734 = tpu.memref_slice %arg9[%dma_start3A_1725, %dma_start3A_1732, %dma_start3A_1733] : memref<2x128x128xf32, #tpu.memory_space<vmem>> -> memref<1x16x128xf32, #tpu.memory_space<vmem>>
        %dma_start3A_1735 = tpu.memref_squeeze %dma_start3A_1734 : memref<1x16x128xf32, #tpu.memory_space<vmem>> -> memref<16x128xf32, #tpu.memory_space<vmem>>
        %dma_start3A_1736 = arith.constant 0 : i32
        %dma_start3A_1737 = tpu.memref_slice %arg4[%dma_start3A_1736, %multiple_of3A_1717] : memref<16x1000000xf32, #tpu.memory_space<hbm>> -> memref<16x128xf32, #tpu.memory_space<hbm>>
        tpu.enqueue_dma source(%dma_start3A_1737 : memref<16x128xf32, #tpu.memory_space<hbm>>) target(%dma_start3A_1735 : memref<16x128xf32, #tpu.memory_space<vmem>>) target_semaphore(%arg12 : memref<!tpu.dma_semaphore, #tpu.memory_space<semaphore_mem>>)
        %dma_start3A_1738 = arith.constant 0 : i32
        %dma_start3A_1739 = arith.constant 80 : i32
        %dma_start3A_1740 = arith.constant 0 : i32
        %dma_start3A_1741 = tpu.memref_slice %arg10[%dma_start3A_1738, %dma_start3A_1739, %dma_start3A_1740] : memref<2x128x128xf32, #tpu.memory_space<vmem>> -> memref<1x16x128xf32, #tpu.memory_space<vmem>>
        %dma_start3A_1742 = tpu.memref_squeeze %dma_start3A_1741 : memref<1x16x128xf32, #tpu.memory_space<vmem>> -> memref<16x128xf32, #tpu.memory_space<vmem>>
        %dma_start3A_1743 = arith.constant 0 : i32
        %dma_start3A_1744 = tpu.memref_slice %arg5[%dma_start3A_1743, %multiple_of3A_1724] : memref<16x1000000xf32, #tpu.memory_space<hbm>> -> memref<16x128xf32, #tpu.memory_space<hbm>>
        %dma_start3A_1745 = arith.constant 80 : i32
        %dma_start3A_1746 = arith.constant 0 : i32
        %dma_start3A_1747 = tpu.memref_slice %arg10[%dma_start3A_1738, %dma_start3A_1745, %dma_start3A_1746] : memref<2x128x128xf32, #tpu.memory_space<vmem>> -> memref<1x16x128xf32, #tpu.memory_space<vmem>>
        %dma_start3A_1748 = tpu.memref_squeeze %dma_start3A_1747 : memref<1x16x128xf32, #tpu.memory_space<vmem>> -> memref<16x128xf32, #tpu.memory_space<vmem>>
        %dma_start3A_1749 = arith.constant 0 : i32
        %dma_start3A_1750 = tpu.memref_slice %arg5[%dma_start3A_1749, %multiple_of3A_1724] : memref<16x1000000xf32, #tpu.memory_space<hbm>> -> memref<16x128xf32, #tpu.memory_space<hbm>>
        tpu.enqueue_dma source(%dma_start3A_1750 : memref<16x128xf32, #tpu.memory_space<hbm>>) target(%dma_start3A_1748 : memref<16x128xf32, #tpu.memory_space<vmem>>) target_semaphore(%arg13 : memref<!tpu.dma_semaphore, #tpu.memory_space<semaphore_mem>>)
        %slice3A_1751 = vector.extract_strided_slice %get3A_1506 {offsets = [6], sizes = [1], strides = [1]} : vector<16xi32> to vector<1xi32>
        %squeeze3A_1752 = vector.extract %slice3A_1751[0] : i32 from vector<1xi32>
        %shift_right_arithmetic3A_1753 = arith.constant 7 : i32
        %shift_right_arithmetic3A_1754 = arith.shrsi %squeeze3A_1752, %shift_right_arithmetic3A_1753 : i32
        %mul3A_1755 = arith.constant 128 : i32
        %mul3A_1756 = arith.muli %shift_right_arithmetic3A_1754, %mul3A_1755 : i32
        %multiple_of3A_1757 = tpu.assume_multiple %mul3A_1756, 128 : i32
        %slice3A_1758 = vector.extract_strided_slice %get3A_1510 {offsets = [6], sizes = [1], strides = [1]} : vector<16xi32> to vector<1xi32>
        %squeeze3A_1759 = vector.extract %slice3A_1758[0] : i32 from vector<1xi32>
        %shift_right_arithmetic3A_1760 = arith.constant 7 : i32
        %shift_right_arithmetic3A_1761 = arith.shrsi %squeeze3A_1759, %shift_right_arithmetic3A_1760 : i32
        %mul3A_1762 = arith.constant 128 : i32
        %mul3A_1763 = arith.muli %shift_right_arithmetic3A_1761, %mul3A_1762 : i32
        %multiple_of3A_1764 = tpu.assume_multiple %mul3A_1763, 128 : i32
        %dma_start3A_1765 = arith.constant 0 : i32
        %dma_start3A_1766 = arith.constant 96 : i32
        %dma_start3A_1767 = arith.constant 0 : i32
        %dma_start3A_1768 = tpu.memref_slice %arg9[%dma_start3A_1765, %dma_start3A_1766, %dma_start3A_1767] : memref<2x128x128xf32, #tpu.memory_space<vmem>> -> memref<1x16x128xf32, #tpu.memory_space<vmem>>
        %dma_start3A_1769 = tpu.memref_squeeze %dma_start3A_1768 : memref<1x16x128xf32, #tpu.memory_space<vmem>> -> memref<16x128xf32, #tpu.memory_space<vmem>>
        %dma_start3A_1770 = arith.constant 0 : i32
        %dma_start3A_1771 = tpu.memref_slice %arg4[%dma_start3A_1770, %multiple_of3A_1757] : memref<16x1000000xf32, #tpu.memory_space<hbm>> -> memref<16x128xf32, #tpu.memory_space<hbm>>
        %dma_start3A_1772 = arith.constant 96 : i32
        %dma_start3A_1773 = arith.constant 0 : i32
        %dma_start3A_1774 = tpu.memref_slice %arg9[%dma_start3A_1765, %dma_start3A_1772, %dma_start3A_1773] : memref<2x128x128xf32, #tpu.memory_space<vmem>> -> memref<1x16x128xf32, #tpu.memory_space<vmem>>
        %dma_start3A_1775 = tpu.memref_squeeze %dma_start3A_1774 : memref<1x16x128xf32, #tpu.memory_space<vmem>> -> memref<16x128xf32, #tpu.memory_space<vmem>>
        %dma_start3A_1776 = arith.constant 0 : i32
        %dma_start3A_1777 = tpu.memref_slice %arg4[%dma_start3A_1776, %multiple_of3A_1757] : memref<16x1000000xf32, #tpu.memory_space<hbm>> -> memref<16x128xf32, #tpu.memory_space<hbm>>
        tpu.enqueue_dma source(%dma_start3A_1777 : memref<16x128xf32, #tpu.memory_space<hbm>>) target(%dma_start3A_1775 : memref<16x128xf32, #tpu.memory_space<vmem>>) target_semaphore(%arg12 : memref<!tpu.dma_semaphore, #tpu.memory_space<semaphore_mem>>)
        %dma_start3A_1778 = arith.constant 0 : i32
        %dma_start3A_1779 = arith.constant 96 : i32
        %dma_start3A_1780 = arith.constant 0 : i32
        %dma_start3A_1781 = tpu.memref_slice %arg10[%dma_start3A_1778, %dma_start3A_1779, %dma_start3A_1780] : memref<2x128x128xf32, #tpu.memory_space<vmem>> -> memref<1x16x128xf32, #tpu.memory_space<vmem>>
        %dma_start3A_1782 = tpu.memref_squeeze %dma_start3A_1781 : memref<1x16x128xf32, #tpu.memory_space<vmem>> -> memref<16x128xf32, #tpu.memory_space<vmem>>
        %dma_start3A_1783 = arith.constant 0 : i32
        %dma_start3A_1784 = tpu.memref_slice %arg5[%dma_start3A_1783, %multiple_of3A_1764] : memref<16x1000000xf32, #tpu.memory_space<hbm>> -> memref<16x128xf32, #tpu.memory_space<hbm>>
        %dma_start3A_1785 = arith.constant 96 : i32
        %dma_start3A_1786 = arith.constant 0 : i32
        %dma_start3A_1787 = tpu.memref_slice %arg10[%dma_start3A_1778, %dma_start3A_1785, %dma_start3A_1786] : memref<2x128x128xf32, #tpu.memory_space<vmem>> -> memref<1x16x128xf32, #tpu.memory_space<vmem>>
        %dma_start3A_1788 = tpu.memref_squeeze %dma_start3A_1787 : memref<1x16x128xf32, #tpu.memory_space<vmem>> -> memref<16x128xf32, #tpu.memory_space<vmem>>
        %dma_start3A_1789 = arith.constant 0 : i32
        %dma_start3A_1790 = tpu.memref_slice %arg5[%dma_start3A_1789, %multiple_of3A_1764] : memref<16x1000000xf32, #tpu.memory_space<hbm>> -> memref<16x128xf32, #tpu.memory_space<hbm>>
        tpu.enqueue_dma source(%dma_start3A_1790 : memref<16x128xf32, #tpu.memory_space<hbm>>) target(%dma_start3A_1788 : memref<16x128xf32, #tpu.memory_space<vmem>>) target_semaphore(%arg13 : memref<!tpu.dma_semaphore, #tpu.memory_space<semaphore_mem>>)
        %slice3A_1791 = vector.extract_strided_slice %get3A_1506 {offsets = [7], sizes = [1], strides = [1]} : vector<16xi32> to vector<1xi32>
        %squeeze3A_1792 = vector.extract %slice3A_1791[0] : i32 from vector<1xi32>
        %shift_right_arithmetic3A_1793 = arith.constant 7 : i32
        %shift_right_arithmetic3A_1794 = arith.shrsi %squeeze3A_1792, %shift_right_arithmetic3A_1793 : i32
        %mul3A_1795 = arith.constant 128 : i32
        %mul3A_1796 = arith.muli %shift_right_arithmetic3A_1794, %mul3A_1795 : i32
        %multiple_of3A_1797 = tpu.assume_multiple %mul3A_1796, 128 : i32
        %slice3A_1798 = vector.extract_strided_slice %get3A_1510 {offsets = [7], sizes = [1], strides = [1]} : vector<16xi32> to vector<1xi32>
        %squeeze3A_1799 = vector.extract %slice3A_1798[0] : i32 from vector<1xi32>
        %shift_right_arithmetic3A_1800 = arith.constant 7 : i32
        %shift_right_arithmetic3A_1801 = arith.shrsi %squeeze3A_1799, %shift_right_arithmetic3A_1800 : i32
        %mul3A_1802 = arith.constant 128 : i32
        %mul3A_1803 = arith.muli %shift_right_arithmetic3A_1801, %mul3A_1802 : i32
        %multiple_of3A_1804 = tpu.assume_multiple %mul3A_1803, 128 : i32
        %dma_start3A_1805 = arith.constant 0 : i32
        %dma_start3A_1806 = arith.constant 112 : i32
        %dma_start3A_1807 = arith.constant 0 : i32
        %dma_start3A_1808 = tpu.memref_slice %arg9[%dma_start3A_1805, %dma_start3A_1806, %dma_start3A_1807] : memref<2x128x128xf32, #tpu.memory_space<vmem>> -> memref<1x16x128xf32, #tpu.memory_space<vmem>>
        %dma_start3A_1809 = tpu.memref_squeeze %dma_start3A_1808 : memref<1x16x128xf32, #tpu.memory_space<vmem>> -> memref<16x128xf32, #tpu.memory_space<vmem>>
        %dma_start3A_1810 = arith.constant 0 : i32
        %dma_start3A_1811 = tpu.memref_slice %arg4[%dma_start3A_1810, %multiple_of3A_1797] : memref<16x1000000xf32, #tpu.memory_space<hbm>> -> memref<16x128xf32, #tpu.memory_space<hbm>>
        %dma_start3A_1812 = arith.constant 112 : i32
        %dma_start3A_1813 = arith.constant 0 : i32
        %dma_start3A_1814 = tpu.memref_slice %arg9[%dma_start3A_1805, %dma_start3A_1812, %dma_start3A_1813] : memref<2x128x128xf32, #tpu.memory_space<vmem>> -> memref<1x16x128xf32, #tpu.memory_space<vmem>>
        %dma_start3A_1815 = tpu.memref_squeeze %dma_start3A_1814 : memref<1x16x128xf32, #tpu.memory_space<vmem>> -> memref<16x128xf32, #tpu.memory_space<vmem>>
        %dma_start3A_1816 = arith.constant 0 : i32
        %dma_start3A_1817 = tpu.memref_slice %arg4[%dma_start3A_1816, %multiple_of3A_1797] : memref<16x1000000xf32, #tpu.memory_space<hbm>> -> memref<16x128xf32, #tpu.memory_space<hbm>>
        tpu.enqueue_dma source(%dma_start3A_1817 : memref<16x128xf32, #tpu.memory_space<hbm>>) target(%dma_start3A_1815 : memref<16x128xf32, #tpu.memory_space<vmem>>) target_semaphore(%arg12 : memref<!tpu.dma_semaphore, #tpu.memory_space<semaphore_mem>>)
        %dma_start3A_1818 = arith.constant 0 : i32
        %dma_start3A_1819 = arith.constant 112 : i32
        %dma_start3A_1820 = arith.constant 0 : i32
        %dma_start3A_1821 = tpu.memref_slice %arg10[%dma_start3A_1818, %dma_start3A_1819, %dma_start3A_1820] : memref<2x128x128xf32, #tpu.memory_space<vmem>> -> memref<1x16x128xf32, #tpu.memory_space<vmem>>
        %dma_start3A_1822 = tpu.memref_squeeze %dma_start3A_1821 : memref<1x16x128xf32, #tpu.memory_space<vmem>> -> memref<16x128xf32, #tpu.memory_space<vmem>>
        %dma_start3A_1823 = arith.constant 0 : i32
        %dma_start3A_1824 = tpu.memref_slice %arg5[%dma_start3A_1823, %multiple_of3A_1804] : memref<16x1000000xf32, #tpu.memory_space<hbm>> -> memref<16x128xf32, #tpu.memory_space<hbm>>
        %dma_start3A_1825 = arith.constant 112 : i32
        %dma_start3A_1826 = arith.constant 0 : i32
        %dma_start3A_1827 = tpu.memref_slice %arg10[%dma_start3A_1818, %dma_start3A_1825, %dma_start3A_1826] : memref<2x128x128xf32, #tpu.memory_space<vmem>> -> memref<1x16x128xf32, #tpu.memory_space<vmem>>
        %dma_start3A_1828 = tpu.memref_squeeze %dma_start3A_1827 : memref<1x16x128xf32, #tpu.memory_space<vmem>> -> memref<16x128xf32, #tpu.memory_space<vmem>>
        %dma_start3A_1829 = arith.constant 0 : i32
        %dma_start3A_1830 = tpu.memref_slice %arg5[%dma_start3A_1829, %multiple_of3A_1804] : memref<16x1000000xf32, #tpu.memory_space<hbm>> -> memref<16x128xf32, #tpu.memory_space<hbm>>
        tpu.enqueue_dma source(%dma_start3A_1830 : memref<16x128xf32, #tpu.memory_space<hbm>>) target(%dma_start3A_1828 : memref<16x128xf32, #tpu.memory_space<vmem>>) target_semaphore(%arg13 : memref<!tpu.dma_semaphore, #tpu.memory_space<semaphore_mem>>)
      } else {
      }
      %dma_wait3A_1076 = arith.constant 0 : i32
      %dma_wait3A_1077 = arith.constant 0 : i32
      %dma_wait3A_1078 = arith.constant 0 : i32
      %dma_wait3A_1079 = tpu.memref_slice %arg9[%dma_wait3A_1076, %dma_wait3A_1077, %dma_wait3A_1078] : memref<2x128x128xf32, #tpu.memory_space<vmem>> -> memref<1x128x128xf32, #tpu.memory_space<vmem>>
      %dma_wait3A_1080 = tpu.memref_squeeze %dma_wait3A_1079 : memref<1x128x128xf32, #tpu.memory_space<vmem>> -> memref<128x128xf32, #tpu.memory_space<vmem>>
      %dma_wait3A_1081 = arith.constant 0 : i32
      %dma_wait3A_1082 = arith.constant 0 : i32
      %dma_wait3A_1083 = tpu.memref_slice %arg4[%dma_wait3A_1081, %dma_wait3A_1082] : memref<16x1000000xf32, #tpu.memory_space<hbm>> -> memref<16x1024xf32, #tpu.memory_space<hbm>>
      %dma_wait3A_1084 = arith.constant 0 : i32
      %dma_wait3A_1085 = arith.constant 0 : i32
      %dma_wait3A_1086 = tpu.memref_slice %arg9[%dma_wait3A_1076, %dma_wait3A_1084, %dma_wait3A_1085] : memref<2x128x128xf32, #tpu.memory_space<vmem>> -> memref<1x128x128xf32, #tpu.memory_space<vmem>>
      %dma_wait3A_1087 = tpu.memref_squeeze %dma_wait3A_1086 : memref<1x128x128xf32, #tpu.memory_space<vmem>> -> memref<128x128xf32, #tpu.memory_space<vmem>>
      %dma_wait3A_1088 = arith.constant 0 : i32
      %dma_wait3A_1089 = arith.constant 0 : i32
      %dma_wait3A_1090 = tpu.memref_slice %arg4[%dma_wait3A_1088, %dma_wait3A_1089] : memref<16x1000000xf32, #tpu.memory_space<hbm>> -> memref<16x1024xf32, #tpu.memory_space<hbm>>
      tpu.wait_dma2 semaphore(%arg12 : memref<!tpu.dma_semaphore, #tpu.memory_space<semaphore_mem>>) src(%dma_wait3A_1090 : memref<16x1024xf32, #tpu.memory_space<hbm>>) dst(%dma_wait3A_1087 : memref<128x128xf32, #tpu.memory_space<vmem>>)
      %dma_wait3A_1091 = arith.constant 0 : i32
      %dma_wait3A_1092 = arith.constant 0 : i32
      %dma_wait3A_1093 = arith.constant 0 : i32
      %dma_wait3A_1094 = tpu.memref_slice %arg10[%dma_wait3A_1091, %dma_wait3A_1092, %dma_wait3A_1093] : memref<2x128x128xf32, #tpu.memory_space<vmem>> -> memref<1x128x128xf32, #tpu.memory_space<vmem>>
      %dma_wait3A_1095 = tpu.memref_squeeze %dma_wait3A_1094 : memref<1x128x128xf32, #tpu.memory_space<vmem>> -> memref<128x128xf32, #tpu.memory_space<vmem>>
      %dma_wait3A_1096 = arith.constant 0 : i32
      %dma_wait3A_1097 = arith.constant 0 : i32
      %dma_wait3A_1098 = tpu.memref_slice %arg5[%dma_wait3A_1096, %dma_wait3A_1097] : memref<16x1000000xf32, #tpu.memory_space<hbm>> -> memref<16x1024xf32, #tpu.memory_space<hbm>>
      %dma_wait3A_1099 = arith.constant 0 : i32
      %dma_wait3A_1100 = arith.constant 0 : i32
      %dma_wait3A_1101 = tpu.memref_slice %arg10[%dma_wait3A_1091, %dma_wait3A_1099, %dma_wait3A_1100] : memref<2x128x128xf32, #tpu.memory_space<vmem>> -> memref<1x128x128xf32, #tpu.memory_space<vmem>>
      %dma_wait3A_1102 = tpu.memref_squeeze %dma_wait3A_1101 : memref<1x128x128xf32, #tpu.memory_space<vmem>> -> memref<128x128xf32, #tpu.memory_space<vmem>>
      %dma_wait3A_1103 = arith.constant 0 : i32
      %dma_wait3A_1104 = arith.constant 0 : i32
      %dma_wait3A_1105 = tpu.memref_slice %arg5[%dma_wait3A_1103, %dma_wait3A_1104] : memref<16x1000000xf32, #tpu.memory_space<hbm>> -> memref<16x1024xf32, #tpu.memory_space<hbm>>
      tpu.wait_dma2 semaphore(%arg13 : memref<!tpu.dma_semaphore, #tpu.memory_space<semaphore_mem>>) src(%dma_wait3A_1105 : memref<16x1024xf32, #tpu.memory_space<hbm>>) dst(%dma_wait3A_1102 : memref<128x128xf32, #tpu.memory_space<vmem>>)
      %mul3A_1106 = arith.constant 16 : i32
      %mul3A_1107 = arith.muli %scan3A_326, %mul3A_1106 : i32
      %get3A_1108 = arith.index_cast %mul3A_1107 : i32 to index
      %get3A_1109 = tpu.vector_load %arg7[%get3A_1108] {strides = array<i32>} : memref<512xi32, #tpu.memory_space<vmem>>, vector<16xi32>,
      %and3A_1110 = arith.constant 127 : i32
      %and3A_1111 = vector.broadcast %and3A_1110 : i32 to vector<16xi32>
      %and3A_1112 = arith.andi %get3A_1109, %and3A_1111 : vector<16xi32>
      %mul3A_1113 = arith.constant 16 : i32
      %mul3A_1114 = arith.muli %scan3A_326, %mul3A_1113 : i32
      %get3A_1115 = arith.index_cast %mul3A_1114 : i32 to index
      %get3A_1116 = tpu.vector_load %arg8[%get3A_1115] {strides = array<i32>} : memref<512xi32, #tpu.memory_space<vmem>>, vector<16xi32>,
      %and3A_1117 = arith.constant 127 : i32
      %and3A_1118 = vector.broadcast %and3A_1117 : i32 to vector<16xi32>
      %and3A_1119 = arith.andi %get3A_1116, %and3A_1118 : vector<16xi32>
      %broadcast_in_dim3A_1120 = arith.constant 1 : i32
      %broadcast_in_dim3A_1121 = vector.broadcast %broadcast_in_dim3A_1120 : i32 to vector<16xi32>
      %add3A_1122 = arith.constant 0 : i32
      %add3A_1123 = vector.broadcast %add3A_1122 : i32 to vector<16xi32>
      %add3A_1124 = arith.addi %add3A_1123, %iota3A : vector<16xi32>
      %slice3A_1125 = vector.extract_strided_slice %and3A_1112 {offsets = [8], sizes = [1], strides = [1]} : vector<16xi32> to vector<1xi32>
      %squeeze3A_1126 = vector.extract %slice3A_1125[0] : i32 from vector<1xi32>
      %broadcast_in_dim3A_1127 = vector.broadcast %squeeze3A_1126 : i32 to vector<16xi32>
      %gather3A_1128 = tpu.vector_load_idx %arg9[%broadcast_in_dim3A_1121, %add3A_1124, %broadcast_in_dim3A_1127] : memref<2x128x128xf32, #tpu.memory_space<vmem>>[vector<16xi32>, vector<16xi32>, vector<16xi32>], vector<16xf32>,
      %add3A_1129 = arith.constant 0 : i32
      %add3A_1130 = vector.broadcast %add3A_1129 : i32 to vector<16xi32>
      %add3A_1131 = arith.addi %add3A_1130, %iota3A : vector<16xi32>
      %slice3A_1132 = vector.extract_strided_slice %and3A_1119 {offsets = [8], sizes = [1], strides = [1]} : vector<16xi32> to vector<1xi32>
      %squeeze3A_1133 = vector.extract %slice3A_1132[0] : i32 from vector<1xi32>
      %broadcast_in_dim3A_1134 = vector.broadcast %squeeze3A_1133 : i32 to vector<16xi32>
      %gather3A_1135 = tpu.vector_load_idx %arg10[%broadcast_in_dim3A_1121, %add3A_1131, %broadcast_in_dim3A_1134] : memref<2x128x128xf32, #tpu.memory_space<vmem>>[vector<16xi32>, vector<16xi32>, vector<16xi32>], vector<16xf32>,
      %mul3A_1136 = arith.mulf %gather3A_1128, %gather3A_1135 : vector<16xf32>
      %xor3A_1137 = arith.constant 1 : i32
      %xor3A_1138 = vector.broadcast %xor3A_1137 : i32 to vector<16xi32>
      %xor3A_1139 = arith.xori %iota3A, %xor3A_1138 : vector<16xi32>
      %broadcast_in_dim3A_1140 = vector.shape_cast %xor3A_1139 : vector<16xi32> to vector<16x1xi32>
      %gather3A_1141 = vector.shape_cast %broadcast_in_dim3A_1140 : vector<16x1xi32> to vector<16xi32>
      %gather3A_1142 = tpu.dynamic_gather %mul3A_1136[%gather3A_1141] in [0] : vector<16xf32>, vector<16xi32> -> vector<16xf32>
      %add3A_1143 = arith.addf %mul3A_1136, %gather3A_1142 : vector<16xf32>
      %xor3A_1144 = arith.constant 2 : i32
      %xor3A_1145 = vector.broadcast %xor3A_1144 : i32 to vector<16xi32>
      %xor3A_1146 = arith.xori %iota3A, %xor3A_1145 : vector<16xi32>
      %broadcast_in_dim3A_1147 = vector.shape_cast %xor3A_1146 : vector<16xi32> to vector<16x1xi32>
      %gather3A_1148 = vector.shape_cast %broadcast_in_dim3A_1147 : vector<16x1xi32> to vector<16xi32>
      %gather3A_1149 = tpu.dynamic_gather %add3A_1143[%gather3A_1148] in [0] : vector<16xf32>, vector<16xi32> -> vector<16xf32>
      %add3A_1150 = arith.addf %add3A_1143, %gather3A_1149 : vector<16xf32>
      %xor3A_1151 = arith.constant 4 : i32
      %xor3A_1152 = vector.broadcast %xor3A_1151 : i32 to vector<16xi32>
      %xor3A_1153 = arith.xori %iota3A, %xor3A_1152 : vector<16xi32>
      %broadcast_in_dim3A_1154 = vector.shape_cast %xor3A_1153 : vector<16xi32> to vector<16x1xi32>
      %gather3A_1155 = vector.shape_cast %broadcast_in_dim3A_1154 : vector<16x1xi32> to vector<16xi32>
      %gather3A_1156 = tpu.dynamic_gather %add3A_1150[%gather3A_1155] in [0] : vector<16xf32>, vector<16xi32> -> vector<16xf32>
      %add3A_1157 = arith.addf %add3A_1150, %gather3A_1156 : vector<16xf32>
      %xor3A_1158 = arith.constant 8 : i32
      %xor3A_1159 = vector.broadcast %xor3A_1158 : i32 to vector<16xi32>
      %xor3A_1160 = arith.xori %iota3A, %xor3A_1159 : vector<16xi32>
      %broadcast_in_dim3A_1161 = vector.shape_cast %xor3A_1160 : vector<16xi32> to vector<16x1xi32>
      %gather3A_1162 = vector.shape_cast %broadcast_in_dim3A_1161 : vector<16x1xi32> to vector<16xi32>
      %gather3A_1163 = tpu.dynamic_gather %add3A_1157[%gather3A_1162] in [0] : vector<16xf32>, vector<16xi32> -> vector<16xf32>
      %add3A_1164 = arith.addf %add3A_1157, %gather3A_1163 : vector<16xf32>
      %eq3A_1165 = arith.constant 8 : i32
      %eq3A_1166 = vector.broadcast %eq3A_1165 : i32 to vector<16xi32>
      %eq3A_1167 = arith.cmpi eq, %iota3A, %eq3A_1166 : vector<16xi32>
      %select_n3A_1168 = arith.select %eq3A_1167, %add3A_1164, %select_n3A_1071 : vector<16xi1>, vector<16xf32>
      %add3A_1169 = arith.constant 16 : i32
      %add3A_1170 = vector.broadcast %add3A_1169 : i32 to vector<16xi32>
      %add3A_1171 = arith.addi %add3A_1170, %iota3A : vector<16xi32>
      %slice3A_1172 = vector.extract_strided_slice %and3A_1112 {offsets = [9], sizes = [1], strides = [1]} : vector<16xi32> to vector<1xi32>
      %squeeze3A_1173 = vector.extract %slice3A_1172[0] : i32 from vector<1xi32>
      %broadcast_in_dim3A_1174 = vector.broadcast %squeeze3A_1173 : i32 to vector<16xi32>
      %gather3A_1175 = tpu.vector_load_idx %arg9[%broadcast_in_dim3A_1121, %add3A_1171, %broadcast_in_dim3A_1174] : memref<2x128x128xf32, #tpu.memory_space<vmem>>[vector<16xi32>, vector<16xi32>, vector<16xi32>], vector<16xf32>,
      %add3A_1176 = arith.constant 16 : i32
      %add3A_1177 = vector.broadcast %add3A_1176 : i32 to vector<16xi32>
      %add3A_1178 = arith.addi %add3A_1177, %iota3A : vector<16xi32>
      %slice3A_1179 = vector.extract_strided_slice %and3A_1119 {offsets = [9], sizes = [1], strides = [1]} : vector<16xi32> to vector<1xi32>
      %squeeze3A_1180 = vector.extract %slice3A_1179[0] : i32 from vector<1xi32>
      %broadcast_in_dim3A_1181 = vector.broadcast %squeeze3A_1180 : i32 to vector<16xi32>
      %gather3A_1182 = tpu.vector_load_idx %arg10[%broadcast_in_dim3A_1121, %add3A_1178, %broadcast_in_dim3A_1181] : memref<2x128x128xf32, #tpu.memory_space<vmem>>[vector<16xi32>, vector<16xi32>, vector<16xi32>], vector<16xf32>,
      %mul3A_1183 = arith.mulf %gather3A_1175, %gather3A_1182 : vector<16xf32>
      %xor3A_1184 = arith.constant 1 : i32
      %xor3A_1185 = vector.broadcast %xor3A_1184 : i32 to vector<16xi32>
      %xor3A_1186 = arith.xori %iota3A, %xor3A_1185 : vector<16xi32>
      %broadcast_in_dim3A_1187 = vector.shape_cast %xor3A_1186 : vector<16xi32> to vector<16x1xi32>
      %gather3A_1188 = vector.shape_cast %broadcast_in_dim3A_1187 : vector<16x1xi32> to vector<16xi32>
      %gather3A_1189 = tpu.dynamic_gather %mul3A_1183[%gather3A_1188] in [0] : vector<16xf32>, vector<16xi32> -> vector<16xf32>
      %add3A_1190 = arith.addf %mul3A_1183, %gather3A_1189 : vector<16xf32>
      %xor3A_1191 = arith.constant 2 : i32
      %xor3A_1192 = vector.broadcast %xor3A_1191 : i32 to vector<16xi32>
      %xor3A_1193 = arith.xori %iota3A, %xor3A_1192 : vector<16xi32>
      %broadcast_in_dim3A_1194 = vector.shape_cast %xor3A_1193 : vector<16xi32> to vector<16x1xi32>
      %gather3A_1195 = vector.shape_cast %broadcast_in_dim3A_1194 : vector<16x1xi32> to vector<16xi32>
      %gather3A_1196 = tpu.dynamic_gather %add3A_1190[%gather3A_1195] in [0] : vector<16xf32>, vector<16xi32> -> vector<16xf32>
      %add3A_1197 = arith.addf %add3A_1190, %gather3A_1196 : vector<16xf32>
      %xor3A_1198 = arith.constant 4 : i32
      %xor3A_1199 = vector.broadcast %xor3A_1198 : i32 to vector<16xi32>
      %xor3A_1200 = arith.xori %iota3A, %xor3A_1199 : vector<16xi32>
      %broadcast_in_dim3A_1201 = vector.shape_cast %xor3A_1200 : vector<16xi32> to vector<16x1xi32>
      %gather3A_1202 = vector.shape_cast %broadcast_in_dim3A_1201 : vector<16x1xi32> to vector<16xi32>
      %gather3A_1203 = tpu.dynamic_gather %add3A_1197[%gather3A_1202] in [0] : vector<16xf32>, vector<16xi32> -> vector<16xf32>
      %add3A_1204 = arith.addf %add3A_1197, %gather3A_1203 : vector<16xf32>
      %xor3A_1205 = arith.constant 8 : i32
      %xor3A_1206 = vector.broadcast %xor3A_1205 : i32 to vector<16xi32>
      %xor3A_1207 = arith.xori %iota3A, %xor3A_1206 : vector<16xi32>
      %broadcast_in_dim3A_1208 = vector.shape_cast %xor3A_1207 : vector<16xi32> to vector<16x1xi32>
      %gather3A_1209 = vector.shape_cast %broadcast_in_dim3A_1208 : vector<16x1xi32> to vector<16xi32>
      %gather3A_1210 = tpu.dynamic_gather %add3A_1204[%gather3A_1209] in [0] : vector<16xf32>, vector<16xi32> -> vector<16xf32>
      %add3A_1211 = arith.addf %add3A_1204, %gather3A_1210 : vector<16xf32>
      %eq3A_1212 = arith.constant 9 : i32
      %eq3A_1213 = vector.broadcast %eq3A_1212 : i32 to vector<16xi32>
      %eq3A_1214 = arith.cmpi eq, %iota3A, %eq3A_1213 : vector<16xi32>
      %select_n3A_1215 = arith.select %eq3A_1214, %add3A_1211, %select_n3A_1168 : vector<16xi1>, vector<16xf32>
      %add3A_1216 = arith.constant 32 : i32
      %add3A_1217 = vector.broadcast %add3A_1216 : i32 to vector<16xi32>
      %add3A_1218 = arith.addi %add3A_1217, %iota3A : vector<16xi32>
      %slice3A_1219 = vector.extract_strided_slice %and3A_1112 {offsets = [10], sizes = [1], strides = [1]} : vector<16xi32> to vector<1xi32>
      %squeeze3A_1220 = vector.extract %slice3A_1219[0] : i32 from vector<1xi32>
      %broadcast_in_dim3A_1221 = vector.broadcast %squeeze3A_1220 : i32 to vector<16xi32>
      %gather3A_1222 = tpu.vector_load_idx %arg9[%broadcast_in_dim3A_1121, %add3A_1218, %broadcast_in_dim3A_1221] : memref<2x128x128xf32, #tpu.memory_space<vmem>>[vector<16xi32>, vector<16xi32>, vector<16xi32>], vector<16xf32>,
      %add3A_1223 = arith.constant 32 : i32
      %add3A_1224 = vector.broadcast %add3A_1223 : i32 to vector<16xi32>
      %add3A_1225 = arith.addi %add3A_1224, %iota3A : vector<16xi32>
      %slice3A_1226 = vector.extract_strided_slice %and3A_1119 {offsets = [10], sizes = [1], strides = [1]} : vector<16xi32> to vector<1xi32>
      %squeeze3A_1227 = vector.extract %slice3A_1226[0] : i32 from vector<1xi32>
      %broadcast_in_dim3A_1228 = vector.broadcast %squeeze3A_1227 : i32 to vector<16xi32>
      %gather3A_1229 = tpu.vector_load_idx %arg10[%broadcast_in_dim3A_1121, %add3A_1225, %broadcast_in_dim3A_1228] : memref<2x128x128xf32, #tpu.memory_space<vmem>>[vector<16xi32>, vector<16xi32>, vector<16xi32>], vector<16xf32>,
      %mul3A_1230 = arith.mulf %gather3A_1222, %gather3A_1229 : vector<16xf32>
      %xor3A_1231 = arith.constant 1 : i32
      %xor3A_1232 = vector.broadcast %xor3A_1231 : i32 to vector<16xi32>
      %xor3A_1233 = arith.xori %iota3A, %xor3A_1232 : vector<16xi32>
      %broadcast_in_dim3A_1234 = vector.shape_cast %xor3A_1233 : vector<16xi32> to vector<16x1xi32>
      %gather3A_1235 = vector.shape_cast %broadcast_in_dim3A_1234 : vector<16x1xi32> to vector<16xi32>
      %gather3A_1236 = tpu.dynamic_gather %mul3A_1230[%gather3A_1235] in [0] : vector<16xf32>, vector<16xi32> -> vector<16xf32>
      %add3A_1237 = arith.addf %mul3A_1230, %gather3A_1236 : vector<16xf32>
      %xor3A_1238 = arith.constant 2 : i32
      %xor3A_1239 = vector.broadcast %xor3A_1238 : i32 to vector<16xi32>
      %xor3A_1240 = arith.xori %iota3A, %xor3A_1239 : vector<16xi32>
      %broadcast_in_dim3A_1241 = vector.shape_cast %xor3A_1240 : vector<16xi32> to vector<16x1xi32>
      %gather3A_1242 = vector.shape_cast %broadcast_in_dim3A_1241 : vector<16x1xi32> to vector<16xi32>
      %gather3A_1243 = tpu.dynamic_gather %add3A_1237[%gather3A_1242] in [0] : vector<16xf32>, vector<16xi32> -> vector<16xf32>
      %add3A_1244 = arith.addf %add3A_1237, %gather3A_1243 : vector<16xf32>
      %xor3A_1245 = arith.constant 4 : i32
      %xor3A_1246 = vector.broadcast %xor3A_1245 : i32 to vector<16xi32>
      %xor3A_1247 = arith.xori %iota3A, %xor3A_1246 : vector<16xi32>
      %broadcast_in_dim3A_1248 = vector.shape_cast %xor3A_1247 : vector<16xi32> to vector<16x1xi32>
      %gather3A_1249 = vector.shape_cast %broadcast_in_dim3A_1248 : vector<16x1xi32> to vector<16xi32>
      %gather3A_1250 = tpu.dynamic_gather %add3A_1244[%gather3A_1249] in [0] : vector<16xf32>, vector<16xi32> -> vector<16xf32>
      %add3A_1251 = arith.addf %add3A_1244, %gather3A_1250 : vector<16xf32>
      %xor3A_1252 = arith.constant 8 : i32
      %xor3A_1253 = vector.broadcast %xor3A_1252 : i32 to vector<16xi32>
      %xor3A_1254 = arith.xori %iota3A, %xor3A_1253 : vector<16xi32>
      %broadcast_in_dim3A_1255 = vector.shape_cast %xor3A_1254 : vector<16xi32> to vector<16x1xi32>
      %gather3A_1256 = vector.shape_cast %broadcast_in_dim3A_1255 : vector<16x1xi32> to vector<16xi32>
      %gather3A_1257 = tpu.dynamic_gather %add3A_1251[%gather3A_1256] in [0] : vector<16xf32>, vector<16xi32> -> vector<16xf32>
      %add3A_1258 = arith.addf %add3A_1251, %gather3A_1257 : vector<16xf32>
      %eq3A_1259 = arith.constant 10 : i32
      %eq3A_1260 = vector.broadcast %eq3A_1259 : i32 to vector<16xi32>
      %eq3A_1261 = arith.cmpi eq, %iota3A, %eq3A_1260 : vector<16xi32>
      %select_n3A_1262 = arith.select %eq3A_1261, %add3A_1258, %select_n3A_1215 : vector<16xi1>, vector<16xf32>
      %add3A_1263 = arith.constant 48 : i32
      %add3A_1264 = vector.broadcast %add3A_1263 : i32 to vector<16xi32>
      %add3A_1265 = arith.addi %add3A_1264, %iota3A : vector<16xi32>
      %slice3A_1266 = vector.extract_strided_slice %and3A_1112 {offsets = [11], sizes = [1], strides = [1]} : vector<16xi32> to vector<1xi32>
      %squeeze3A_1267 = vector.extract %slice3A_1266[0] : i32 from vector<1xi32>
      %broadcast_in_dim3A_1268 = vector.broadcast %squeeze3A_1267 : i32 to vector<16xi32>
      %gather3A_1269 = tpu.vector_load_idx %arg9[%broadcast_in_dim3A_1121, %add3A_1265, %broadcast_in_dim3A_1268] : memref<2x128x128xf32, #tpu.memory_space<vmem>>[vector<16xi32>, vector<16xi32>, vector<16xi32>], vector<16xf32>,
      %add3A_1270 = arith.constant 48 : i32
      %add3A_1271 = vector.broadcast %add3A_1270 : i32 to vector<16xi32>
      %add3A_1272 = arith.addi %add3A_1271, %iota3A : vector<16xi32>
      %slice3A_1273 = vector.extract_strided_slice %and3A_1119 {offsets = [11], sizes = [1], strides = [1]} : vector<16xi32> to vector<1xi32>
      %squeeze3A_1274 = vector.extract %slice3A_1273[0] : i32 from vector<1xi32>
      %broadcast_in_dim3A_1275 = vector.broadcast %squeeze3A_1274 : i32 to vector<16xi32>
      %gather3A_1276 = tpu.vector_load_idx %arg10[%broadcast_in_dim3A_1121, %add3A_1272, %broadcast_in_dim3A_1275] : memref<2x128x128xf32, #tpu.memory_space<vmem>>[vector<16xi32>, vector<16xi32>, vector<16xi32>], vector<16xf32>,
      %mul3A_1277 = arith.mulf %gather3A_1269, %gather3A_1276 : vector<16xf32>
      %xor3A_1278 = arith.constant 1 : i32
      %xor3A_1279 = vector.broadcast %xor3A_1278 : i32 to vector<16xi32>
      %xor3A_1280 = arith.xori %iota3A, %xor3A_1279 : vector<16xi32>
      %broadcast_in_dim3A_1281 = vector.shape_cast %xor3A_1280 : vector<16xi32> to vector<16x1xi32>
      %gather3A_1282 = vector.shape_cast %broadcast_in_dim3A_1281 : vector<16x1xi32> to vector<16xi32>
      %gather3A_1283 = tpu.dynamic_gather %mul3A_1277[%gather3A_1282] in [0] : vector<16xf32>, vector<16xi32> -> vector<16xf32>
      %add3A_1284 = arith.addf %mul3A_1277, %gather3A_1283 : vector<16xf32>
      %xor3A_1285 = arith.constant 2 : i32
      %xor3A_1286 = vector.broadcast %xor3A_1285 : i32 to vector<16xi32>
      %xor3A_1287 = arith.xori %iota3A, %xor3A_1286 : vector<16xi32>
      %broadcast_in_dim3A_1288 = vector.shape_cast %xor3A_1287 : vector<16xi32> to vector<16x1xi32>
      %gather3A_1289 = vector.shape_cast %broadcast_in_dim3A_1288 : vector<16x1xi32> to vector<16xi32>
      %gather3A_1290 = tpu.dynamic_gather %add3A_1284[%gather3A_1289] in [0] : vector<16xf32>, vector<16xi32> -> vector<16xf32>
      %add3A_1291 = arith.addf %add3A_1284, %gather3A_1290 : vector<16xf32>
      %xor3A_1292 = arith.constant 4 : i32
      %xor3A_1293 = vector.broadcast %xor3A_1292 : i32 to vector<16xi32>
      %xor3A_1294 = arith.xori %iota3A, %xor3A_1293 : vector<16xi32>
      %broadcast_in_dim3A_1295 = vector.shape_cast %xor3A_1294 : vector<16xi32> to vector<16x1xi32>
      %gather3A_1296 = vector.shape_cast %broadcast_in_dim3A_1295 : vector<16x1xi32> to vector<16xi32>
      %gather3A_1297 = tpu.dynamic_gather %add3A_1291[%gather3A_1296] in [0] : vector<16xf32>, vector<16xi32> -> vector<16xf32>
      %add3A_1298 = arith.addf %add3A_1291, %gather3A_1297 : vector<16xf32>
      %xor3A_1299 = arith.constant 8 : i32
      %xor3A_1300 = vector.broadcast %xor3A_1299 : i32 to vector<16xi32>
      %xor3A_1301 = arith.xori %iota3A, %xor3A_1300 : vector<16xi32>
      %broadcast_in_dim3A_1302 = vector.shape_cast %xor3A_1301 : vector<16xi32> to vector<16x1xi32>
      %gather3A_1303 = vector.shape_cast %broadcast_in_dim3A_1302 : vector<16x1xi32> to vector<16xi32>
      %gather3A_1304 = tpu.dynamic_gather %add3A_1298[%gather3A_1303] in [0] : vector<16xf32>, vector<16xi32> -> vector<16xf32>
      %add3A_1305 = arith.addf %add3A_1298, %gather3A_1304 : vector<16xf32>
      %eq3A_1306 = arith.constant 11 : i32
      %eq3A_1307 = vector.broadcast %eq3A_1306 : i32 to vector<16xi32>
      %eq3A_1308 = arith.cmpi eq, %iota3A, %eq3A_1307 : vector<16xi32>
      %select_n3A_1309 = arith.select %eq3A_1308, %add3A_1305, %select_n3A_1262 : vector<16xi1>, vector<16xf32>
      %add3A_1310 = arith.constant 64 : i32
      %add3A_1311 = vector.broadcast %add3A_1310 : i32 to vector<16xi32>
      %add3A_1312 = arith.addi %add3A_1311, %iota3A : vector<16xi32>
      %slice3A_1313 = vector.extract_strided_slice %and3A_1112 {offsets = [12], sizes = [1], strides = [1]} : vector<16xi32> to vector<1xi32>
      %squeeze3A_1314 = vector.extract %slice3A_1313[0] : i32 from vector<1xi32>
      %broadcast_in_dim3A_1315 = vector.broadcast %squeeze3A_1314 : i32 to vector<16xi32>
      %gather3A_1316 = tpu.vector_load_idx %arg9[%broadcast_in_dim3A_1121, %add3A_1312, %broadcast_in_dim3A_1315] : memref<2x128x128xf32, #tpu.memory_space<vmem>>[vector<16xi32>, vector<16xi32>, vector<16xi32>], vector<16xf32>,
      %add3A_1317 = arith.constant 64 : i32
      %add3A_1318 = vector.broadcast %add3A_1317 : i32 to vector<16xi32>
      %add3A_1319 = arith.addi %add3A_1318, %iota3A : vector<16xi32>
      %slice3A_1320 = vector.extract_strided_slice %and3A_1119 {offsets = [12], sizes = [1], strides = [1]} : vector<16xi32> to vector<1xi32>
      %squeeze3A_1321 = vector.extract %slice3A_1320[0] : i32 from vector<1xi32>
      %broadcast_in_dim3A_1322 = vector.broadcast %squeeze3A_1321 : i32 to vector<16xi32>
      %gather3A_1323 = tpu.vector_load_idx %arg10[%broadcast_in_dim3A_1121, %add3A_1319, %broadcast_in_dim3A_1322] : memref<2x128x128xf32, #tpu.memory_space<vmem>>[vector<16xi32>, vector<16xi32>, vector<16xi32>], vector<16xf32>,
      %mul3A_1324 = arith.mulf %gather3A_1316, %gather3A_1323 : vector<16xf32>
      %xor3A_1325 = arith.constant 1 : i32
      %xor3A_1326 = vector.broadcast %xor3A_1325 : i32 to vector<16xi32>
      %xor3A_1327 = arith.xori %iota3A, %xor3A_1326 : vector<16xi32>
      %broadcast_in_dim3A_1328 = vector.shape_cast %xor3A_1327 : vector<16xi32> to vector<16x1xi32>
      %gather3A_1329 = vector.shape_cast %broadcast_in_dim3A_1328 : vector<16x1xi32> to vector<16xi32>
      %gather3A_1330 = tpu.dynamic_gather %mul3A_1324[%gather3A_1329] in [0] : vector<16xf32>, vector<16xi32> -> vector<16xf32>
      %add3A_1331 = arith.addf %mul3A_1324, %gather3A_1330 : vector<16xf32>
      %xor3A_1332 = arith.constant 2 : i32
      %xor3A_1333 = vector.broadcast %xor3A_1332 : i32 to vector<16xi32>
      %xor3A_1334 = arith.xori %iota3A, %xor3A_1333 : vector<16xi32>
      %broadcast_in_dim3A_1335 = vector.shape_cast %xor3A_1334 : vector<16xi32> to vector<16x1xi32>
      %gather3A_1336 = vector.shape_cast %broadcast_in_dim3A_1335 : vector<16x1xi32> to vector<16xi32>
      %gather3A_1337 = tpu.dynamic_gather %add3A_1331[%gather3A_1336] in [0] : vector<16xf32>, vector<16xi32> -> vector<16xf32>
      %add3A_1338 = arith.addf %add3A_1331, %gather3A_1337 : vector<16xf32>
      %xor3A_1339 = arith.constant 4 : i32
      %xor3A_1340 = vector.broadcast %xor3A_1339 : i32 to vector<16xi32>
      %xor3A_1341 = arith.xori %iota3A, %xor3A_1340 : vector<16xi32>
      %broadcast_in_dim3A_1342 = vector.shape_cast %xor3A_1341 : vector<16xi32> to vector<16x1xi32>
      %gather3A_1343 = vector.shape_cast %broadcast_in_dim3A_1342 : vector<16x1xi32> to vector<16xi32>
      %gather3A_1344 = tpu.dynamic_gather %add3A_1338[%gather3A_1343] in [0] : vector<16xf32>, vector<16xi32> -> vector<16xf32>
      %add3A_1345 = arith.addf %add3A_1338, %gather3A_1344 : vector<16xf32>
      %xor3A_1346 = arith.constant 8 : i32
      %xor3A_1347 = vector.broadcast %xor3A_1346 : i32 to vector<16xi32>
      %xor3A_1348 = arith.xori %iota3A, %xor3A_1347 : vector<16xi32>
      %broadcast_in_dim3A_1349 = vector.shape_cast %xor3A_1348 : vector<16xi32> to vector<16x1xi32>
      %gather3A_1350 = vector.shape_cast %broadcast_in_dim3A_1349 : vector<16x1xi32> to vector<16xi32>
      %gather3A_1351 = tpu.dynamic_gather %add3A_1345[%gather3A_1350] in [0] : vector<16xf32>, vector<16xi32> -> vector<16xf32>
      %add3A_1352 = arith.addf %add3A_1345, %gather3A_1351 : vector<16xf32>
      %eq3A_1353 = arith.constant 12 : i32
      %eq3A_1354 = vector.broadcast %eq3A_1353 : i32 to vector<16xi32>
      %eq3A_1355 = arith.cmpi eq, %iota3A, %eq3A_1354 : vector<16xi32>
      %select_n3A_1356 = arith.select %eq3A_1355, %add3A_1352, %select_n3A_1309 : vector<16xi1>, vector<16xf32>
      %add3A_1357 = arith.constant 80 : i32
      %add3A_1358 = vector.broadcast %add3A_1357 : i32 to vector<16xi32>
      %add3A_1359 = arith.addi %add3A_1358, %iota3A : vector<16xi32>
      %slice3A_1360 = vector.extract_strided_slice %and3A_1112 {offsets = [13], sizes = [1], strides = [1]} : vector<16xi32> to vector<1xi32>
      %squeeze3A_1361 = vector.extract %slice3A_1360[0] : i32 from vector<1xi32>
      %broadcast_in_dim3A_1362 = vector.broadcast %squeeze3A_1361 : i32 to vector<16xi32>
      %gather3A_1363 = tpu.vector_load_idx %arg9[%broadcast_in_dim3A_1121, %add3A_1359, %broadcast_in_dim3A_1362] : memref<2x128x128xf32, #tpu.memory_space<vmem>>[vector<16xi32>, vector<16xi32>, vector<16xi32>], vector<16xf32>,
      %add3A_1364 = arith.constant 80 : i32
      %add3A_1365 = vector.broadcast %add3A_1364 : i32 to vector<16xi32>
      %add3A_1366 = arith.addi %add3A_1365, %iota3A : vector<16xi32>
      %slice3A_1367 = vector.extract_strided_slice %and3A_1119 {offsets = [13], sizes = [1], strides = [1]} : vector<16xi32> to vector<1xi32>
      %squeeze3A_1368 = vector.extract %slice3A_1367[0] : i32 from vector<1xi32>
      %broadcast_in_dim3A_1369 = vector.broadcast %squeeze3A_1368 : i32 to vector<16xi32>
      %gather3A_1370 = tpu.vector_load_idx %arg10[%broadcast_in_dim3A_1121, %add3A_1366, %broadcast_in_dim3A_1369] : memref<2x128x128xf32, #tpu.memory_space<vmem>>[vector<16xi32>, vector<16xi32>, vector<16xi32>], vector<16xf32>,
      %mul3A_1371 = arith.mulf %gather3A_1363, %gather3A_1370 : vector<16xf32>
      %xor3A_1372 = arith.constant 1 : i32
      %xor3A_1373 = vector.broadcast %xor3A_1372 : i32 to vector<16xi32>
      %xor3A_1374 = arith.xori %iota3A, %xor3A_1373 : vector<16xi32>
      %broadcast_in_dim3A_1375 = vector.shape_cast %xor3A_1374 : vector<16xi32> to vector<16x1xi32>
      %gather3A_1376 = vector.shape_cast %broadcast_in_dim3A_1375 : vector<16x1xi32> to vector<16xi32>
      %gather3A_1377 = tpu.dynamic_gather %mul3A_1371[%gather3A_1376] in [0] : vector<16xf32>, vector<16xi32> -> vector<16xf32>
      %add3A_1378 = arith.addf %mul3A_1371, %gather3A_1377 : vector<16xf32>
      %xor3A_1379 = arith.constant 2 : i32
      %xor3A_1380 = vector.broadcast %xor3A_1379 : i32 to vector<16xi32>
      %xor3A_1381 = arith.xori %iota3A, %xor3A_1380 : vector<16xi32>
      %broadcast_in_dim3A_1382 = vector.shape_cast %xor3A_1381 : vector<16xi32> to vector<16x1xi32>
      %gather3A_1383 = vector.shape_cast %broadcast_in_dim3A_1382 : vector<16x1xi32> to vector<16xi32>
      %gather3A_1384 = tpu.dynamic_gather %add3A_1378[%gather3A_1383] in [0] : vector<16xf32>, vector<16xi32> -> vector<16xf32>
      %add3A_1385 = arith.addf %add3A_1378, %gather3A_1384 : vector<16xf32>
      %xor3A_1386 = arith.constant 4 : i32
      %xor3A_1387 = vector.broadcast %xor3A_1386 : i32 to vector<16xi32>
      %xor3A_1388 = arith.xori %iota3A, %xor3A_1387 : vector<16xi32>
      %broadcast_in_dim3A_1389 = vector.shape_cast %xor3A_1388 : vector<16xi32> to vector<16x1xi32>
      %gather3A_1390 = vector.shape_cast %broadcast_in_dim3A_1389 : vector<16x1xi32> to vector<16xi32>
      %gather3A_1391 = tpu.dynamic_gather %add3A_1385[%gather3A_1390] in [0] : vector<16xf32>, vector<16xi32> -> vector<16xf32>
      %add3A_1392 = arith.addf %add3A_1385, %gather3A_1391 : vector<16xf32>
      %xor3A_1393 = arith.constant 8 : i32
      %xor3A_1394 = vector.broadcast %xor3A_1393 : i32 to vector<16xi32>
      %xor3A_1395 = arith.xori %iota3A, %xor3A_1394 : vector<16xi32>
      %broadcast_in_dim3A_1396 = vector.shape_cast %xor3A_1395 : vector<16xi32> to vector<16x1xi32>
      %gather3A_1397 = vector.shape_cast %broadcast_in_dim3A_1396 : vector<16x1xi32> to vector<16xi32>
      %gather3A_1398 = tpu.dynamic_gather %add3A_1392[%gather3A_1397] in [0] : vector<16xf32>, vector<16xi32> -> vector<16xf32>
      %add3A_1399 = arith.addf %add3A_1392, %gather3A_1398 : vector<16xf32>
      %eq3A_1400 = arith.constant 13 : i32
      %eq3A_1401 = vector.broadcast %eq3A_1400 : i32 to vector<16xi32>
      %eq3A_1402 = arith.cmpi eq, %iota3A, %eq3A_1401 : vector<16xi32>
      %select_n3A_1403 = arith.select %eq3A_1402, %add3A_1399, %select_n3A_1356 : vector<16xi1>, vector<16xf32>
      %add3A_1404 = arith.constant 96 : i32
      %add3A_1405 = vector.broadcast %add3A_1404 : i32 to vector<16xi32>
      %add3A_1406 = arith.addi %add3A_1405, %iota3A : vector<16xi32>
      %slice3A_1407 = vector.extract_strided_slice %and3A_1112 {offsets = [14], sizes = [1], strides = [1]} : vector<16xi32> to vector<1xi32>
      %squeeze3A_1408 = vector.extract %slice3A_1407[0] : i32 from vector<1xi32>
      %broadcast_in_dim3A_1409 = vector.broadcast %squeeze3A_1408 : i32 to vector<16xi32>
      %gather3A_1410 = tpu.vector_load_idx %arg9[%broadcast_in_dim3A_1121, %add3A_1406, %broadcast_in_dim3A_1409] : memref<2x128x128xf32, #tpu.memory_space<vmem>>[vector<16xi32>, vector<16xi32>, vector<16xi32>], vector<16xf32>,
      %add3A_1411 = arith.constant 96 : i32
      %add3A_1412 = vector.broadcast %add3A_1411 : i32 to vector<16xi32>
      %add3A_1413 = arith.addi %add3A_1412, %iota3A : vector<16xi32>
      %slice3A_1414 = vector.extract_strided_slice %and3A_1119 {offsets = [14], sizes = [1], strides = [1]} : vector<16xi32> to vector<1xi32>
      %squeeze3A_1415 = vector.extract %slice3A_1414[0] : i32 from vector<1xi32>
      %broadcast_in_dim3A_1416 = vector.broadcast %squeeze3A_1415 : i32 to vector<16xi32>
      %gather3A_1417 = tpu.vector_load_idx %arg10[%broadcast_in_dim3A_1121, %add3A_1413, %broadcast_in_dim3A_1416] : memref<2x128x128xf32, #tpu.memory_space<vmem>>[vector<16xi32>, vector<16xi32>, vector<16xi32>], vector<16xf32>,
      %mul3A_1418 = arith.mulf %gather3A_1410, %gather3A_1417 : vector<16xf32>
      %xor3A_1419 = arith.constant 1 : i32
      %xor3A_1420 = vector.broadcast %xor3A_1419 : i32 to vector<16xi32>
      %xor3A_1421 = arith.xori %iota3A, %xor3A_1420 : vector<16xi32>
      %broadcast_in_dim3A_1422 = vector.shape_cast %xor3A_1421 : vector<16xi32> to vector<16x1xi32>
      %gather3A_1423 = vector.shape_cast %broadcast_in_dim3A_1422 : vector<16x1xi32> to vector<16xi32>
      %gather3A_1424 = tpu.dynamic_gather %mul3A_1418[%gather3A_1423] in [0] : vector<16xf32>, vector<16xi32> -> vector<16xf32>
      %add3A_1425 = arith.addf %mul3A_1418, %gather3A_1424 : vector<16xf32>
      %xor3A_1426 = arith.constant 2 : i32
      %xor3A_1427 = vector.broadcast %xor3A_1426 : i32 to vector<16xi32>
      %xor3A_1428 = arith.xori %iota3A, %xor3A_1427 : vector<16xi32>
      %broadcast_in_dim3A_1429 = vector.shape_cast %xor3A_1428 : vector<16xi32> to vector<16x1xi32>
      %gather3A_1430 = vector.shape_cast %broadcast_in_dim3A_1429 : vector<16x1xi32> to vector<16xi32>
      %gather3A_1431 = tpu.dynamic_gather %add3A_1425[%gather3A_1430] in [0] : vector<16xf32>, vector<16xi32> -> vector<16xf32>
      %add3A_1432 = arith.addf %add3A_1425, %gather3A_1431 : vector<16xf32>
      %xor3A_1433 = arith.constant 4 : i32
      %xor3A_1434 = vector.broadcast %xor3A_1433 : i32 to vector<16xi32>
      %xor3A_1435 = arith.xori %iota3A, %xor3A_1434 : vector<16xi32>
      %broadcast_in_dim3A_1436 = vector.shape_cast %xor3A_1435 : vector<16xi32> to vector<16x1xi32>
      %gather3A_1437 = vector.shape_cast %broadcast_in_dim3A_1436 : vector<16x1xi32> to vector<16xi32>
      %gather3A_1438 = tpu.dynamic_gather %add3A_1432[%gather3A_1437] in [0] : vector<16xf32>, vector<16xi32> -> vector<16xf32>
      %add3A_1439 = arith.addf %add3A_1432, %gather3A_1438 : vector<16xf32>
      %xor3A_1440 = arith.constant 8 : i32
      %xor3A_1441 = vector.broadcast %xor3A_1440 : i32 to vector<16xi32>
      %xor3A_1442 = arith.xori %iota3A, %xor3A_1441 : vector<16xi32>
      %broadcast_in_dim3A_1443 = vector.shape_cast %xor3A_1442 : vector<16xi32> to vector<16x1xi32>
      %gather3A_1444 = vector.shape_cast %broadcast_in_dim3A_1443 : vector<16x1xi32> to vector<16xi32>
      %gather3A_1445 = tpu.dynamic_gather %add3A_1439[%gather3A_1444] in [0] : vector<16xf32>, vector<16xi32> -> vector<16xf32>
      %add3A_1446 = arith.addf %add3A_1439, %gather3A_1445 : vector<16xf32>
      %eq3A_1447 = arith.constant 14 : i32
      %eq3A_1448 = vector.broadcast %eq3A_1447 : i32 to vector<16xi32>
      %eq3A_1449 = arith.cmpi eq, %iota3A, %eq3A_1448 : vector<16xi32>
      %select_n3A_1450 = arith.select %eq3A_1449, %add3A_1446, %select_n3A_1403 : vector<16xi1>, vector<16xf32>
      %add3A_1451 = arith.constant 112 : i32
      %add3A_1452 = vector.broadcast %add3A_1451 : i32 to vector<16xi32>
      %add3A_1453 = arith.addi %add3A_1452, %iota3A : vector<16xi32>
      %slice3A_1454 = vector.extract_strided_slice %and3A_1112 {offsets = [15], sizes = [1], strides = [1]} : vector<16xi32> to vector<1xi32>
      %squeeze3A_1455 = vector.extract %slice3A_1454[0] : i32 from vector<1xi32>
      %broadcast_in_dim3A_1456 = vector.broadcast %squeeze3A_1455 : i32 to vector<16xi32>
      %gather3A_1457 = tpu.vector_load_idx %arg9[%broadcast_in_dim3A_1121, %add3A_1453, %broadcast_in_dim3A_1456] : memref<2x128x128xf32, #tpu.memory_space<vmem>>[vector<16xi32>, vector<16xi32>, vector<16xi32>], vector<16xf32>,
      %add3A_1458 = arith.constant 112 : i32
      %add3A_1459 = vector.broadcast %add3A_1458 : i32 to vector<16xi32>
      %add3A_1460 = arith.addi %add3A_1459, %iota3A : vector<16xi32>
      %slice3A_1461 = vector.extract_strided_slice %and3A_1119 {offsets = [15], sizes = [1], strides = [1]} : vector<16xi32> to vector<1xi32>
      %squeeze3A_1462 = vector.extract %slice3A_1461[0] : i32 from vector<1xi32>
      %broadcast_in_dim3A_1463 = vector.broadcast %squeeze3A_1462 : i32 to vector<16xi32>
      %gather3A_1464 = tpu.vector_load_idx %arg10[%broadcast_in_dim3A_1121, %add3A_1460, %broadcast_in_dim3A_1463] : memref<2x128x128xf32, #tpu.memory_space<vmem>>[vector<16xi32>, vector<16xi32>, vector<16xi32>], vector<16xf32>,
      %mul3A_1465 = arith.mulf %gather3A_1457, %gather3A_1464 : vector<16xf32>
      %xor3A_1466 = arith.constant 1 : i32
      %xor3A_1467 = vector.broadcast %xor3A_1466 : i32 to vector<16xi32>
      %xor3A_1468 = arith.xori %iota3A, %xor3A_1467 : vector<16xi32>
      %broadcast_in_dim3A_1469 = vector.shape_cast %xor3A_1468 : vector<16xi32> to vector<16x1xi32>
      %gather3A_1470 = vector.shape_cast %broadcast_in_dim3A_1469 : vector<16x1xi32> to vector<16xi32>
      %gather3A_1471 = tpu.dynamic_gather %mul3A_1465[%gather3A_1470] in [0] : vector<16xf32>, vector<16xi32> -> vector<16xf32>
      %add3A_1472 = arith.addf %mul3A_1465, %gather3A_1471 : vector<16xf32>
      %xor3A_1473 = arith.constant 2 : i32
      %xor3A_1474 = vector.broadcast %xor3A_1473 : i32 to vector<16xi32>
      %xor3A_1475 = arith.xori %iota3A, %xor3A_1474 : vector<16xi32>
      %broadcast_in_dim3A_1476 = vector.shape_cast %xor3A_1475 : vector<16xi32> to vector<16x1xi32>
      %gather3A_1477 = vector.shape_cast %broadcast_in_dim3A_1476 : vector<16x1xi32> to vector<16xi32>
      %gather3A_1478 = tpu.dynamic_gather %add3A_1472[%gather3A_1477] in [0] : vector<16xf32>, vector<16xi32> -> vector<16xf32>
      %add3A_1479 = arith.addf %add3A_1472, %gather3A_1478 : vector<16xf32>
      %xor3A_1480 = arith.constant 4 : i32
      %xor3A_1481 = vector.broadcast %xor3A_1480 : i32 to vector<16xi32>
      %xor3A_1482 = arith.xori %iota3A, %xor3A_1481 : vector<16xi32>
      %broadcast_in_dim3A_1483 = vector.shape_cast %xor3A_1482 : vector<16xi32> to vector<16x1xi32>
      %gather3A_1484 = vector.shape_cast %broadcast_in_dim3A_1483 : vector<16x1xi32> to vector<16xi32>
      %gather3A_1485 = tpu.dynamic_gather %add3A_1479[%gather3A_1484] in [0] : vector<16xf32>, vector<16xi32> -> vector<16xf32>
      %add3A_1486 = arith.addf %add3A_1479, %gather3A_1485 : vector<16xf32>
      %xor3A_1487 = arith.constant 8 : i32
      %xor3A_1488 = vector.broadcast %xor3A_1487 : i32 to vector<16xi32>
      %xor3A_1489 = arith.xori %iota3A, %xor3A_1488 : vector<16xi32>
      %broadcast_in_dim3A_1490 = vector.shape_cast %xor3A_1489 : vector<16xi32> to vector<16x1xi32>
      %gather3A_1491 = vector.shape_cast %broadcast_in_dim3A_1490 : vector<16x1xi32> to vector<16xi32>
      %gather3A_1492 = tpu.dynamic_gather %add3A_1486[%gather3A_1491] in [0] : vector<16xf32>, vector<16xi32> -> vector<16xf32>
      %add3A_1493 = arith.addf %add3A_1486, %gather3A_1492 : vector<16xf32>
      %eq3A_1494 = arith.constant 15 : i32
      %eq3A_1495 = vector.broadcast %eq3A_1494 : i32 to vector<16xi32>
      %eq3A_1496 = arith.cmpi eq, %iota3A, %eq3A_1495 : vector<16xi32>
      %select_n3A_1497 = arith.select %eq3A_1496, %add3A_1493, %select_n3A_1450 : vector<16xi1>, vector<16xf32>
      %mul3A_1498 = arith.constant 16 : i32
      %mul3A_1499 = arith.muli %scan3A_326, %mul3A_1498 : i32
      %swap3A = arith.index_cast %mul3A_1499 : i32 to index
      %swap3A_1500 = tpu.vector_load %arg11[%swap3A] {strides = array<i32>} : memref<512xf32, #tpu.memory_space<vmem>>, vector<16xf32>,
      tpu.vector_store %arg11[%swap3A], %select_n3A_1497 {strides = array<i32>} : memref<512xf32, #tpu.memory_space<vmem>>, vector<16xf32>,
    }
    %scan3A_325 = arith.constant 32 : i32
    "tpu.region"() ({
      %run_scoped3A = tpu.sem_alloc : memref<!tpu.dma_semaphore, #tpu.memory_space<semaphore_mem>>
      %dma_start3A_326 = tpu.memref_slice %arg6[%mul3A_2] : memref<16384xf32, #tpu.memory_space<hbm>> -> memref<512xf32, #tpu.memory_space<hbm>>
      %dma_start3A_327 = tpu.memref_slice %arg6[%mul3A_2] : memref<16384xf32, #tpu.memory_space<hbm>> -> memref<512xf32, #tpu.memory_space<hbm>>
      tpu.enqueue_dma source(%arg11 : memref<512xf32, #tpu.memory_space<vmem>>) target(%dma_start3A_327 : memref<512xf32, #tpu.memory_space<hbm>>) target_semaphore(%run_scoped3A : memref<!tpu.dma_semaphore, #tpu.memory_space<semaphore_mem>>)
      %dma_wait3A = tpu.memref_slice %arg6[%mul3A_2] : memref<16384xf32, #tpu.memory_space<hbm>> -> memref<512xf32, #tpu.memory_space<hbm>>
      %dma_wait3A_328 = tpu.memref_slice %arg6[%mul3A_2] : memref<16384xf32, #tpu.memory_space<hbm>> -> memref<512xf32, #tpu.memory_space<hbm>>
      tpu.wait_dma2 semaphore(%run_scoped3A : memref<!tpu.dma_semaphore, #tpu.memory_space<semaphore_mem>>) src(%arg11 : memref<512xf32, #tpu.memory_space<vmem>>) dst(%dma_wait3A_328 : memref<512xf32, #tpu.memory_space<hbm>>)
      tpu.yield
    }) : () -> ()
    return
  }
}

</mosaic_0001>

<sc_bundles>
// kernel: kernel.3.cloned.1.call-start
scs
__scs_entry_jumppad:
0x0: {  	(pc) =	sbr.rel $0x88, $3  }
0x1: {  	(tag) =	ssettag $0x0;
	lr =	simm.s32 $0x1  }
0x2: {  	[smem:$0x3F9E] =	sst lr;
	_ =	strace $0xD0000000  }
0x3: {  	_ = 	snop  }
0x4: {  	_ = 	snop  }
0x5: {  	_ = 	snop  }
0x6: {  	_ = 	snop  }
0x7: {  	_ = 	snop  }
__scs_overlays_trampoline_lowered:
0x8: {  	[smem:$0x3FAD] =	sst s0  }
0x9: {  	[smem:$0x3FAE] =	sst s1  }
0xa: {  	[smem:$0x3FAF] =	sst s2  }
0xb: {  	[smem:$0x3FB0] =	sst s3  }
0xc: {  	[smem:$0x3FB1] =	sst s4  }
0xd: {  	[smem:$0x3FB2] =	sst s5  }
0xe: {  	[smem:$0x3FB3] =	sst s6  }
0xf: {  	[smem:$0x3FB4] =	sst s7  }
0x10: {  	[smem:$0x3FB5] =	sst s8  }
0x11: {  	[smem:$0x3FB6] =	sst s9;
	s0 =	simm.s32 @!p0 $0x0  }
0x12: {  	s1 =	sld [smem:$0x3F9C];
	s0 =	simm.s32 @p0 $0x1  }
0x13: {  	[smem:$0x3FB7] =	sst s0;
	s0 =	simm.s32 @!p1 $0x0  }
0x14: {  	s2 =	sld [smem:$0x3F9B];
	s0 =	simm.s32 @p1 $0x1  }
0x15: {  	[smem:$0x3FB8] =	sst s0;
	s0 =	simm.s32 @!p2 $0x0  }
0x16: {  	s3 =	sld [smem:$0x3FDB];
	s0 =	simm.s32 @p2 $0x1  }
0x17: {  	s4 =	simm.s32 $0x1BF5;
	[smem:$0x3FBA] =	sst s0  }
0x18: {  	s0 =	sld [smem:$0x3F9D];
	_ =	swait.ge [sflag:s4], $0x0  }
0x19: {  	s7 =	sld [smem:$0x3F9E]  }
0x1a: {  	s8 =	sadd.s32 $0xFFFFE003, lr  }
0x1b: {  	s9 =	sadd.s32 $0xFFFFFEF7, lr;
	s5 =	simm.s32 $0xFFFFFFFF;
	p2 =	slt.u32 s8, $0xFFFFF086  }
0x1c: {  	p1 =	slt.u32 s9, $0xF7A;
	s5 =	simm.s32 @!p2 $0x0  }
0x1d: {  	s5 =	simm.s32 @p1 $0x1;
	p0 =	seq.s32 s7, s2  }
0x1e: {  	s7 =	smul.u32 @!p0 $0xF7A, s2;
	p2 =	seq.s32 @!p0 s5, $0x0  }
0x1f: {  	s9 =	smul.u32 $0xF7A, s1;
	s8 =	simm.s32 @!p0 $0x1BF5;
	p2 =	por !p2, p0  }
0x20: {  	[sflag:s8] =	ssyncset.s32 @!p0 $0xFFFFF086;
	s6 =	sadd.s32 @!p0 s3, s7;
	s7 =	simm.s32 @!p0 $0x108  }
0x21: {  	s3 =	sadd.s32 s3, s9;
	s6 =	sadd.s32 @!p0 $0x88, s6;
	s7 =	simm.s32 @p2 $0x1082  }
0x22: {  	[simem:s7], [sflag:s8] =	dma.local @!p0 [hbm:s6], $0xF7A  }
0x23: {  	s9 =	sor.u32 $0xD0000000, s2;
	s6 =	simm.s32 $0x108;
	_ =	swait.ge @!p0 [sflag:s8], $0x0  }
0x24: {  	s3 =	sadd.s32 $0x88, s3;
	s6 =	simm.s32 @!p1 $0x1082;
	[sflag:s4] =	ssyncset.s32 $0xFFFFF086  }
0x25: {  	[simem:s6], [sflag:s4] =	dma.local [hbm:s3], $0xF7A  }
0x26: {  	[smem:$0x3F9E] =	sst s1;
	(tag) =	ssettag s2;
	_ =	strace s9  }
0x27: {  	s1 =	sld [smem:$0x3FAE]  }
0x28: {  	s2 =	sld [smem:$0x3FAF]  }
0x29: {  	s4 =	sld [smem:$0x3FB1]  }
0x2a: {  	p0 =	seq.s32 s5, $0x0;
	s5 =	sld [smem:$0x3FB2]  }
0x2b: {  	s6 =	sld [smem:$0x3FB3]  }
0x2c: {  	s7 =	sld [smem:$0x3FB4]  }
0x2d: {  	s3 =	simm.s32 $0x108;
	s8 =	sld [smem:$0x3FB5]  }
0x2e: {  	s3 =	simm.s32 @!p0 $0x1082;
	s9 =	sld [smem:$0x3FB6]  }
0x2f: {  	lr =	sadd.s32 s0, s3;
	s0 =	sld [smem:$0x3FAD]  }
0x30: {  	s3 =	sld [smem:$0x3FB0]  }
0x31: {  	[smem:$0x3FB9] =	sst s10  }
0x32: {  	s10 =	sld [smem:$0x3FB7];
	_ =	sdelay $0x3  }
0x33: {  	p0 =	seq.s32 s10, $0x1;
	s10 =	sld [smem:$0x3FB9];
	_ =	sdelay $0x3  }
0x34: {  	[smem:$0x3FB9] =	sst s10  }
0x35: {  	s10 =	sld [smem:$0x3FB8];
	_ =	sdelay $0x3  }
0x36: {  	p1 =	seq.s32 s10, $0x1;
	s10 =	sld [smem:$0x3FB9];
	_ =	sdelay $0x3  }
0x37: {  	[smem:$0x3FB9] =	sst s10  }
0x38: {  	s10 =	sld [smem:$0x3FBA]  }
0x39: {  	_ = 	snop;
	(pc) =	sbr.ind lr, $3  }
0x3a: {  	_ = 	snop  }
0x3b: {  	_ = 	snop  }
0x3c: {  	p2 =	seq.s32 s10, $0x1;
	s10 =	sld [smem:$0x3FB9]  }
0x3d: {  	_ =	shalt  }
0x3e: {  	_ =	shalt  }
0x3f: {  	_ =	shalt  }
0x40: {  	_ =	shalt  }
0x41: {  	_ =	shalt  }
0x42: {  	_ =	shalt  }
0x43: {  	_ =	shalt  }
0x44: {  	_ =	shalt  }
0x45: {  	_ =	shalt  }
0x46: {  	_ =	shalt  }
0x47: {  	_ =	shalt  }
0x48: {  	_ =	shalt  }
0x49: {  	_ =	shalt  }
0x4a: {  	_ =	shalt  }
0x4b: {  	_ =	shalt  }
0x4c: {  	_ =	shalt  }
0x4d: {  	_ =	shalt  }
0x4e: {  	_ =	shalt  }
0x4f: {  	_ =	shalt  }
0x50: {  	_ =	shalt  }
0x51: {  	_ =	shalt  }
0x52: {  	_ =	shalt  }
0x53: {  	_ =	shalt  }
0x54: {  	_ =	shalt  }
0x55: {  	_ =	shalt  }
0x56: {  	_ =	shalt  }
0x57: {  	_ =	shalt  }
0x58: {  	_ =	shalt  }
0x59: {  	_ =	shalt  }
0x5a: {  	_ =	shalt  }
0x5b: {  	_ =	shalt  }
0x5c: {  	_ =	shalt  }
0x5d: {  	_ =	shalt  }
0x5e: {  	_ =	shalt  }
0x5f: {  	_ =	shalt  }
0x60: {  	_ =	shalt  }
0x61: {  	_ =	shalt  }
0x62: {  	_ =	shalt  }
0x63: {  	_ =	shalt  }
0x64: {  	_ =	shalt  }
0x65: {  	_ =	shalt  }
0x66: {  	_ =	shalt  }
0x67: {  	_ =	shalt  }
0x68: {  	_ =	shalt  }
0x69: {  	_ =	shalt  }
0x6a: {  	_ =	shalt  }
0x6b: {  	_ =	shalt  }
0x6c: {  	_ =	shalt  }
0x6d: {  	_ =	shalt  }
0x6e: {  	_ =	shalt  }
0x6f: {  	_ =	shalt  }
0x70: {  	_ =	shalt  }
0x71: {  	_ =	shalt  }
0x72: {  	_ =	shalt  }
0x73: {  	_ =	shalt  }
0x74: {  	_ =	shalt  }
0x75: {  	_ =	shalt  }
0x76: {  	_ =	shalt  }
0x77: {  	_ =	shalt  }
0x78: {  	_ =	shalt  }
0x79: {  	_ =	shalt  }
0x7a: {  	_ =	shalt  }
0x7b: {  	_ =	shalt  }
0x7c: {  	_ =	shalt  }
0x7d: {  	_ =	shalt  }
0x7e: {  	_ =	shalt  }
0x7f: {  	_ =	shalt  }
0x80: {  	_ =	shalt  }
0x81: {  	_ =	shalt  }
0x82: {  	_ =	shalt  }
0x83: {  	_ =	shalt  }
0x84: {  	_ =	shalt  }
0x85: {  	_ =	shalt  }
0x86: {  	_ =	shalt  }
0x87: {  	_ =	shalt  }
.Lfunc_end0:
.L_simem_size_0:
called_computation_lowered:
.L_overlay_start_0:
0x88: {  	s2 =	sld [smem:$0x3FD9]  }
0x89: {  	s3 =	sld [smem:$0x3FFE];
	_ =	sdelay $0x1  }
0x8a: {  	s1 =	srdreg.scid  }
0x8b: {  	s0 =	sand.u32 $0x1, s1  }
0x8c: {  	s17 =	sshll.u32 s0, $0xA;
	s2 =	sadd.s32 s3, s2  }
0x8d: {  	s2 =	sadd.s32 s2, s17  }
0x8e: {  	[smem:$0x3FC5] =	sst s2  }
0x8f: {  	_ = 	snop  }
0x90: {  	s2 =	sld [smem:$0x3FC8]  }
0x91: {  	s18 =	sld [smem:$0x3FC7]  }
0x92: {  	s4 =	sld [smem:$0x3FD0];
	(tm) =	ssettm $0x1  }
0x93: {  	s5 =	sld [smem:$0x3FFB];
	_ =	sdelay $0x3  }
0x94: {  	_ =	strace s5  }
0x95: {  	s5 =	sld [smem:$0x3FFC];
	_ =	sdelay $0x3  }
0x96: {  	_ =	strace s5  }
0x97: {  	s5 =	sld [smem:$0x3FFD];
	_ =	sdelay $0x3  }
0x98: {  	_ =	strace s5  }
0x99: {  	_ =	strace $0x8FFFFFFF  }
0x9a: {  	s19 =	sld [smem:$0x3FDB];
	_ =	sdelay $0x1  }
0x9b: {  	s6 =	simm.s32 $_scs_section_size  }
0x9c: {  	s7 =	simm.s32 $_size__tile_overlayer_lowered;
	s8 =	simm.s32 $_tile_overlayer_lowered  }
0x9d: {  	s22 =	simm.s32 $0x1BFF;
	s21 =	sshll.u32 s8, $0x1;
	s5 =	sadd.s32 s6, s19  }
0x9e: {  	s9 =	simm.s32 $0x0;
	s20 =	sshll.u32 s7, $0x1;
	s7 =	sadd.s32 s21, s5  }
0x9f: {  	[timem:s9], [sflag:s22] =	dma.local [hbm:s7], s20  }
0xa0: {  	_ =	swait.ge [sflag:s22], s20  }
0xa1: {  	s6 =	ssub.s32 $0x0, s20;
	[sflag:s22] =	ssyncset.done $0x0  }
0xa2: {  	[sflag:s22] =	ssyncadd.s32 s6;
	_ =	sdelay $0x1  }
0xa3: {  	s23 =	simm.s32 $0x1B8B  }
0xa4: {  	_ =	swait.ge [sflag:s23], $0x1  }
0xa5: {  	[sflag:s23] =	ssyncset.done $0x0  }
0xa6: {  	s25 =	simm.s32 $0x1B8E;
	s24 =	sld [smem:$0x3FFE];
	[sflag:s23] =	ssyncadd.s32 $0xFFFFFFFF  }
0xa7: {  	s26 =	simm.s32 $execute0_lowered;
	[smem:$0x3FD2] =	sst s25  }
0xa8: {  	s7 =	sshll.u32 s26, $0x1;
	_ =	strace $0x80000046;
	[dreg:$0x1] =	wrdreg $0xFFFFFFFF  }
0xa9: {  	s28 =	simm.s32 $_size_execute0_lowered;
	s5 =	sadd.s32 s5, s7;
	[dreg:$0x0] =	wrdreg $0x0  }
0xaa: {  	s7 =	sshll.u32 s28, $0x1;
	[dreg:$0x2] =	wrdreg s5  }
0xab: {  	[dreg:$0x3] =	wrdreg s7  }
0xac: {  	[dreg:$0x4] =	wrdreg $0xC0  }
0xad: {  	_ =	task [dreg:s9], $0x5FFFF  }
0xae: {  	[dreg:$0x1] =	wrdreg $0xFFFFFFFF  }
0xaf: {  	[dreg:$0x0] =	wrdreg $0x60  }
0xb0: {  	[dreg:$0x2] =	wrdreg s24  }
0xb1: {  	[dreg:$0x3] =	wrdreg s2  }
0xb2: {  	[dreg:$0x4] =	wrdreg s18  }
0xb3: {  	[dreg:$0x5] =	wrdreg s4  }
0xb4: {  	[dreg:$0x6] =	wrdreg $0x9  }
0xb5: {  	_ =	task.clear_ibuf [dreg:s9], $0x7FFFF;
	_ =	strace $0x90000046  }
0xb6: {  	s29 =	simm.s32 $0x9;
	_ =	strace $0x80000048  }
0xb7: {  	_ =	swait.ge [sflag:s29], $0x1  }
0xb8: {  	[sflag:s29] =	ssyncadd.s32 $0xFFFFFFFF  }
0xb9: {  	_ =	strace $0x90000048  }
0xba: {  	_ =	sfence  }
0xbb: {  	s30 =	sld [smem:$0x0];
	_ =	sdelay $0x2  }
0xbc: {  	s31 =	sshll.u32 s1, $0xD;
	s1 =	sshrl.u32 s1, $0x2  }
0xbd: {  	s3 =	sand.u32 $0x4000, s31;
	s1 =	sadd.s32 s1, s30  }
0xbe: {  	s0 =	sor.u32 s3, s0;
	s1 =	sshll.u32 s1, $0x11  }
0xbf: {  	s0 =	sor.u32 s1, s0  }
0xc0: {  	s0 =	sadd.s32 $0x8F2B, s0  }
0xc1: {  	[sflag:s0] =	ssyncadd.remote.s32 $0x1  }
0xc2: {  	_ =	sfence.sel $0xFFFF  }
0xc3: {  	[dreg:$0x0] =	wrdreg $0xFFFFFFFF;
	(pc) =	sbr.abs _section_cstart, $3  }
0xc4: {  	[dreg:$0x1] =	wrdreg $0xFFFFFFFF  }
0xc5: {  	_ =	task.clear_ibuf [dreg:s9], $0x2FFFF;
	_ =	strace $0x9FFFFFFF  }
0xc6: {  	(tm) =	ssettm $0x7FFFFFFF  }
0xc7: {  	_ =	shalt  }
tec
execute0_lowered:
.L_overlay_start_1:
0x0: {  	(tag) =	ssettag $0x1  }
0x1: {  	v0 =	vimm.s32 $0xEFCDAB89  }
0x2: {  	v1 =	vimm.s32 $0x67452301;
	v2 =	vimm.s32 $0xDCFE98BA;
	v3 =	vimm.s32 $0x54761032  }
0x3: {  	v4 =	vimm.s32 $0xBA98FEDC;
	v5 =	vimm.s32 $0x32107654;
	v6 =	vimm.s32 $0xFEDCBA98  }
0x4: {  	s1 =	rddreg [dreg:$0x0];
	v7 =	vimm.s32 $0x76543210;
	v8 =	vlaneseq.u32;
	vm0 =	vmmov $0x1  }
0x5: {  	s0 =	rddreg [dreg:$0x1];
	vm1 =	vmmov $0x3;
	vm2 =	vmmov $0x7;
	vm3 =	vmmov $0xf  }
0x6: {  	s2 =	rddreg [dreg:$0x2];
	s3 =	srdreg.scid;
	vm4 =	vmmov $0x1f;
	vm5 =	vmmov $0x3f;
	vm6 =	vmmov $0x7f  }
0x7: {  	s4 =	rddreg [dreg:$0x3];
	s5 =	stileid.u32;
	s20 =	simm.s32 $0x0;
	vm7 =	vmmov $0xff;
	vm8 =	vmmov $0x1ff;
	vm9 =	vmmov $0x3ff  }
0x8: {  	s22 =	simm.s32 $0x3;
	s11 =	simm.s32 $0x7A1400;
	s12 =	simm.s32 $0x400;
	vm10 =	vmmov $0x7ff;
	vm11 =	vmmov $0xfff;
	vm12 =	vmmov $0x1fff  }
0x9: {  	s13 =	simm.s32 $0x8400;
	s28 =	simm.s32 $0xBC00;
	s29 =	simm.s32 $0x4400;
	vm13 =	vmmov $0x3fff;
	v0 =	vunpack.c.l.s4.s8 v0;
	v1 =	vunpack.c.l.s4.s8 v1  }
0xa: {  	s30 =	simm.s32 $0xC400;
	s31 =	simm.s32 $0x4C00;
	s10 =	simm.s32 $0xD400;
	v2 =	vunpack.c.l.s4.s8 v2;
	v3 =	vunpack.c.l.s4.s8 v3;
	v4 =	vunpack.c.l.s4.s8 v4  }
0xb: {  	s7 =	simm.s32 $0x6400;
	s8 =	simm.s32 $0xE400;
	s9 =	simm.s32 $0xEC00;
	v5 =	vunpack.c.l.s4.s8 v5;
	v6 =	vunpack.c.l.s4.s8 v6;
	v7 =	vunpack.c.l.s4.s8 v7  }
0xc: {  	s14 =	simm.s32 $0x7400;
	s15 =	simm.s32 $0xF400;
	s16 =	simm.s32 $0x7C00;
	v0 =	vunpack.c.0.s8.s32 v0;
	v1 =	vunpack.c.0.s8.s32 v1;
	v2 =	vunpack.c.0.s8.s32 v2  }
0xd: {  	s17 =	simm.s32 $0xFC00;
	s18 =	simm.s32 $0x1;
	s19 =	simm.s32 $0x2;
	v3 =	vunpack.c.0.s8.s32 v3;
	v4 =	vunpack.c.0.s8.s32 v4;
	v5 =	vunpack.c.0.s8.s32 v5  }
0xe: {  	vm14 =	vmmov $0x7fff;
	s3 =	sand.u32 $0x1, s3;
	s5 =	sshll.u32 s5, $0x7;
	[smem:$0x7FF] =	sst s20;
	v6 =	vunpack.c.0.s8.s32 v6;
	v1 =	vcombine.low v1, v0  }
0xf: {  	s6 =	sshll.u32 s3, $0x6;
	s3 =	ssub.s32 $0x2, s3;
	_ =	strace $0x80000047;
	v2 =	vcombine.low v3, v2;
	v3 =	vcombine.low v5, v4;
	v4 =	vunpack.c.0.s8.s32 v7  }
0x10: {  	s5 =	sor.u32 s6, s5;
	s23 =	sshrl.u32 s3, $0x1;
	s6 =	simm.s32 $0xDC00;
	v0 =	vmul.u32 $0x80, v8;
	v5 =	vand.u32 $0xF, v6;
	v1 =	vand.u32 $0xF, v1  }
0x11: {  	s1 =	sadd.s32 s5, s1;
	s3 =	ssub.s32 s3, s23;
	s25 =	sadd.s32 s4, s5;
	v2 =	vand.u32 $0xF, v2;
	v3 =	vand.u32 $0xF, v3;
	v4 =	vcombine.low v5, v4  }
.Ltmp0:
0x12: {  	s5 =	simm.s32 $0x5C00;
	s4 =	simm.s32 $0x6C00;
	v5 =	vor.u32 $0x800, v0;
	v6 =	vor.u32 $0x1000, v0;
	v7 =	vor.u32 $0x1800, v0;
	(pc) =	sbr.rel .LBB2_1-.Ltmp0, $4  }
0x13: {  	s23 =	simm.s32 $0x0;
	s24 =	sadd.s32 $0xE00, s1;
	[dreg:$0x7] =	wrdreg s25;
	v8 =	vor.u32 $0x2000, v0;
	v9 =	vor.u32 $0x2800, v0;
	v10 =	vor.u32 $0x3000, v0  }
0x14: {  	s1 =	sadd.s32 $0x600, s1;
	s26 =	smax.u32 s3, $0x1;
	[dreg:$0x5] =	wrdreg s24;
	v11 =	vor.u32 $0x3800, v0;
	v12 =	vor.u32 $0x4000, v0;
	v13 =	vor.u32 $0x4800, v0  }
0x15: {  	s25 =	simm.s32 $0xB400;
	s3 =	simm.s32 $0xCC00;
	[dreg:$0x6] =	wrdreg s1;
	v14 =	vor.u32 $0x5000, v0;
	v15 =	vor.u32 $0x5800, v0;
	v16 =	vor.u32 $0x6000, v0  }
0x16: {  	[dreg:$0x8] =	wrdreg s26;
	s26 =	simm.s32 $0x3C00;
	s1 =	simm.s32 $0x5400;
	v17 =	vor.u32 $0x6800, v0;
	v18 =	vor.u32 $0x7000, v0;
	v19 =	vor.u32 $0x7800, v0  }
.LBB2_5:
0x17: {  	s20 =	simm.s32 $0x0;
	s21 =	rddreg [dreg:$0x7];
	s22 =	simm.s32 $0x10400  }
0x18: {  	[hbm4b:s21+s20] =	stream.linear.scatter [tilespmem:s22], [sflag:$0x3], $0x200, $0x38;
	[tilespmem:$0x10600] =	vst v63  }
0x19: {  	s22 =	simm.s32 $0x3  }
0x1a: {  	_ =	swait.ge [sflag:s22], $0x200  }
0x1b: {  	s23 =	rddreg [dreg:$0x9]  }
0x1c: {  	s24 =	rddreg [dreg:$0x8];
	s23 =	sadd.s32 $0x1, s23  }
0x1d: {  	p0 =	sne.s32 s23, s24  }
.Ltmp1:
0x1e: {  	_ = 	snop;
	(pc) =	sbr.rel @!p0 .LBB2_6-.Ltmp1, $3  }
0x1f: {  	_ =	sdelay $0x1  }
0x20: {  	[sflag:s22] =	ssyncset.done $0x0  }
0x21: {  	[sflag:s22] =	ssyncadd.s32 $0xFFFFFE00  }
.LBB2_1:
0x22: {  	[dreg:$0x9] =	wrdreg s23  }
0x23: {  	s21 =	rddreg [dreg:$0x5]  }
0x24: {  	[tilespmem:s20], [sflag:$0x3] =	stream.linear.gather [hbm4b:s21+s20], $0x200, $0x38;
	[tilespmem:$0x10600] =	vst v63  }
0x25: {  	_ =	swait.ge [sflag:s22], $0x200  }
0x26: {  	[sflag:s22] =	ssyncset.done $0x0  }
0x27: {  	s24 =	simm.s32 $0x200;
	s23 =	rddreg [dreg:$0x6];
	[sflag:s22] =	ssyncadd.s32 $0xFFFFFE00  }
0x28: {  	[tilespmem:s24], [sflag:$0x3] =	stream.linear.gather [hbm4b:s23+s20], $0x200, $0x38;
	[tilespmem:$0x10600] =	vst v63  }
0x29: {  	_ =	swait.ge [sflag:s22], $0x200  }
0x2a: {  	[sflag:s22] =	ssyncset.done $0x0  }
0x2b: {  	[sflag:s22] =	ssyncadd.s32 $0xFFFFFE00  }
0x2c: {  	v20 =	vld [tilespmem:$0x0];
	_ =	sdelay $0x1  }
0x2d: {  	v21 =	vld [tilespmem:$0x200];
	_ =	sdelay $0x2  }
0x2e: {  	(v2sf) =	vpush v20, $0x0;
	_ =	sdelay $0x1  }
0x2f: {  	(v2sf) =	vpush v21, $0x0;
	_ =	sdelay $0x2  }
0x30: {  	(v2sf) =	vpush v20, $0x1;
	_ =	sdelay $0x3  }
0x31: {  	(v2sf) =	vpush v21, $0x1;
	_ =	sdelay $0x5  }
0x32: {  	s22 =	spop (v2sf);
	(v2sf) =	vpush v20, $0x2;
	_ =	sdelay $0x1  }
0x33: {  	s24 =	spop (v2sf);
	(v2sf) =	vpush v21, $0x2;
	_ =	sdelay $0x2  }
0x34: {  	s20 =	sand.u32 $0xFFFFF80, s22;
	s21 =	spop (v2sf);
	(v2sf) =	vpush v20, $0x3  }
0x35: {  	s20 =	sadd.s32 s0, s20  }
0x36: {  	[tilespmem:s12], [sflag:$0x1] =	stream.strided.gather [hbm4b:s20+s12], $0x800, s11, s12, $0x38;
	[tilespmem:$0x10600] =	vst v63  }
0x37: {  	s20 =	sand.u32 $0xFFFFF80, s24  }
0x38: {  	s22 =	spop (v2sf);
	s20 =	sadd.s32 s2, s20  }
0x39: {  	(v2sf) =	vpush v21, $0x3;
	[tilespmem:s13], [sflag:$0x2] =	stream.strided.gather [hbm4b:s20+s12], $0x800, s11, s12, $0x38;
	[tilespmem:$0x10600] =	vst v63  }
0x3a: {  	s20 =	sand.u32 $0xFFFFF80, s21  }
0x3b: {  	s23 =	simm.s32 $0xC00;
	s20 =	sadd.s32 s0, s20  }
0x3c: {  	[tilespmem:s23], [sflag:$0x1] =	stream.strided.gather [hbm4b:s20+s12], $0x800, s11, s12, $0x38;
	[tilespmem:$0x10600] =	vst v63  }
0x3d: {  	s20 =	sand.u32 $0xFFFFF80, s22  }
0x3e: {  	s24 =	simm.s32 $0x8C00;
	s20 =	sadd.s32 s2, s20;
	s22 =	spop (v2sf);
	(v2sf) =	vpush v20, $0x4  }
0x3f: {  	[tilespmem:s24], [sflag:$0x2] =	stream.strided.gather [hbm4b:s20+s12], $0x800, s11, s12, $0x38;
	[tilespmem:$0x10600] =	vst v63  }
0x40: {  	s20 =	sand.u32 $0xFFFFF80, s22;
	s22 =	spop (v2sf);
	(v2sf) =	vpush v21, $0x4  }
0x41: {  	s24 =	simm.s32 $0x1400;
	s20 =	sadd.s32 s0, s20  }
0x42: {  	[tilespmem:s24], [sflag:$0x1] =	stream.strided.gather [hbm4b:s20+s12], $0x800, s11, s12, $0x38;
	[tilespmem:$0x10600] =	vst v63  }
0x43: {  	s20 =	sand.u32 $0xFFFFF80, s22;
	s22 =	spop (v2sf);
	(v2sf) =	vpush v20, $0x5;
	_ =	sdelay $0x2  }
0x44: {  	s24 =	simm.s32 $0x9400;
	s20 =	sadd.s32 s2, s20  }
0x45: {  	[tilespmem:s24], [sflag:$0x2] =	stream.strided.gather [hbm4b:s20+s12], $0x800, s11, s12, $0x38;
	[tilespmem:$0x10600] =	vst v63  }
0x46: {  	s20 =	sand.u32 $0xFFFFF80, s22;
	s22 =	spop (v2sf);
	(v2sf) =	vpush v21, $0x5;
	_ =	sdelay $0x1  }
0x47: {  	s24 =	simm.s32 $0x1C00;
	s20 =	sadd.s32 s0, s20  }
0x48: {  	[tilespmem:s24], [sflag:$0x1] =	stream.strided.gather [hbm4b:s20+s12], $0x800, s11, s12, $0x38;
	[tilespmem:$0x10600] =	vst v63  }
0x49: {  	s20 =	sand.u32 $0xFFFFF80, s22  }
0x4a: {  	s24 =	simm.s32 $0x9C00;
	s20 =	sadd.s32 s2, s20;
	s22 =	spop (v2sf);
	(v2sf) =	vpush v20, $0x6  }
0x4b: {  	[tilespmem:s24], [sflag:$0x2] =	stream.strided.gather [hbm4b:s20+s12], $0x800, s11, s12, $0x38;
	[tilespmem:$0x10600] =	vst v63  }
0x4c: {  	s20 =	sand.u32 $0xFFFFF80, s22;
	s22 =	spop (v2sf);
	(v2sf) =	vpush v21, $0x6  }
0x4d: {  	s24 =	simm.s32 $0x2400;
	s20 =	sadd.s32 s0, s20  }
0x4e: {  	[tilespmem:s24], [sflag:$0x1] =	stream.strided.gather [hbm4b:s20+s12], $0x800, s11, s12, $0x38;
	[tilespmem:$0x10600] =	vst v63  }
0x4f: {  	s20 =	sand.u32 $0xFFFFF80, s22;
	s22 =	spop (v2sf);
	(v2sf) =	vpush v20, $0x7;
	_ =	sdelay $0x1  }
0x50: {  	s24 =	simm.s32 $0xA400;
	s20 =	sadd.s32 s2, s20  }
0x51: {  	[tilespmem:s24], [sflag:$0x2] =	stream.strided.gather [hbm4b:s20+s12], $0x800, s11, s12, $0x38;
	[tilespmem:$0x10600] =	vst v63  }
0x52: {  	s20 =	sand.u32 $0xFFFFF80, s22  }
0x53: {  	s24 =	simm.s32 $0x2C00;
	s22 =	spop (v2sf);
	(v2sf) =	vpush v21, $0x7;
	s20 =	sadd.s32 s0, s20  }
0x54: {  	[tilespmem:s24], [sflag:$0x1] =	stream.strided.gather [hbm4b:s20+s12], $0x800, s11, s12, $0x38;
	[tilespmem:$0x10600] =	vst v63  }
0x55: {  	s20 =	sand.u32 $0xFFFFF80, s22  }
0x56: {  	s24 =	simm.s32 $0xAC00;
	s20 =	sadd.s32 s2, s20  }
0x57: {  	[tilespmem:s24], [sflag:$0x2] =	stream.strided.gather [hbm4b:s20+s12], $0x800, s11, s12, $0x38;
	[tilespmem:$0x10600] =	vst v63  }
0x58: {  	s22 =	spop (v2sf)  }
0x59: {  	s20 =	sand.u32 $0xFFFFF80, s22  }
0x5a: {  	s24 =	simm.s32 $0x3400;
	s21 =	spop (v2sf);
	s20 =	sadd.s32 s0, s20  }
0x5b: {  	[tilespmem:s24], [sflag:$0x1] =	stream.strided.gather [hbm4b:s20+s12], $0x800, s11, s12, $0x38;
	[tilespmem:$0x10600] =	vst v63  }
0x5c: {  	s20 =	sand.u32 $0xFFFFF80, s21  }
0x5d: {  	s22 =	spop (v2sf);
	s20 =	sadd.s32 s2, s20  }
0x5e: {  	[tilespmem:s25], [sflag:$0x2] =	stream.strided.gather [hbm4b:s20+s12], $0x800, s11, s12, $0x38;
	[tilespmem:$0x10600] =	vst v63  }
0x5f: {  	s20 =	sand.u32 $0xFFFFF80, s22  }
0x60: {  	s20 =	sadd.s32 s0, s20  }
0x61: {  	[tilespmem:s26], [sflag:$0x1] =	stream.strided.gather [hbm4b:s20+s12], $0x800, s11, s12, $0x38;
	[tilespmem:$0x10600] =	vst v63  }
.Ltmp2:
0x62: {  	s24 =	spop (v2sf);
	(pc) =	sbr.rel .LBB2_2-.Ltmp2, $4  }
0x63: {  	s20 =	sand.u32 $0xFFFFF80, s24  }
0x64: {  	s20 =	sadd.s32 s2, s20  }
0x65: {  	[tilespmem:s28], [sflag:$0x2] =	stream.strided.gather [hbm4b:s20+s12], $0x800, s11, s12, $0x38;
	[tilespmem:$0x10600] =	vst v63  }
0x66: {  	s20 =	simm.s32 $0x0  }
.LBB2_4:
0x67: {  	v30 =	vmul.f32 v31, v30  }
0x68: {  	v32 =	vmul.f32 v34, v32;
	v47 =	vmul.f32 v35, v33  }
0x69: {  	v27 =	vmul.f32 v29, v27;
	v26 =	vmul.f32 v28, v26  }
0x6a: {  	v24 =	vmul.f32 v25, v24;
	v22 =	vmul.f32 v23, v22  }
0x6b: {  	v20 =	vmul.f32 v21, v20;
	v31 =	vperm.xlane v30, v1  }
0x6c: {  	v45 =	vperm.xlane v32, v1;
	v49 =	vperm.xlane v47, v1  }
0x6d: {  	_ =	swait.ge [sflag:s18], $0x4000;
	v53 =	vperm.xlane v27, v1;
	v56 =	vperm.xlane v26, v1  }
0x6e: {  	[sflag:s18] =	ssyncset.done $0x0;
	v58 =	vperm.xlane v24, v1;
	v30 =	vadd.f32 v31, v30;
	v31 =	vadd.f32 v45, v32  }
0x6f: {  	[sflag:s18] =	ssyncadd.s32 $0xFFFFC000;
	v43 =	vperm.xlane v22, v1;
	v32 =	vadd.f32 v49, v47;
	v27 =	vadd.f32 v53, v27  }
0x70: {  	_ =	swait.ge [sflag:s19], $0x4000;
	v26 =	vadd.f32 v56, v26;
	v46 =	vperm.xlane v30, v2;
	v48 =	vperm.xlane v31, v2  }
0x71: {  	[sflag:s19] =	ssyncset.done $0x0;
	v24 =	vadd.f32 v58, v24;
	v34 =	vperm.xlane v32, v2;
	v57 =	vperm.xlane v27, v2  }
0x72: {  	[sflag:s19] =	ssyncadd.s32 $0xFFFFC000;
	v60 =	vperm.xlane v26, v2;
	v30 =	vadd.f32 v46, v30;
	v31 =	vadd.f32 v48, v31  }
0x73: {  	v54 =	vld [tilespmem:s21+$0x200];
	v37 =	vperm.xlane v24, v2;
	v32 =	vadd.f32 v34, v32;
	v25 =	vadd.f32 v57, v27  }
0x74: {  	v26 =	vadd.f32 v60, v26;
	v48 =	vperm.xlane v20, v1;
	v50 =	vperm.xlane v30, v3  }
0x75: {  	v24 =	vadd.f32 v37, v24;
	v33 =	vperm.xlane v31, v3;
	v36 =	vperm.xlane v32, v3  }
0x76: {  	v22 =	vadd.f32 v43, v22;
	v42 =	vperm.xlane v25, v3;
	v45 =	vperm.xlane v26, v3  }
0x77: {  	v52 =	vld [tilespmem:s21+$0x0];
	v47 =	vperm.xlane v24, v3;
	v20 =	vadd.f32 v48, v20;
	v30 =	vadd.f32 v50, v30  }
0x78: {  	v28 =	vand.u32 $0x7F, v54;
	v31 =	vadd.f32 v33, v31;
	v32 =	vadd.f32 v36, v32  }
0x79: {  	v61 =	vbroadcast v28, $0x8;
	v41 =	vbroadcast v28, $0x9;
	v44 =	vadd.f32 v42, v25  }
0x7a: {  	v25 =	vadd.f32 v45, v26;
	v50 =	vperm.xlane v22, v2;
	v51 =	vperm.xlane v30, v4  }
0x7b: {  	v24 =	vadd.f32 v47, v24;
	v53 =	vperm.xlane v20, v2;
	v56 =	vbroadcast v28, $0xA  }
0x7c: {  	v60 =	vbroadcast v28, $0xB;
	v29 =	vadd.f32 v51, v30;
	v30 =	vand.u32 $0x7F, v52  }
0x7d: {  	v48 =	vbroadcast v28, $0xE;
	v40 =	vor.u32 v12, v61;
	v59 =	vbroadcast v30, $0x8  }
0x7e: {  	v55 =	vperm.xlane v31, v4;
	v35 =	vor.u32 v13, v41;
	v63 =	vbroadcast v30, $0x9  }
0x7f: {  	v38 =	vperm.xlane v32, v4;
	v49 =	vperm.xlane v44, v4;
	v62 =	vor.u32 v12, v59  }
0x80: {  	v33 =	vperm.xlane v25, v4;
	v22 =	vadd.f32 v50, v22;
	v34 =	vor.u32 v13, v63  }
0x81: {  	v20 =	vadd.f32 v53, v20;
	v21 =	vadd.f32 v49, v44;
	v44 =	vbroadcast v28, $0xC  }
0x82: {  	v27 =	vor.u32 v14, v56;
	v31 =	vadd.f32 v55, v31;
	v55 =	vbroadcast v30, $0xA;
	v23 =	vld.idx.msk [tilespmem:v40+s13+$0x0], $0xffff  }
0x83: {  	v32 =	vadd.f32 v38, v32;
	v54 =	vperm.xlane v22, v3;
	v36 =	vor.u32 v16, v44;
	v51 =	vld.idx.msk [tilespmem:v35+s13+$0x0], $0xffff  }
0x84: {  	v50 =	vperm.xlane v20, v3;
	v57 =	vor.u32 v14, v55;
	v46 =	vld.idx.msk [tilespmem:v62+s12+$0x0], $0xffff;
	v62 =	vbroadcast v30, $0xC  }
0x85: {  	v25 =	vadd.f32 v33, v25;
	v42 =	vbroadcast v30, $0xE;
	v63 =	vor.u32 v15, v60;
	v34 =	vld.idx.msk [tilespmem:v34+s12+$0x0], $0xffff  }
0x86: {  	v58 =	vbroadcast v30, $0xB;
	v40 =	vbroadcast v28, $0xD;
	v45 =	vor.u32 v16, v62  }
0x87: {  	v29 =	vsel vm0, v29, v31;
	v22 =	vadd.f32 v54, v22;
	v27 =	vld.idx.msk [tilespmem:v27+s13+$0x0], $0xffff;
	v49 =	vor.u32 v18, v42  }
0x88: {  	v20 =	vadd.f32 v50, v20;
	v52 =	vsel vm1, v29, v32;
	v47 =	vor.u32 v17, v40;
	v36 =	vld.idx.msk [tilespmem:v36+s13+$0x0], $0xffff  }
0x89: {  	v28 =	vbroadcast v28, $0xF;
	v40 =	vor.u32 v18, v48;
	v32 =	vld.idx.msk [tilespmem:v57+s12+$0x0], $0xffff;
	v23 =	vmul.f32 v23, v46  }
0x8a: {  	v35 =	vld.idx.msk [tilespmem:v63+s13+$0x0], $0xffff;
	v31 =	vmul.f32 v51, v34;
	v34 =	vor.u32 v15, v58;
	v46 =	vbroadcast v30, $0xD  }
0x8b: {  	v28 =	vor.u32 v19, v28;
	v30 =	vbroadcast v30, $0xF;
	v59 =	vperm.xlane v23, v1;
	v37 =	vld.idx.msk [tilespmem:v45+s12+$0x0], $0xffff  }
0x8c: {  	v29 =	vperm.xlane v24, v4;
	v57 =	vld.idx.msk [tilespmem:v49+s12+$0x0], $0xffff;
	v61 =	vperm.xlane v31, v1;
	v38 =	vor.u32 v17, v46  }
0x8d: {  	v21 =	vsel vm2, v52, v21;
	v54 =	vld.idx.msk [tilespmem:v47+s13+$0x0], $0xffff;
	v30 =	vor.u32 v19, v30;
	v23 =	vadd.f32 v59, v23  }
0x8e: {  	v53 =	vperm.xlane v22, v4;
	v56 =	vperm.xlane v20, v4;
	v31 =	vadd.f32 v61, v31;
	v59 =	vld.idx.msk [tilespmem:v40+s13+$0x0], $0xffff  }
0x8f: {  	v24 =	vadd.f32 v29, v24;
	v21 =	vsel vm3, v21, v25;
	v34 =	vld.idx.msk [tilespmem:v34+s12+$0x0], $0xffff;
	v39 =	vperm.xlane v23, v2  }
0x90: {  	v22 =	vadd.f32 v53, v22;
	v63 =	vld.idx.msk [tilespmem:v28+s13+$0x0], $0xffff;
	v41 =	vperm.xlane v31, v2;
	v36 =	vmul.f32 v36, v37  }
0x91: {  	v20 =	vadd.f32 v56, v20;
	v21 =	vsel vm4, v21, v24;
	v38 =	vld.idx.msk [tilespmem:v38+s12+$0x0], $0xffff;
	v23 =	vadd.f32 v39, v23  }
0x92: {  	v62 =	vmul.f32 v27, v32;
	v30 =	vld.idx.msk [tilespmem:v30+s12+$0x0], $0xffff;
	v31 =	vadd.f32 v41, v31;
	v40 =	vperm.xlane v36, v1  }
0x93: {  	v21 =	vsel vm5, v21, v22;
	v26 =	vmul.f32 v59, v57;
	v51 =	vperm.xlane v23, v3  }
0x94: {  	v20 =	vsel vm6, v21, v20;
	v52 =	vperm.xlane v31, v3;
	v34 =	vmul.f32 v35, v34  }
0x95: {  	v35 =	vperm.xlane v62, v1;
	v43 =	vperm.xlane v26, v1;
	v23 =	vadd.f32 v51, v23  }
0x96: {  	v55 =	vadd.f32 v52, v31;
	v37 =	vperm.xlane v34, v1;
	v38 =	vmul.f32 v54, v38  }
0x97: {  	v22 =	vadd.f32 v35, v62;
	v25 =	vmul.f32 v63, v30;
	v58 =	vperm.xlane v23, v4  }
0x98: {  	v26 =	vadd.f32 v43, v26;
	v60 =	vperm.xlane v55, v4;
	v41 =	vperm.xlane v38, v1  }
0x99: {  	v21 =	vadd.f32 v37, v34;
	v42 =	vperm.xlane v22, v2;
	v45 =	vperm.xlane v25, v1  }
0x9a: {  	v49 =	vperm.xlane v26, v2;
	v61 =	vadd.f32 v58, v23;
	v23 =	vadd.f32 v40, v36  }
0x9b: {  	v32 =	vadd.f32 v60, v55;
	v44 =	vperm.xlane v21, v2;
	v24 =	vadd.f32 v41, v38  }
0x9c: {  	v22 =	vadd.f32 v42, v22;
	v25 =	vadd.f32 v45, v25;
	v46 =	vperm.xlane v23, v2  }
0x9d: {  	v26 =	vadd.f32 v49, v26;
	v21 =	vadd.f32 v44, v21;
	v47 =	vperm.xlane v24, v2  }
0x9e: {  	v20 =	vsel vm7, v20, v61;
	v48 =	vperm.xlane v22, v3;
	v23 =	vadd.f32 v46, v23  }
0x9f: {  	v50 =	vperm.xlane v25, v2;
	v30 =	vperm.xlane v21, v3;
	v24 =	vadd.f32 v47, v24  }
0xa0: {  	v20 =	vsel vm8, v20, v32;
	v22 =	vadd.f32 v48, v22;
	v51 =	vperm.xlane v23, v3  }
0xa1: {  	v25 =	vadd.f32 v50, v25;
	v21 =	vadd.f32 v30, v21;
	v52 =	vperm.xlane v24, v3  }
0xa2: {  	v54 =	vperm.xlane v26, v3;
	v53 =	vperm.xlane v22, v4;
	v23 =	vadd.f32 v51, v23  }
0xa3: {  	v55 =	vperm.xlane v25, v3;
	v30 =	vperm.xlane v21, v4;
	v24 =	vadd.f32 v52, v24  }
0xa4: {  	v26 =	vadd.f32 v54, v26;
	v22 =	vadd.f32 v53, v22;
	v56 =	vperm.xlane v23, v4  }
0xa5: {  	v25 =	vadd.f32 v55, v25;
	v21 =	vadd.f32 v30, v21;
	v57 =	vperm.xlane v24, v4  }
0xa6: {  	s20 =	sadd.s32 $0x40, s20;
	v59 =	vperm.xlane v26, v4;
	v20 =	vsel vm9, v20, v22;
	v58 =	vadd.f32 v56, v23  }
0xa7: {  	p0 =	sne.s32 s20, $0x800;
	v61 =	vperm.xlane v25, v4;
	v20 =	vsel vm10, v20, v21;
	v60 =	vadd.f32 v57, v24  }
.Ltmp3:
0xa8: {  	v62 =	vadd.f32 v59, v26;
	v20 =	vsel vm11, v20, v58;
	(pc) =	sbr.rel @!p0 .LBB2_5-.Ltmp3, $4  }
0xa9: {  	v63 =	vadd.f32 v61, v25;
	v20 =	vsel vm12, v20, v60  }
0xaa: {  	v20 =	vsel vm13, v20, v62  }
0xab: {  	v20 =	vsel vm14, v20, v63  }
0xac: {  	[tilespmem:s21+$0x10400] =	vst v20  }
.LBB2_2:
0xad: {  	s21 =	sshra.s32 s20, $0x2  }
0xae: {  	v20 =	vld [tilespmem:s21+$0x0];
	_ =	sdelay $0x1  }
0xaf: {  	v21 =	vld [tilespmem:s21+$0x200];
	_ =	sdelay $0x2  }
0xb0: {  	(v2sf) =	vpush v20, $0x8;
	_ =	sdelay $0x1  }
0xb1: {  	(v2sf) =	vpush v21, $0x8;
	_ =	sdelay $0x2  }
0xb2: {  	(v2sf) =	vpush v20, $0x9;
	_ =	sdelay $0x2  }
0xb3: {  	(v2sf) =	vpush v21, $0x9;
	_ =	sdelay $0x6  }
0xb4: {  	s22 =	spop (v2sf);
	(v2sf) =	vpush v20, $0xA;
	_ =	sdelay $0x1  }
0xb5: {  	s22 =	sand.u32 $0xFFFFF80, s22;
	s24 =	spop (v2sf);
	(v2sf) =	vpush v21, $0xA  }
0xb6: {  	s22 =	sadd.s32 s0, s22  }
0xb7: {  	[tilespmem:s29], [sflag:$0x1] =	stream.strided.gather [hbm4b:s22+s12], $0x800, s11, s12, $0x38;
	[tilespmem:$0x10600] =	vst v63  }
0xb8: {  	s22 =	sand.u32 $0xFFFFF80, s24;
	s24 =	spop (v2sf);
	(v2sf) =	vpush v20, $0xB  }
0xb9: {  	s22 =	sadd.s32 s2, s22  }
0xba: {  	[tilespmem:s30], [sflag:$0x2] =	stream.strided.gather [hbm4b:s22+s12], $0x800, s11, s12, $0x38;
	[tilespmem:$0x10600] =	vst v63  }
0xbb: {  	s22 =	sand.u32 $0xFFFFF80, s24;
	s24 =	spop (v2sf);
	(v2sf) =	vpush v21, $0xB;
	_ =	sdelay $0x3  }
0xbc: {  	s22 =	sadd.s32 s0, s22  }
0xbd: {  	[tilespmem:s31], [sflag:$0x1] =	stream.strided.gather [hbm4b:s22+s12], $0x800, s11, s12, $0x38;
	[tilespmem:$0x10600] =	vst v63  }
0xbe: {  	s22 =	sand.u32 $0xFFFFF80, s24  }
0xbf: {  	s22 =	sadd.s32 s2, s22;
	s24 =	spop (v2sf);
	(v2sf) =	vpush v20, $0xC  }
0xc0: {  	[tilespmem:s3], [sflag:$0x2] =	stream.strided.gather [hbm4b:s22+s12], $0x800, s11, s12, $0x38;
	[tilespmem:$0x10600] =	vst v63  }
0xc1: {  	s22 =	sand.u32 $0xFFFFF80, s24;
	s24 =	spop (v2sf);
	(v2sf) =	vpush v21, $0xC  }
0xc2: {  	s22 =	sadd.s32 s0, s22  }
0xc3: {  	[tilespmem:s1], [sflag:$0x1] =	stream.strided.gather [hbm4b:s22+s12], $0x800, s11, s12, $0x38;
	[tilespmem:$0x10600] =	vst v63  }
0xc4: {  	s22 =	sand.u32 $0xFFFFF80, s24;
	s24 =	spop (v2sf);
	(v2sf) =	vpush v20, $0xD  }
0xc5: {  	s22 =	sadd.s32 s2, s22  }
0xc6: {  	[tilespmem:s10], [sflag:$0x2] =	stream.strided.gather [hbm4b:s22+s12], $0x800, s11, s12, $0x38;
	[tilespmem:$0x10600] =	vst v63  }
0xc7: {  	s22 =	sand.u32 $0xFFFFF80, s24;
	s24 =	spop (v2sf);
	(v2sf) =	vpush v21, $0xD;
	_ =	sdelay $0x3  }
0xc8: {  	s22 =	sadd.s32 s0, s22  }
0xc9: {  	[tilespmem:s5], [sflag:$0x1] =	stream.strided.gather [hbm4b:s22+s12], $0x800, s11, s12, $0x38;
	[tilespmem:$0x10600] =	vst v63  }
0xca: {  	s22 =	sand.u32 $0xFFFFF80, s24  }
0xcb: {  	s22 =	sadd.s32 s2, s22;
	s24 =	spop (v2sf);
	(v2sf) =	vpush v20, $0xE  }
0xcc: {  	[tilespmem:s6], [sflag:$0x2] =	stream.strided.gather [hbm4b:s22+s12], $0x800, s11, s12, $0x38;
	[tilespmem:$0x10600] =	vst v63  }
0xcd: {  	s22 =	sand.u32 $0xFFFFF80, s24;
	s24 =	spop (v2sf);
	(v2sf) =	vpush v21, $0xE  }
0xce: {  	s22 =	sadd.s32 s0, s22  }
0xcf: {  	[tilespmem:s7], [sflag:$0x1] =	stream.strided.gather [hbm4b:s22+s12], $0x800, s11, s12, $0x38;
	[tilespmem:$0x10600] =	vst v63  }
0xd0: {  	s22 =	sand.u32 $0xFFFFF80, s24;
	s24 =	spop (v2sf);
	(v2sf) =	vpush v20, $0xF  }
0xd1: {  	s22 =	sadd.s32 s2, s22  }
0xd2: {  	[tilespmem:s8], [sflag:$0x2] =	stream.strided.gather [hbm4b:s22+s12], $0x800, s11, s12, $0x38;
	[tilespmem:$0x10600] =	vst v63  }
0xd3: {  	s22 =	sand.u32 $0xFFFFF80, s24;
	s24 =	spop (v2sf);
	(v2sf) =	vpush v21, $0xF;
	_ =	sdelay $0x1  }
0xd4: {  	s22 =	sadd.s32 s0, s22  }
0xd5: {  	[tilespmem:s4], [sflag:$0x1] =	stream.strided.gather [hbm4b:s22+s12], $0x800, s11, s12, $0x38;
	[tilespmem:$0x10600] =	vst v63  }
0xd6: {  	s22 =	sand.u32 $0xFFFFF80, s24  }
0xd7: {  	s22 =	sadd.s32 s2, s22  }
0xd8: {  	[tilespmem:s9], [sflag:$0x2] =	stream.strided.gather [hbm4b:s22+s12], $0x800, s11, s12, $0x38;
	[tilespmem:$0x10600] =	vst v63  }
0xd9: {  	s24 =	spop (v2sf)  }
0xda: {  	s22 =	sand.u32 $0xFFFFF80, s24  }
0xdb: {  	s24 =	spop (v2sf);
	s22 =	sadd.s32 s0, s22  }
0xdc: {  	[tilespmem:s14], [sflag:$0x1] =	stream.strided.gather [hbm4b:s22+s12], $0x800, s11, s12, $0x38;
	[tilespmem:$0x10600] =	vst v63  }
0xdd: {  	s22 =	sand.u32 $0xFFFFF80, s24  }
0xde: {  	s24 =	spop (v2sf);
	s22 =	sadd.s32 s2, s22  }
0xdf: {  	[tilespmem:s15], [sflag:$0x2] =	stream.strided.gather [hbm4b:s22+s12], $0x800, s11, s12, $0x38;
	[tilespmem:$0x10600] =	vst v63  }
0xe0: {  	s22 =	sand.u32 $0xFFFFF80, s24  }
0xe1: {  	s24 =	spop (v2sf);
	s22 =	sadd.s32 s0, s22  }
0xe2: {  	[tilespmem:s16], [sflag:$0x1] =	stream.strided.gather [hbm4b:s22+s12], $0x800, s11, s12, $0x38;
	[tilespmem:$0x10600] =	vst v63  }
0xe3: {  	s22 =	sand.u32 $0xFFFFF80, s24  }
0xe4: {  	s22 =	sadd.s32 s2, s22  }
0xe5: {  	[tilespmem:s17], [sflag:$0x2] =	stream.strided.gather [hbm4b:s22+s12], $0x800, s11, s12, $0x38;
	[tilespmem:$0x10600] =	vst v63  }
0xe6: {  	_ =	swait.ge [sflag:s18], $0x4000  }
0xe7: {  	[sflag:s18] =	ssyncset.done $0x0  }
0xe8: {  	[sflag:s18] =	ssyncadd.s32 $0xFFFFC000  }
0xe9: {  	_ =	swait.ge [sflag:s19], $0x4000  }
0xea: {  	[sflag:s19] =	ssyncset.done $0x0  }
0xeb: {  	[sflag:s19] =	ssyncadd.s32 $0xFFFFC000  }
0xec: {  	v20 =	vld [tilespmem:s21+$0x0]  }
0xed: {  	v21 =	vld [tilespmem:s21+$0x200];
	_ =	sdelay $0x3  }
0xee: {  	v20 =	vand.u32 $0x7F, v20  }
0xef: {  	v21 =	vand.u32 $0x7F, v21;
	v22 =	vbroadcast v20, $0x0  }
0xf0: {  	v23 =	vbroadcast v21, $0x0  }
0xf1: {  	v24 =	vbroadcast v20, $0x1;
	v22 =	vor.u32 v0, v22  }
0xf2: {  	v25 =	vbroadcast v21, $0x1;
	v23 =	vor.u32 v0, v23  }
0xf3: {  	v26 =	vbroadcast v20, $0x2;
	v24 =	vor.u32 v5, v24  }
0xf4: {  	v25 =	vor.u32 v5, v25  }
0xf5: {  	v27 =	vbroadcast v21, $0x2;
	v26 =	vor.u32 v6, v26  }
0xf6: {  	v28 =	vbroadcast v20, $0x3;
	v30 =	vld.idx.msk [tilespmem:v22+s12+$0x0], $0xffff  }
0xf7: {  	v22 =	vor.u32 v6, v27;
	v27 =	vbroadcast v21, $0x3;
	v31 =	vld.idx.msk [tilespmem:v23+s13+$0x0], $0xffff  }
0xf8: {  	v23 =	vor.u32 v7, v28;
	v28 =	vbroadcast v20, $0x4;
	v32 =	vld.idx.msk [tilespmem:v24+s12+$0x0], $0xffff  }
0xf9: {  	v37 =	vbroadcast v21, $0x6;
	v34 =	vld.idx.msk [tilespmem:v25+s13+$0x0], $0xffff;
	v24 =	vor.u32 v7, v27;
	v27 =	vbroadcast v21, $0x4  }
0xfa: {  	v33 =	vld.idx.msk [tilespmem:v26+s12+$0x0], $0xffff;
	v26 =	vbroadcast v21, $0x5;
	v25 =	vor.u32 v8, v28;
	v21 =	vbroadcast v21, $0x7  }
0xfb: {  	v28 =	vbroadcast v20, $0x5;
	v36 =	vor.u32 v8, v27  }
0xfc: {  	v21 =	vor.u32 v11, v21;
	v35 =	vld.idx.msk [tilespmem:v22+s13+$0x0], $0xffff  }
0xfd: {  	v22 =	vor.u32 v9, v28;
	v27 =	vld.idx.msk [tilespmem:v23+s12+$0x0], $0xffff  }
0xfe: {  	v28 =	vbroadcast v20, $0x6;
	v23 =	vor.u32 v9, v26;
	v29 =	vld.idx.msk [tilespmem:v24+s13+$0x0], $0xffff  }
0xff: {  	v37 =	vor.u32 v10, v37;
	v20 =	vbroadcast v20, $0x7;
	v26 =	vld.idx.msk [tilespmem:v25+s12+$0x0], $0xffff  }
0x100: {  	v38 =	vor.u32 v10, v28;
	v28 =	vld.idx.msk [tilespmem:v36+s13+$0x0], $0xffff  }
0x101: {  	p0 =	seq.s32 s20, $0x7C0;
	v20 =	vor.u32 v11, v20;
	v21 =	vld.idx.msk [tilespmem:v21+s13+$0x0], $0xffff  }
.Ltmp4:
0x102: {  	v24 =	vld.idx.msk [tilespmem:v22+s12+$0x0], $0xffff;
	(pc) =	sbr.rel @p0 .LBB2_4-.Ltmp4, $4  }
0x103: {  	v25 =	vld.idx.msk [tilespmem:v23+s13+$0x0], $0xffff  }
0x104: {  	v23 =	vld.idx.msk [tilespmem:v37+s13+$0x0], $0xffff  }
0x105: {  	v22 =	vld.idx.msk [tilespmem:v38+s12+$0x0], $0xffff  }
0x106: {  	v20 =	vld.idx.msk [tilespmem:v20+s12+$0x0], $0xffff  }
0x107: {  	v36 =	vld [tilespmem:s21+$0x10];
	_ =	sdelay $0x3  }
0x108: {  	v37 =	vld [tilespmem:s21+$0x210]  }
0x109: {  	(v2sf) =	vpush v36, $0x0;
	_ =	sdelay $0x3  }
0x10a: {  	(v2sf) =	vpush v37, $0x0;
	_ =	sdelay $0x2  }
0x10b: {  	(v2sf) =	vpush v36, $0x1;
	_ =	sdelay $0x2  }
0x10c: {  	(v2sf) =	vpush v37, $0x1;
	_ =	sdelay $0x4  }
0x10d: {  	s22 =	spop (v2sf);
	(v2sf) =	vpush v36, $0x2;
	_ =	sdelay $0x2  }
0x10e: {  	s22 =	sand.u32 $0xFFFFF80, s22  }
0x10f: {  	s24 =	spop (v2sf);
	(v2sf) =	vpush v37, $0x2;
	s22 =	sadd.s32 s0, s22  }
0x110: {  	[tilespmem:s12], [sflag:$0x1] =	stream.strided.gather [hbm4b:s22+s12], $0x800, s11, s12, $0x38;
	[tilespmem:$0x10600] =	vst v63  }
0x111: {  	s22 =	sand.u32 $0xFFFFF80, s24  }
0x112: {  	s24 =	spop (v2sf);
	s22 =	sadd.s32 s2, s22  }
0x113: {  	(v2sf) =	vpush v36, $0x3;
	[tilespmem:s13], [sflag:$0x2] =	stream.strided.gather [hbm4b:s22+s12], $0x800, s11, s12, $0x38;
	[tilespmem:$0x10600] =	vst v63  }
0x114: {  	s22 =	sand.u32 $0xFFFFF80, s24  }
0x115: {  	s24 =	spop (v2sf);
	s22 =	sadd.s32 s0, s22  }
0x116: {  	[tilespmem:s23], [sflag:$0x1] =	stream.strided.gather [hbm4b:s22+s12], $0x800, s11, s12, $0x38;
	[tilespmem:$0x10600] =	vst v63  }
0x117: {  	(v2sf) =	vpush v37, $0x3;
	s22 =	sand.u32 $0xFFFFF80, s24  }
0x118: {  	s24 =	simm.s32 $0x8C00;
	s22 =	sadd.s32 s2, s22  }
0x119: {  	[tilespmem:s24], [sflag:$0x2] =	stream.strided.gather [hbm4b:s22+s12], $0x800, s11, s12, $0x38;
	[tilespmem:$0x10600] =	vst v63  }
0x11a: {  	s24 =	spop (v2sf)  }
0x11b: {  	(v2sf) =	vpush v36, $0x4;
	s22 =	sand.u32 $0xFFFFF80, s24  }
0x11c: {  	s24 =	simm.s32 $0x1400;
	s22 =	sadd.s32 s0, s22  }
0x11d: {  	[tilespmem:s24], [sflag:$0x1] =	stream.strided.gather [hbm4b:s22+s12], $0x800, s11, s12, $0x38;
	[tilespmem:$0x10600] =	vst v63  }
0x11e: {  	s24 =	spop (v2sf)  }
0x11f: {  	(v2sf) =	vpush v37, $0x4;
	s22 =	sand.u32 $0xFFFFF80, s24  }
0x120: {  	s24 =	simm.s32 $0x9400;
	s22 =	sadd.s32 s2, s22  }
0x121: {  	[tilespmem:s24], [sflag:$0x2] =	stream.strided.gather [hbm4b:s22+s12], $0x800, s11, s12, $0x38;
	[tilespmem:$0x10600] =	vst v63  }
0x122: {  	s24 =	spop (v2sf)  }
0x123: {  	(v2sf) =	vpush v36, $0x5;
	s22 =	sand.u32 $0xFFFFF80, s24  }
0x124: {  	s24 =	simm.s32 $0x1C00;
	s22 =	sadd.s32 s0, s22  }
0x125: {  	[tilespmem:s24], [sflag:$0x1] =	stream.strided.gather [hbm4b:s22+s12], $0x800, s11, s12, $0x38;
	[tilespmem:$0x10600] =	vst v63  }
0x126: {  	s24 =	spop (v2sf)  }
0x127: {  	(v2sf) =	vpush v37, $0x5;
	s22 =	sand.u32 $0xFFFFF80, s24  }
0x128: {  	s24 =	simm.s32 $0x9C00;
	s22 =	sadd.s32 s2, s22  }
0x129: {  	[tilespmem:s24], [sflag:$0x2] =	stream.strided.gather [hbm4b:s22+s12], $0x800, s11, s12, $0x38;
	[tilespmem:$0x10600] =	vst v63  }
0x12a: {  	s24 =	spop (v2sf)  }
0x12b: {  	(v2sf) =	vpush v36, $0x6;
	s22 =	sand.u32 $0xFFFFF80, s24  }
0x12c: {  	s24 =	simm.s32 $0x2400;
	s22 =	sadd.s32 s0, s22  }
0x12d: {  	[tilespmem:s24], [sflag:$0x1] =	stream.strided.gather [hbm4b:s22+s12], $0x800, s11, s12, $0x38;
	[tilespmem:$0x10600] =	vst v63  }
0x12e: {  	s24 =	spop (v2sf)  }
0x12f: {  	(v2sf) =	vpush v37, $0x6;
	s22 =	sand.u32 $0xFFFFF80, s24  }
0x130: {  	s24 =	simm.s32 $0xA400;
	s22 =	sadd.s32 s2, s22  }
0x131: {  	[tilespmem:s24], [sflag:$0x2] =	stream.strided.gather [hbm4b:s22+s12], $0x800, s11, s12, $0x38;
	[tilespmem:$0x10600] =	vst v63  }
0x132: {  	s24 =	spop (v2sf)  }
0x133: {  	(v2sf) =	vpush v36, $0x7;
	s22 =	sand.u32 $0xFFFFF80, s24  }
0x134: {  	s24 =	simm.s32 $0x2C00;
	s22 =	sadd.s32 s0, s22  }
0x135: {  	[tilespmem:s24], [sflag:$0x1] =	stream.strided.gather [hbm4b:s22+s12], $0x800, s11, s12, $0x38;
	[tilespmem:$0x10600] =	vst v63  }
0x136: {  	s24 =	spop (v2sf)  }
0x137: {  	s22 =	sand.u32 $0xFFFFF80, s24  }
0x138: {  	(v2sf) =	vpush v37, $0x7;
	s24 =	simm.s32 $0xAC00;
	s22 =	sadd.s32 s2, s22  }
0x139: {  	[tilespmem:s24], [sflag:$0x2] =	stream.strided.gather [hbm4b:s22+s12], $0x800, s11, s12, $0x38;
	[tilespmem:$0x10600] =	vst v63  }
0x13a: {  	s24 =	spop (v2sf)  }
0x13b: {  	s22 =	sand.u32 $0xFFFFF80, s24  }
0x13c: {  	s24 =	simm.s32 $0x3400;
	s22 =	sadd.s32 s0, s22  }
0x13d: {  	[tilespmem:s24], [sflag:$0x1] =	stream.strided.gather [hbm4b:s22+s12], $0x800, s11, s12, $0x38;
	[tilespmem:$0x10600] =	vst v63  }
0x13e: {  	s24 =	spop (v2sf)  }
0x13f: {  	s22 =	sand.u32 $0xFFFFF80, s24  }
0x140: {  	s22 =	sadd.s32 s2, s22  }
0x141: {  	[tilespmem:s25], [sflag:$0x2] =	stream.strided.gather [hbm4b:s22+s12], $0x800, s11, s12, $0x38;
	[tilespmem:$0x10600] =	vst v63  }
0x142: {  	s24 =	spop (v2sf)  }
0x143: {  	s22 =	sand.u32 $0xFFFFF80, s24  }
0x144: {  	s22 =	sadd.s32 s0, s22  }
0x145: {  	[tilespmem:s26], [sflag:$0x1] =	stream.strided.gather [hbm4b:s22+s12], $0x800, s11, s12, $0x38;
	[tilespmem:$0x10600] =	vst v63  }
.Ltmp5:
0x146: {  	_ = 	snop;
	(pc) =	sbr.rel .LBB2_4-.Ltmp5, $4  }
0x147: {  	s24 =	spop (v2sf)  }
0x148: {  	s22 =	sand.u32 $0xFFFFF80, s24  }
0x149: {  	s22 =	sadd.s32 s2, s22  }
0x14a: {  	[tilespmem:s28], [sflag:$0x2] =	stream.strided.gather [hbm4b:s22+s12], $0x800, s11, s12, $0x38;
	[tilespmem:$0x10600] =	vst v63  }
.LBB2_6:
0x14b: {  	_ =	sfence.sel $0x180000  }
0x14c: {  	[bflag:$0x0] =	sbarrier.arrive $0xFFFF  }
0x14d: {  	_ =	strace $0x90000047  }
0x14e: {  	s0 =	stileid.u32;
	[bflag:$0x2] =	sbarrier.arrive $0xFFFF  }
0x14f: {  	p0 =	sne.s32 s0, $0x0;
	s0 =	rddreg [dreg:$0x4]  }
0x150: {  	s0 =	sadd.s32 @!p0 $0x100000, s0  }
0x151: {  	[sflag:s0] =	ssyncadd.tile.s32 @!p0 $0x1;
	_ =	shalt  }
.Lfunc_end2:
_tile_overlayer_lowered:
.L_overlay_start_2:
0x152: {  	(tag) =	ssettag $0x2  }
0x153: {  	s0 =	rddreg [dreg:$0x0];
	s2 =	stileid.u32  }
0x154: {  	s1 =	rddreg [dreg:$0x1];
	p0 =	sne.s32 s2, $0x0  }
0x155: {  	s3 =	rddreg [dreg:$0x2];
	[bflag:$0x3] =	sbarrier.arrive $0xFFFF;
	s2 =	simm.s32 @!p0 $0x1C03  }
0x156: {  	[timem:s3], [sflag:s2] =	dma.local @!p0 [hbm:s0], s1  }
0x157: {  	s0 =	simm.s32 @!p0 $0x3  }
0x158: {  	_ =	swait.ge @!p0 [sflag:s0], s1  }
0x159: {  	s1 =	ssub.s32 @!p0 $0x0, s1;
	[sflag:s0] =	ssyncset.done @!p0 $0x0  }
0x15a: {  	[sflag:s0] =	ssyncadd.s32 @!p0 s1  }
0x15b: {  	[bflag:$0x3] =	sbarrier.arrive $0xFFFF  }
0x15c: {  	_ =	shalt  }

</sc_bundles>
